<compile_context>
chip_gen: v7x
topology: tpu7x:2x2x1
jax: 0.10.2.dev20260603
libtpu: 0.0.44.dev20260713+nightly
codegen_flags: <defaults>
</compile_context>

<pallas_src>
import jax
import jax.numpy as jnp
from jax import lax
from jax.experimental import pallas as pl
from jax.experimental.pallas import tpu as pltpu
from jax.experimental.pallas import tpu_sc as plsc

_NCODES = 1024
_HW = 1024
_D = 64
_NIMG = 16
_NELEM = float(_NIMG * _HW * _D)
_NW = 32
_PPW = (_NIMG * _HW) // _NW
_LANES = 16


def _vq_body(z_ref, en_ref, embm2_ref, idx_ref, loss_ref):
    n = pl.program_id(0)
    z2d = z_ref[0]
    zn = jnp.sum(z2d * z2d, axis=0, keepdims=True)
    en = en_ref[...]
    dotm2 = lax.dot_general(
        embm2_ref[...], z2d, (((1,), (0,)), ((), ())),
        preferred_element_type=jnp.float32,
    )
    dist = (zn + en) + dotm2
    m = jnp.min(dist, axis=0, keepdims=True)
    kio = lax.broadcasted_iota(jnp.int32, (_NCODES, _HW), 0)
    idx = jnp.min(jnp.where(dist == m, kio, _NCODES), axis=0, keepdims=True)
    idx_ref[0] = idx
    part = jnp.sum(m, keepdims=True).reshape(1, 1)
    prev = jnp.where(n == 0, jnp.zeros((1, 1), jnp.float32), loss_ref[...])
    total = prev + part
    loss_ref[...] = jnp.where(n == _NIMG - 1, total / _NELEM, total)


def _gather_body(emb_hbm, idx_hbm, zq_hbm, emb_v, idx_v, out_v):
    wid = lax.axis_index("s") * 2 + lax.axis_index("c")
    img = wid // 2
    p0 = (wid % 2) * _PPW
    pltpu.sync_copy(emb_hbm, emb_v)
    pltpu.sync_copy(idx_hbm.at[img, 0, pl.ds(p0, _PPW)], idx_v)

    @plsc.parallel_loop(0, _PPW // _LANES, unroll=2)
    def _gather_loop(g):
        s = g * _LANES
        idxv = idx_v[pl.ds(s, _LANES)]
        for c in range(_D):
            out_v[c, pl.ds(s, _LANES)] = plsc.load_gather(
                emb_v, [idxv + c * _NCODES])

    pltpu.sync_copy(out_v, zq_hbm.at[img, :, pl.ds(p0, _PPW)])


def _sc_gather(embT_flat, idx3):
    f = pl.kernel(
        _gather_body,
        out_type=jax.ShapeDtypeStruct((_NIMG, _D, _HW), jnp.float32),
        mesh=plsc.VectorSubcoreMesh(
            core_axis_name="c", subcore_axis_name="s",
            num_cores=2, num_subcores=16,
        ),
        scratch_types=[
            pltpu.VMEM((_NCODES * _D,), jnp.float32),
            pltpu.VMEM((_PPW,), jnp.int32),
            pltpu.VMEM((_D, _PPW), jnp.float32),
        ],
        compiler_params=pltpu.CompilerParams(needs_layout_passes=False),
    )
    return f(embT_flat, idx3)


def kernel(z_e, embedding):
    z_r = z_e.reshape(_NIMG, _D, _HW)
    en_in = jnp.sum(embedding**2, axis=1, keepdims=True)
    embm2 = embedding * -2.0
    idx3, loss = pl.pallas_call(
        _vq_body,
        grid=(_NIMG,),
        in_specs=[
            pl.BlockSpec((1, _D, _HW), lambda n: (n, 0, 0)),
            pl.BlockSpec((_NCODES, 1), lambda n: (0, 0)),
            pl.BlockSpec((_NCODES, _D), lambda n: (0, 0)),
        ],
        out_specs=(
            pl.BlockSpec((1, 1, _HW), lambda n: (n, 0, 0)),
            pl.BlockSpec((1, 1), lambda n: (0, 0)),
        ),
        out_shape=(
            jax.ShapeDtypeStruct((_NIMG, 1, _HW), jnp.int32),
            jax.ShapeDtypeStruct((1, 1), jnp.float32),
        ),
    )(z_r, en_in, embm2)
    zq = _sc_gather(embedding.T.reshape(_D * _NCODES), idx3)
    z_q = zq.reshape(_NIMG, _D, 32, 32)
    indices = idx3.reshape(_NIMG, 32, 32)
    return (z_q, loss[0, 0], indices)

# --- scband reference (transcript-rebuilt; emitter-appended) ---
"""Pipeline reference for scband-vector-quantizer-4346506903728 (READ-ONLY COPY).

The authoritative reference and input builder live on the scoring server;
editing this copy changes nothing except your own understanding.
"""

import jax, jax.numpy as jnp
import numpy as np

K = 1024
D = 64

def setup_inputs(seed: int = 0) -> dict:
    key = jax.random.key(seed)
    k1, k2 = jax.random.split(key)
    z_e = jax.random.normal(k1, (16, 64, 32, 32), dtype=jnp.float32)
    # embedding initialized uniform(-1/K, 1/K) as in the torch module
    embedding = jax.random.uniform(k2, (K, D), dtype=jnp.float32, minval=-1.0 / K, maxval=1.0 / K)
    return {"z_e": z_e, "embedding": embedding}

def reference(z_e, embedding):
    N, Dc, H, W = z_e.shape
    z_e_flat = jnp.transpose(z_e, (0, 2, 3, 1)).reshape(-1, Dc)
    z_e_norm_sq = jnp.sum(z_e_flat ** 2, axis=1, keepdims=True)
    e_norm_sq = jnp.sum(embedding ** 2, axis=1)
    e_dot_z = jnp.matmul(z_e_flat, embedding.T)
    distances = z_e_norm_sq + e_norm_sq - 2.0 * e_dot_z
    indices = jnp.argmin(distances, axis=1)
    z_q_flat = jnp.take(embedding, indices, axis=0)
    vq_loss = jnp.mean((jax.lax.stop_gradient(z_e_flat) - z_q_flat) ** 2)
    z_q_flat_st = z_e_flat + jax.lax.stop_gradient(z_q_flat - z_e_flat)
    z_q = jnp.transpose(z_q_flat_st.reshape(N, H, W, Dc), (0, 3, 1, 2))
    return (z_q, vq_loss, indices.reshape(N, H, W))

if __name__ == "__main__":
    import jax
    _d = setup_inputs()
    print(jax.jit(kernel)(*tuple(_d.values())))

</pallas_src>

<mosaic_0001>
#map = affine_map<(d0, d1) -> (0)>
#map1 = affine_map<(d0, d1) -> (0, 0, 0)>
module attributes {stable_mosaic.version = 14 : i64} {
  func.func @_gather_body(%arg0: i32, %arg1: i32, %arg2: memref<65536xf32, #tpu.memory_space<hbm>>, %arg3: memref<16x1x1024xi32, #tpu.memory_space<hbm>>, %arg4: memref<16x64x1024xf32, #tpu.memory_space<hbm>>, %arg5: memref<65536xf32, #tpu.memory_space<vmem>>, %arg6: memref<512xi32, #tpu.memory_space<vmem>>, %arg7: memref<64x512xf32, #tpu.memory_space<vmem>>) attributes {dimension_semantics = [#tpu.dimension_semantics<core_parallel>, #tpu.dimension_semantics<subcore_parallel>], iteration_bounds = array<i64: 2, 16>, scalar_prefetch = 0 : i64, scratch_operands = 3 : i64, tpu.core_type = #tpu.core_type<sc_vector_subcore>, window_params = [{transform_indices = #map}, {transform_indices = #map1}, {transform_indices = #map1}]} {
    %mul3A = arith.constant 2 : i32
    %mul3A_0 = arith.muli %arg1, %mul3A : i32
    %add3A = arith.addi %mul3A_0, %arg0 : i32
    %jit3A = arith.constant 2 : i32
    %div3A = arith.divsi %add3A, %jit3A : i32
    %sign3A = arith.constant 0 : i32
    %sign3A_1 = arith.cmpi sgt, %add3A, %sign3A : i32
    %sign3A_2 = arith.extui %sign3A_1 : i1 to i32
    %sign3A_3 = arith.constant 0 : i32
    %sign3A_4 = arith.cmpi slt, %add3A, %sign3A_3 : i32
    %sign3A_5 = arith.extui %sign3A_4 : i1 to i32
    %sign3A_6 = arith.subi %sign3A_2, %sign3A_5 : i32
    %sign3A_7 = arith.constant 0 : i32
    %sign3A_8 = arith.cmpi sgt, %jit3A, %sign3A_7 : i32
    %sign3A_9 = arith.extui %sign3A_8 : i1 to i32
    %sign3A_10 = arith.constant 0 : i32
    %sign3A_11 = arith.cmpi slt, %jit3A, %sign3A_10 : i32
    %sign3A_12 = arith.extui %sign3A_11 : i1 to i32
    %sign3A_13 = arith.subi %sign3A_9, %sign3A_12 : i32
    %ne3A = arith.cmpi ne, %sign3A_6, %sign3A_13 : i32
    %rem3A = arith.remsi %add3A, %jit3A : i32
    %ne3A_14 = arith.constant 0 : i32
    %ne3A_15 = arith.cmpi ne, %rem3A, %ne3A_14 : i32
    %and3A = arith.andi %ne3A, %ne3A_15 : i1
    %sub3A = arith.constant 1 : i32
    %sub3A_16 = arith.subi %div3A, %sub3A : i32
    %select_n3A = arith.select %and3A, %sub3A_16, %div3A : i32
    %jit3A_17 = arith.constant 2 : i32
    %eq3A = arith.constant 0 : i32
    %eq3A_18 = arith.cmpi eq, %jit3A_17, %eq3A : i32
    %jit3A_19 = arith.constant 1 : i32
    %select_n3A_20 = arith.select %eq3A_18, %jit3A_19, %jit3A_17 : i32
    %rem3A_21 = arith.remsi %add3A, %select_n3A_20 : i32
    %ne3A_22 = arith.constant 0 : i32
    %ne3A_23 = arith.cmpi ne, %rem3A_21, %ne3A_22 : i32
    %lt3A = arith.constant 0 : i32
    %lt3A_24 = arith.cmpi slt, %rem3A_21, %lt3A : i32
    %lt3A_25 = arith.constant 0 : i32
    %lt3A_26 = arith.cmpi slt, %select_n3A_20, %lt3A_25 : i32
    %ne3A_27 = arith.xori %lt3A_24, %lt3A_26 : i1
    %and3A_28 = arith.andi %ne3A_27, %ne3A_23 : i1
    %add3A_29 = arith.addi %rem3A_21, %select_n3A_20 : i32
    %select_n3A_30 = arith.select %and3A_28, %add3A_29, %rem3A_21 : i32
    %mul3A_31 = arith.constant 512 : i32
    %mul3A_32 = arith.muli %select_n3A_30, %mul3A_31 : i32
    "tpu.region"() ({
      %run_scoped3A_35 = tpu.sem_alloc : memref<!tpu.dma_semaphore, #tpu.memory_space<semaphore_mem>>
      tpu.enqueue_dma source(%arg2 : memref<65536xf32, #tpu.memory_space<hbm>>) target(%arg5 : memref<65536xf32, #tpu.memory_space<vmem>>) target_semaphore(%run_scoped3A_35 : memref<!tpu.dma_semaphore, #tpu.memory_space<semaphore_mem>>)
      tpu.wait_dma2 semaphore(%run_scoped3A_35 : memref<!tpu.dma_semaphore, #tpu.memory_space<semaphore_mem>>) src(%arg2 : memref<65536xf32, #tpu.memory_space<hbm>>) dst(%arg5 : memref<65536xf32, #tpu.memory_space<vmem>>)
      tpu.yield
    }) : () -> ()
    %run_scoped3A = arith.constant 0 : i32
    "tpu.region"() ({
      %run_scoped3A_35 = tpu.sem_alloc : memref<!tpu.dma_semaphore, #tpu.memory_space<semaphore_mem>>
      %dma_start3A = tpu.memref_slice %arg3[%select_n3A, %run_scoped3A, %mul3A_32] : memref<16x1x1024xi32, #tpu.memory_space<hbm>> -> memref<1x1x512xi32, #tpu.memory_space<hbm>>
      %dma_start3A_36 = tpu.memref_squeeze %dma_start3A : memref<1x1x512xi32, #tpu.memory_space<hbm>> -> memref<512xi32, #tpu.memory_space<hbm>>
      %dma_start3A_37 = tpu.memref_slice %arg3[%select_n3A, %run_scoped3A, %mul3A_32] : memref<16x1x1024xi32, #tpu.memory_space<hbm>> -> memref<1x1x512xi32, #tpu.memory_space<hbm>>
      %dma_start3A_38 = tpu.memref_squeeze %dma_start3A_37 : memref<1x1x512xi32, #tpu.memory_space<hbm>> -> memref<512xi32, #tpu.memory_space<hbm>>
      tpu.enqueue_dma source(%dma_start3A_38 : memref<512xi32, #tpu.memory_space<hbm>>) target(%arg6 : memref<512xi32, #tpu.memory_space<vmem>>) target_semaphore(%run_scoped3A_35 : memref<!tpu.dma_semaphore, #tpu.memory_space<semaphore_mem>>)
      %dma_wait3A = tpu.memref_slice %arg3[%select_n3A, %run_scoped3A, %mul3A_32] : memref<16x1x1024xi32, #tpu.memory_space<hbm>> -> memref<1x1x512xi32, #tpu.memory_space<hbm>>
      %dma_wait3A_39 = tpu.memref_squeeze %dma_wait3A : memref<1x1x512xi32, #tpu.memory_space<hbm>> -> memref<512xi32, #tpu.memory_space<hbm>>
      %dma_wait3A_40 = tpu.memref_slice %arg3[%select_n3A, %run_scoped3A, %mul3A_32] : memref<16x1x1024xi32, #tpu.memory_space<hbm>> -> memref<1x1x512xi32, #tpu.memory_space<hbm>>
      %dma_wait3A_41 = tpu.memref_squeeze %dma_wait3A_40 : memref<1x1x512xi32, #tpu.memory_space<hbm>> -> memref<512xi32, #tpu.memory_space<hbm>>
      tpu.wait_dma2 semaphore(%run_scoped3A_35 : memref<!tpu.dma_semaphore, #tpu.memory_space<semaphore_mem>>) src(%dma_wait3A_41 : memref<512xi32, #tpu.memory_space<hbm>>) dst(%arg6 : memref<512xi32, #tpu.memory_space<vmem>>)
      tpu.yield
    }) : () -> ()
    %parallel_loop3A = arith.constant 0 : i32
    %parallel_loop3A_33 = arith.constant 32 : i32
    %parallel_loop3A_34 = arith.constant 1 : i32
    scf.for %parallel_loop3A_35 = %parallel_loop3A to %parallel_loop3A_33 step %parallel_loop3A_34  : i32 {
      %parallel_loop3A_36 = arith.constant 16 : i32
      %parallel_loop3A_37 = arith.muli %parallel_loop3A_35, %parallel_loop3A_36 : i32
      %parallel_loop3A_38 = arith.index_cast %parallel_loop3A_37 : i32 to index
      %parallel_loop3A_39 = tpu.vector_load %arg6[%parallel_loop3A_38] {strides = array<i32>} : memref<512xi32, #tpu.memory_space<vmem>>, vector<16xi32>,
      %parallel_loop3A_40 = arith.constant 0 : i32
      %parallel_loop3A_41 = vector.broadcast %parallel_loop3A_40 : i32 to vector<16xi32>
      %parallel_loop3A_42 = arith.addi %parallel_loop3A_39, %parallel_loop3A_41 : vector<16xi32>
      %parallel_loop3A_43 = tpu.vector_load_idx %arg5[%parallel_loop3A_42] : memref<65536xf32, #tpu.memory_space<vmem>>[vector<16xi32>], vector<16xf32>,
      %parallel_loop3A_44 = arith.constant 0 : i32
      %parallel_loop3A_45 = arith.index_cast %parallel_loop3A_44 : i32 to index
      %parallel_loop3A_46 = arith.index_cast %parallel_loop3A_37 : i32 to index
      %parallel_loop3A_47 = tpu.vector_load %arg7[%parallel_loop3A_45, %parallel_loop3A_46] {strides = array<i32>} : memref<64x512xf32, #tpu.memory_space<vmem>>, vector<16xf32>,
      tpu.vector_store %arg7[%parallel_loop3A_45, %parallel_loop3A_46], %parallel_loop3A_43 {strides = array<i32>} : memref<64x512xf32, #tpu.memory_space<vmem>>, vector<16xf32>,
      %parallel_loop3A_48 = arith.constant 1024 : i32
      %parallel_loop3A_49 = vector.broadcast %parallel_loop3A_48 : i32 to vector<16xi32>
      %parallel_loop3A_50 = arith.addi %parallel_loop3A_39, %parallel_loop3A_49 : vector<16xi32>
      %parallel_loop3A_51 = tpu.vector_load_idx %arg5[%parallel_loop3A_50] : memref<65536xf32, #tpu.memory_space<vmem>>[vector<16xi32>], vector<16xf32>,
      %parallel_loop3A_52 = arith.constant 1 : i32
      %parallel_loop3A_53 = arith.index_cast %parallel_loop3A_52 : i32 to index
      %parallel_loop3A_54 = arith.index_cast %parallel_loop3A_37 : i32 to index
      %parallel_loop3A_55 = tpu.vector_load %arg7[%parallel_loop3A_53, %parallel_loop3A_54] {strides = array<i32>} : memref<64x512xf32, #tpu.memory_space<vmem>>, vector<16xf32>,
      tpu.vector_store %arg7[%parallel_loop3A_53, %parallel_loop3A_54], %parallel_loop3A_51 {strides = array<i32>} : memref<64x512xf32, #tpu.memory_space<vmem>>, vector<16xf32>,
      %parallel_loop3A_56 = arith.constant 2048 : i32
      %parallel_loop3A_57 = vector.broadcast %parallel_loop3A_56 : i32 to vector<16xi32>
      %parallel_loop3A_58 = arith.addi %parallel_loop3A_39, %parallel_loop3A_57 : vector<16xi32>
      %parallel_loop3A_59 = tpu.vector_load_idx %arg5[%parallel_loop3A_58] : memref<65536xf32, #tpu.memory_space<vmem>>[vector<16xi32>], vector<16xf32>,
      %parallel_loop3A_60 = arith.constant 2 : i32
      %parallel_loop3A_61 = arith.index_cast %parallel_loop3A_60 : i32 to index
      %parallel_loop3A_62 = arith.index_cast %parallel_loop3A_37 : i32 to index
      %parallel_loop3A_63 = tpu.vector_load %arg7[%parallel_loop3A_61, %parallel_loop3A_62] {strides = array<i32>} : memref<64x512xf32, #tpu.memory_space<vmem>>, vector<16xf32>,
      tpu.vector_store %arg7[%parallel_loop3A_61, %parallel_loop3A_62], %parallel_loop3A_59 {strides = array<i32>} : memref<64x512xf32, #tpu.memory_space<vmem>>, vector<16xf32>,
      %parallel_loop3A_64 = arith.constant 3072 : i32
      %parallel_loop3A_65 = vector.broadcast %parallel_loop3A_64 : i32 to vector<16xi32>
      %parallel_loop3A_66 = arith.addi %parallel_loop3A_39, %parallel_loop3A_65 : vector<16xi32>
      %parallel_loop3A_67 = tpu.vector_load_idx %arg5[%parallel_loop3A_66] : memref<65536xf32, #tpu.memory_space<vmem>>[vector<16xi32>], vector<16xf32>,
      %parallel_loop3A_68 = arith.constant 3 : i32
      %parallel_loop3A_69 = arith.index_cast %parallel_loop3A_68 : i32 to index
      %parallel_loop3A_70 = arith.index_cast %parallel_loop3A_37 : i32 to index
      %parallel_loop3A_71 = tpu.vector_load %arg7[%parallel_loop3A_69, %parallel_loop3A_70] {strides = array<i32>} : memref<64x512xf32, #tpu.memory_space<vmem>>, vector<16xf32>,
      tpu.vector_store %arg7[%parallel_loop3A_69, %parallel_loop3A_70], %parallel_loop3A_67 {strides = array<i32>} : memref<64x512xf32, #tpu.memory_space<vmem>>, vector<16xf32>,
      %parallel_loop3A_72 = arith.constant 4096 : i32
      %parallel_loop3A_73 = vector.broadcast %parallel_loop3A_72 : i32 to vector<16xi32>
      %parallel_loop3A_74 = arith.addi %parallel_loop3A_39, %parallel_loop3A_73 : vector<16xi32>
      %parallel_loop3A_75 = tpu.vector_load_idx %arg5[%parallel_loop3A_74] : memref<65536xf32, #tpu.memory_space<vmem>>[vector<16xi32>], vector<16xf32>,
      %parallel_loop3A_76 = arith.constant 4 : i32
      %parallel_loop3A_77 = arith.index_cast %parallel_loop3A_76 : i32 to index
      %parallel_loop3A_78 = arith.index_cast %parallel_loop3A_37 : i32 to index
      %parallel_loop3A_79 = tpu.vector_load %arg7[%parallel_loop3A_77, %parallel_loop3A_78] {strides = array<i32>} : memref<64x512xf32, #tpu.memory_space<vmem>>, vector<16xf32>,
      tpu.vector_store %arg7[%parallel_loop3A_77, %parallel_loop3A_78], %parallel_loop3A_75 {strides = array<i32>} : memref<64x512xf32, #tpu.memory_space<vmem>>, vector<16xf32>,
      %parallel_loop3A_80 = arith.constant 5120 : i32
      %parallel_loop3A_81 = vector.broadcast %parallel_loop3A_80 : i32 to vector<16xi32>
      %parallel_loop3A_82 = arith.addi %parallel_loop3A_39, %parallel_loop3A_81 : vector<16xi32>
      %parallel_loop3A_83 = tpu.vector_load_idx %arg5[%parallel_loop3A_82] : memref<65536xf32, #tpu.memory_space<vmem>>[vector<16xi32>], vector<16xf32>,
      %parallel_loop3A_84 = arith.constant 5 : i32
      %parallel_loop3A_85 = arith.index_cast %parallel_loop3A_84 : i32 to index
      %parallel_loop3A_86 = arith.index_cast %parallel_loop3A_37 : i32 to index
      %parallel_loop3A_87 = tpu.vector_load %arg7[%parallel_loop3A_85, %parallel_loop3A_86] {strides = array<i32>} : memref<64x512xf32, #tpu.memory_space<vmem>>, vector<16xf32>,
      tpu.vector_store %arg7[%parallel_loop3A_85, %parallel_loop3A_86], %parallel_loop3A_83 {strides = array<i32>} : memref<64x512xf32, #tpu.memory_space<vmem>>, vector<16xf32>,
      %parallel_loop3A_88 = arith.constant 6144 : i32
      %parallel_loop3A_89 = vector.broadcast %parallel_loop3A_88 : i32 to vector<16xi32>
      %parallel_loop3A_90 = arith.addi %parallel_loop3A_39, %parallel_loop3A_89 : vector<16xi32>
      %parallel_loop3A_91 = tpu.vector_load_idx %arg5[%parallel_loop3A_90] : memref<65536xf32, #tpu.memory_space<vmem>>[vector<16xi32>], vector<16xf32>,
      %parallel_loop3A_92 = arith.constant 6 : i32
      %parallel_loop3A_93 = arith.index_cast %parallel_loop3A_92 : i32 to index
      %parallel_loop3A_94 = arith.index_cast %parallel_loop3A_37 : i32 to index
      %parallel_loop3A_95 = tpu.vector_load %arg7[%parallel_loop3A_93, %parallel_loop3A_94] {strides = array<i32>} : memref<64x512xf32, #tpu.memory_space<vmem>>, vector<16xf32>,
      tpu.vector_store %arg7[%parallel_loop3A_93, %parallel_loop3A_94], %parallel_loop3A_91 {strides = array<i32>} : memref<64x512xf32, #tpu.memory_space<vmem>>, vector<16xf32>,
      %parallel_loop3A_96 = arith.constant 7168 : i32
      %parallel_loop3A_97 = vector.broadcast %parallel_loop3A_96 : i32 to vector<16xi32>
      %parallel_loop3A_98 = arith.addi %parallel_loop3A_39, %parallel_loop3A_97 : vector<16xi32>
      %parallel_loop3A_99 = tpu.vector_load_idx %arg5[%parallel_loop3A_98] : memref<65536xf32, #tpu.memory_space<vmem>>[vector<16xi32>], vector<16xf32>,
      %parallel_loop3A_100 = arith.constant 7 : i32
      %parallel_loop3A_101 = arith.index_cast %parallel_loop3A_100 : i32 to index
      %parallel_loop3A_102 = arith.index_cast %parallel_loop3A_37 : i32 to index
      %parallel_loop3A_103 = tpu.vector_load %arg7[%parallel_loop3A_101, %parallel_loop3A_102] {strides = array<i32>} : memref<64x512xf32, #tpu.memory_space<vmem>>, vector<16xf32>,
      tpu.vector_store %arg7[%parallel_loop3A_101, %parallel_loop3A_102], %parallel_loop3A_99 {strides = array<i32>} : memref<64x512xf32, #tpu.memory_space<vmem>>, vector<16xf32>,
      %parallel_loop3A_104 = arith.constant 8192 : i32
      %parallel_loop3A_105 = vector.broadcast %parallel_loop3A_104 : i32 to vector<16xi32>
      %parallel_loop3A_106 = arith.addi %parallel_loop3A_39, %parallel_loop3A_105 : vector<16xi32>
      %parallel_loop3A_107 = tpu.vector_load_idx %arg5[%parallel_loop3A_106] : memref<65536xf32, #tpu.memory_space<vmem>>[vector<16xi32>], vector<16xf32>,
      %parallel_loop3A_108 = arith.constant 8 : i32
      %parallel_loop3A_109 = arith.index_cast %parallel_loop3A_108 : i32 to index
      %parallel_loop3A_110 = arith.index_cast %parallel_loop3A_37 : i32 to index
      %parallel_loop3A_111 = tpu.vector_load %arg7[%parallel_loop3A_109, %parallel_loop3A_110] {strides = array<i32>} : memref<64x512xf32, #tpu.memory_space<vmem>>, vector<16xf32>,
      tpu.vector_store %arg7[%parallel_loop3A_109, %parallel_loop3A_110], %parallel_loop3A_107 {strides = array<i32>} : memref<64x512xf32, #tpu.memory_space<vmem>>, vector<16xf32>,
      %parallel_loop3A_112 = arith.constant 9216 : i32
      %parallel_loop3A_113 = vector.broadcast %parallel_loop3A_112 : i32 to vector<16xi32>
      %parallel_loop3A_114 = arith.addi %parallel_loop3A_39, %parallel_loop3A_113 : vector<16xi32>
      %parallel_loop3A_115 = tpu.vector_load_idx %arg5[%parallel_loop3A_114] : memref<65536xf32, #tpu.memory_space<vmem>>[vector<16xi32>], vector<16xf32>,
      %parallel_loop3A_116 = arith.constant 9 : i32
      %parallel_loop3A_117 = arith.index_cast %parallel_loop3A_116 : i32 to index
      %parallel_loop3A_118 = arith.index_cast %parallel_loop3A_37 : i32 to index
      %parallel_loop3A_119 = tpu.vector_load %arg7[%parallel_loop3A_117, %parallel_loop3A_118] {strides = array<i32>} : memref<64x512xf32, #tpu.memory_space<vmem>>, vector<16xf32>,
      tpu.vector_store %arg7[%parallel_loop3A_117, %parallel_loop3A_118], %parallel_loop3A_115 {strides = array<i32>} : memref<64x512xf32, #tpu.memory_space<vmem>>, vector<16xf32>,
      %parallel_loop3A_120 = arith.constant 10240 : i32
      %parallel_loop3A_121 = vector.broadcast %parallel_loop3A_120 : i32 to vector<16xi32>
      %parallel_loop3A_122 = arith.addi %parallel_loop3A_39, %parallel_loop3A_121 : vector<16xi32>
      %parallel_loop3A_123 = tpu.vector_load_idx %arg5[%parallel_loop3A_122] : memref<65536xf32, #tpu.memory_space<vmem>>[vector<16xi32>], vector<16xf32>,
      %parallel_loop3A_124 = arith.constant 10 : i32
      %parallel_loop3A_125 = arith.index_cast %parallel_loop3A_124 : i32 to index
      %parallel_loop3A_126 = arith.index_cast %parallel_loop3A_37 : i32 to index
      %parallel_loop3A_127 = tpu.vector_load %arg7[%parallel_loop3A_125, %parallel_loop3A_126] {strides = array<i32>} : memref<64x512xf32, #tpu.memory_space<vmem>>, vector<16xf32>,
      tpu.vector_store %arg7[%parallel_loop3A_125, %parallel_loop3A_126], %parallel_loop3A_123 {strides = array<i32>} : memref<64x512xf32, #tpu.memory_space<vmem>>, vector<16xf32>,
      %parallel_loop3A_128 = arith.constant 11264 : i32
      %parallel_loop3A_129 = vector.broadcast %parallel_loop3A_128 : i32 to vector<16xi32>
      %parallel_loop3A_130 = arith.addi %parallel_loop3A_39, %parallel_loop3A_129 : vector<16xi32>
      %parallel_loop3A_131 = tpu.vector_load_idx %arg5[%parallel_loop3A_130] : memref<65536xf32, #tpu.memory_space<vmem>>[vector<16xi32>], vector<16xf32>,
      %parallel_loop3A_132 = arith.constant 11 : i32
      %parallel_loop3A_133 = arith.index_cast %parallel_loop3A_132 : i32 to index
      %parallel_loop3A_134 = arith.index_cast %parallel_loop3A_37 : i32 to index
      %parallel_loop3A_135 = tpu.vector_load %arg7[%parallel_loop3A_133, %parallel_loop3A_134] {strides = array<i32>} : memref<64x512xf32, #tpu.memory_space<vmem>>, vector<16xf32>,
      tpu.vector_store %arg7[%parallel_loop3A_133, %parallel_loop3A_134], %parallel_loop3A_131 {strides = array<i32>} : memref<64x512xf32, #tpu.memory_space<vmem>>, vector<16xf32>,
      %parallel_loop3A_136 = arith.constant 12288 : i32
      %parallel_loop3A_137 = vector.broadcast %parallel_loop3A_136 : i32 to vector<16xi32>
      %parallel_loop3A_138 = arith.addi %parallel_loop3A_39, %parallel_loop3A_137 : vector<16xi32>
      %parallel_loop3A_139 = tpu.vector_load_idx %arg5[%parallel_loop3A_138] : memref<65536xf32, #tpu.memory_space<vmem>>[vector<16xi32>], vector<16xf32>,
      %parallel_loop3A_140 = arith.constant 12 : i32
      %parallel_loop3A_141 = arith.index_cast %parallel_loop3A_140 : i32 to index
      %parallel_loop3A_142 = arith.index_cast %parallel_loop3A_37 : i32 to index
      %parallel_loop3A_143 = tpu.vector_load %arg7[%parallel_loop3A_141, %parallel_loop3A_142] {strides = array<i32>} : memref<64x512xf32, #tpu.memory_space<vmem>>, vector<16xf32>,
      tpu.vector_store %arg7[%parallel_loop3A_141, %parallel_loop3A_142], %parallel_loop3A_139 {strides = array<i32>} : memref<64x512xf32, #tpu.memory_space<vmem>>, vector<16xf32>,
      %parallel_loop3A_144 = arith.constant 13312 : i32
      %parallel_loop3A_145 = vector.broadcast %parallel_loop3A_144 : i32 to vector<16xi32>
      %parallel_loop3A_146 = arith.addi %parallel_loop3A_39, %parallel_loop3A_145 : vector<16xi32>
      %parallel_loop3A_147 = tpu.vector_load_idx %arg5[%parallel_loop3A_146] : memref<65536xf32, #tpu.memory_space<vmem>>[vector<16xi32>], vector<16xf32>,
      %parallel_loop3A_148 = arith.constant 13 : i32
      %parallel_loop3A_149 = arith.index_cast %parallel_loop3A_148 : i32 to index
      %parallel_loop3A_150 = arith.index_cast %parallel_loop3A_37 : i32 to index
      %parallel_loop3A_151 = tpu.vector_load %arg7[%parallel_loop3A_149, %parallel_loop3A_150] {strides = array<i32>} : memref<64x512xf32, #tpu.memory_space<vmem>>, vector<16xf32>,
      tpu.vector_store %arg7[%parallel_loop3A_149, %parallel_loop3A_150], %parallel_loop3A_147 {strides = array<i32>} : memref<64x512xf32, #tpu.memory_space<vmem>>, vector<16xf32>,
      %parallel_loop3A_152 = arith.constant 14336 : i32
      %parallel_loop3A_153 = vector.broadcast %parallel_loop3A_152 : i32 to vector<16xi32>
      %parallel_loop3A_154 = arith.addi %parallel_loop3A_39, %parallel_loop3A_153 : vector<16xi32>
      %parallel_loop3A_155 = tpu.vector_load_idx %arg5[%parallel_loop3A_154] : memref<65536xf32, #tpu.memory_space<vmem>>[vector<16xi32>], vector<16xf32>,
      %parallel_loop3A_156 = arith.constant 14 : i32
      %parallel_loop3A_157 = arith.index_cast %parallel_loop3A_156 : i32 to index
      %parallel_loop3A_158 = arith.index_cast %parallel_loop3A_37 : i32 to index
      %parallel_loop3A_159 = tpu.vector_load %arg7[%parallel_loop3A_157, %parallel_loop3A_158] {strides = array<i32>} : memref<64x512xf32, #tpu.memory_space<vmem>>, vector<16xf32>,
      tpu.vector_store %arg7[%parallel_loop3A_157, %parallel_loop3A_158], %parallel_loop3A_155 {strides = array<i32>} : memref<64x512xf32, #tpu.memory_space<vmem>>, vector<16xf32>,
      %parallel_loop3A_160 = arith.constant 15360 : i32
      %parallel_loop3A_161 = vector.broadcast %parallel_loop3A_160 : i32 to vector<16xi32>
      %parallel_loop3A_162 = arith.addi %parallel_loop3A_39, %parallel_loop3A_161 : vector<16xi32>
      %parallel_loop3A_163 = tpu.vector_load_idx %arg5[%parallel_loop3A_162] : memref<65536xf32, #tpu.memory_space<vmem>>[vector<16xi32>], vector<16xf32>,
      %parallel_loop3A_164 = arith.constant 15 : i32
      %parallel_loop3A_165 = arith.index_cast %parallel_loop3A_164 : i32 to index
      %parallel_loop3A_166 = arith.index_cast %parallel_loop3A_37 : i32 to index
      %parallel_loop3A_167 = tpu.vector_load %arg7[%parallel_loop3A_165, %parallel_loop3A_166] {strides = array<i32>} : memref<64x512xf32, #tpu.memory_space<vmem>>, vector<16xf32>,
      tpu.vector_store %arg7[%parallel_loop3A_165, %parallel_loop3A_166], %parallel_loop3A_163 {strides = array<i32>} : memref<64x512xf32, #tpu.memory_space<vmem>>, vector<16xf32>,
      %parallel_loop3A_168 = arith.constant 16384 : i32
      %parallel_loop3A_169 = vector.broadcast %parallel_loop3A_168 : i32 to vector<16xi32>
      %parallel_loop3A_170 = arith.addi %parallel_loop3A_39, %parallel_loop3A_169 : vector<16xi32>
      %parallel_loop3A_171 = tpu.vector_load_idx %arg5[%parallel_loop3A_170] : memref<65536xf32, #tpu.memory_space<vmem>>[vector<16xi32>], vector<16xf32>,
      %parallel_loop3A_172 = arith.constant 16 : i32
      %parallel_loop3A_173 = arith.index_cast %parallel_loop3A_172 : i32 to index
      %parallel_loop3A_174 = arith.index_cast %parallel_loop3A_37 : i32 to index
      %parallel_loop3A_175 = tpu.vector_load %arg7[%parallel_loop3A_173, %parallel_loop3A_174] {strides = array<i32>} : memref<64x512xf32, #tpu.memory_space<vmem>>, vector<16xf32>,
      tpu.vector_store %arg7[%parallel_loop3A_173, %parallel_loop3A_174], %parallel_loop3A_171 {strides = array<i32>} : memref<64x512xf32, #tpu.memory_space<vmem>>, vector<16xf32>,
      %parallel_loop3A_176 = arith.constant 17408 : i32
      %parallel_loop3A_177 = vector.broadcast %parallel_loop3A_176 : i32 to vector<16xi32>
      %parallel_loop3A_178 = arith.addi %parallel_loop3A_39, %parallel_loop3A_177 : vector<16xi32>
      %parallel_loop3A_179 = tpu.vector_load_idx %arg5[%parallel_loop3A_178] : memref<65536xf32, #tpu.memory_space<vmem>>[vector<16xi32>], vector<16xf32>,
      %parallel_loop3A_180 = arith.constant 17 : i32
      %parallel_loop3A_181 = arith.index_cast %parallel_loop3A_180 : i32 to index
      %parallel_loop3A_182 = arith.index_cast %parallel_loop3A_37 : i32 to index
      %parallel_loop3A_183 = tpu.vector_load %arg7[%parallel_loop3A_181, %parallel_loop3A_182] {strides = array<i32>} : memref<64x512xf32, #tpu.memory_space<vmem>>, vector<16xf32>,
      tpu.vector_store %arg7[%parallel_loop3A_181, %parallel_loop3A_182], %parallel_loop3A_179 {strides = array<i32>} : memref<64x512xf32, #tpu.memory_space<vmem>>, vector<16xf32>,
      %parallel_loop3A_184 = arith.constant 18432 : i32
      %parallel_loop3A_185 = vector.broadcast %parallel_loop3A_184 : i32 to vector<16xi32>
      %parallel_loop3A_186 = arith.addi %parallel_loop3A_39, %parallel_loop3A_185 : vector<16xi32>
      %parallel_loop3A_187 = tpu.vector_load_idx %arg5[%parallel_loop3A_186] : memref<65536xf32, #tpu.memory_space<vmem>>[vector<16xi32>], vector<16xf32>,
      %parallel_loop3A_188 = arith.constant 18 : i32
      %parallel_loop3A_189 = arith.index_cast %parallel_loop3A_188 : i32 to index
      %parallel_loop3A_190 = arith.index_cast %parallel_loop3A_37 : i32 to index
      %parallel_loop3A_191 = tpu.vector_load %arg7[%parallel_loop3A_189, %parallel_loop3A_190] {strides = array<i32>} : memref<64x512xf32, #tpu.memory_space<vmem>>, vector<16xf32>,
      tpu.vector_store %arg7[%parallel_loop3A_189, %parallel_loop3A_190], %parallel_loop3A_187 {strides = array<i32>} : memref<64x512xf32, #tpu.memory_space<vmem>>, vector<16xf32>,
      %parallel_loop3A_192 = arith.constant 19456 : i32
      %parallel_loop3A_193 = vector.broadcast %parallel_loop3A_192 : i32 to vector<16xi32>
      %parallel_loop3A_194 = arith.addi %parallel_loop3A_39, %parallel_loop3A_193 : vector<16xi32>
      %parallel_loop3A_195 = tpu.vector_load_idx %arg5[%parallel_loop3A_194] : memref<65536xf32, #tpu.memory_space<vmem>>[vector<16xi32>], vector<16xf32>,
      %parallel_loop3A_196 = arith.constant 19 : i32
      %parallel_loop3A_197 = arith.index_cast %parallel_loop3A_196 : i32 to index
      %parallel_loop3A_198 = arith.index_cast %parallel_loop3A_37 : i32 to index
      %parallel_loop3A_199 = tpu.vector_load %arg7[%parallel_loop3A_197, %parallel_loop3A_198] {strides = array<i32>} : memref<64x512xf32, #tpu.memory_space<vmem>>, vector<16xf32>,
      tpu.vector_store %arg7[%parallel_loop3A_197, %parallel_loop3A_198], %parallel_loop3A_195 {strides = array<i32>} : memref<64x512xf32, #tpu.memory_space<vmem>>, vector<16xf32>,
      %parallel_loop3A_200 = arith.constant 20480 : i32
      %parallel_loop3A_201 = vector.broadcast %parallel_loop3A_200 : i32 to vector<16xi32>
      %parallel_loop3A_202 = arith.addi %parallel_loop3A_39, %parallel_loop3A_201 : vector<16xi32>
      %parallel_loop3A_203 = tpu.vector_load_idx %arg5[%parallel_loop3A_202] : memref<65536xf32, #tpu.memory_space<vmem>>[vector<16xi32>], vector<16xf32>,
      %parallel_loop3A_204 = arith.constant 20 : i32
      %parallel_loop3A_205 = arith.index_cast %parallel_loop3A_204 : i32 to index
      %parallel_loop3A_206 = arith.index_cast %parallel_loop3A_37 : i32 to index
      %parallel_loop3A_207 = tpu.vector_load %arg7[%parallel_loop3A_205, %parallel_loop3A_206] {strides = array<i32>} : memref<64x512xf32, #tpu.memory_space<vmem>>, vector<16xf32>,
      tpu.vector_store %arg7[%parallel_loop3A_205, %parallel_loop3A_206], %parallel_loop3A_203 {strides = array<i32>} : memref<64x512xf32, #tpu.memory_space<vmem>>, vector<16xf32>,
      %parallel_loop3A_208 = arith.constant 21504 : i32
      %parallel_loop3A_209 = vector.broadcast %parallel_loop3A_208 : i32 to vector<16xi32>
      %parallel_loop3A_210 = arith.addi %parallel_loop3A_39, %parallel_loop3A_209 : vector<16xi32>
      %parallel_loop3A_211 = tpu.vector_load_idx %arg5[%parallel_loop3A_210] : memref<65536xf32, #tpu.memory_space<vmem>>[vector<16xi32>], vector<16xf32>,
      %parallel_loop3A_212 = arith.constant 21 : i32
      %parallel_loop3A_213 = arith.index_cast %parallel_loop3A_212 : i32 to index
      %parallel_loop3A_214 = arith.index_cast %parallel_loop3A_37 : i32 to index
      %parallel_loop3A_215 = tpu.vector_load %arg7[%parallel_loop3A_213, %parallel_loop3A_214] {strides = array<i32>} : memref<64x512xf32, #tpu.memory_space<vmem>>, vector<16xf32>,
      tpu.vector_store %arg7[%parallel_loop3A_213, %parallel_loop3A_214], %parallel_loop3A_211 {strides = array<i32>} : memref<64x512xf32, #tpu.memory_space<vmem>>, vector<16xf32>,
      %parallel_loop3A_216 = arith.constant 22528 : i32
      %parallel_loop3A_217 = vector.broadcast %parallel_loop3A_216 : i32 to vector<16xi32>
      %parallel_loop3A_218 = arith.addi %parallel_loop3A_39, %parallel_loop3A_217 : vector<16xi32>
      %parallel_loop3A_219 = tpu.vector_load_idx %arg5[%parallel_loop3A_218] : memref<65536xf32, #tpu.memory_space<vmem>>[vector<16xi32>], vector<16xf32>,
      %parallel_loop3A_220 = arith.constant 22 : i32
      %parallel_loop3A_221 = arith.index_cast %parallel_loop3A_220 : i32 to index
      %parallel_loop3A_222 = arith.index_cast %parallel_loop3A_37 : i32 to index
      %parallel_loop3A_223 = tpu.vector_load %arg7[%parallel_loop3A_221, %parallel_loop3A_222] {strides = array<i32>} : memref<64x512xf32, #tpu.memory_space<vmem>>, vector<16xf32>,
      tpu.vector_store %arg7[%parallel_loop3A_221, %parallel_loop3A_222], %parallel_loop3A_219 {strides = array<i32>} : memref<64x512xf32, #tpu.memory_space<vmem>>, vector<16xf32>,
      %parallel_loop3A_224 = arith.constant 23552 : i32
      %parallel_loop3A_225 = vector.broadcast %parallel_loop3A_224 : i32 to vector<16xi32>
      %parallel_loop3A_226 = arith.addi %parallel_loop3A_39, %parallel_loop3A_225 : vector<16xi32>
      %parallel_loop3A_227 = tpu.vector_load_idx %arg5[%parallel_loop3A_226] : memref<65536xf32, #tpu.memory_space<vmem>>[vector<16xi32>], vector<16xf32>,
      %parallel_loop3A_228 = arith.constant 23 : i32
      %parallel_loop3A_229 = arith.index_cast %parallel_loop3A_228 : i32 to index
      %parallel_loop3A_230 = arith.index_cast %parallel_loop3A_37 : i32 to index
      %parallel_loop3A_231 = tpu.vector_load %arg7[%parallel_loop3A_229, %parallel_loop3A_230] {strides = array<i32>} : memref<64x512xf32, #tpu.memory_space<vmem>>, vector<16xf32>,
      tpu.vector_store %arg7[%parallel_loop3A_229, %parallel_loop3A_230], %parallel_loop3A_227 {strides = array<i32>} : memref<64x512xf32, #tpu.memory_space<vmem>>, vector<16xf32>,
      %parallel_loop3A_232 = arith.constant 24576 : i32
      %parallel_loop3A_233 = vector.broadcast %parallel_loop3A_232 : i32 to vector<16xi32>
      %parallel_loop3A_234 = arith.addi %parallel_loop3A_39, %parallel_loop3A_233 : vector<16xi32>
      %parallel_loop3A_235 = tpu.vector_load_idx %arg5[%parallel_loop3A_234] : memref<65536xf32, #tpu.memory_space<vmem>>[vector<16xi32>], vector<16xf32>,
      %parallel_loop3A_236 = arith.constant 24 : i32
      %parallel_loop3A_237 = arith.index_cast %parallel_loop3A_236 : i32 to index
      %parallel_loop3A_238 = arith.index_cast %parallel_loop3A_37 : i32 to index
      %parallel_loop3A_239 = tpu.vector_load %arg7[%parallel_loop3A_237, %parallel_loop3A_238] {strides = array<i32>} : memref<64x512xf32, #tpu.memory_space<vmem>>, vector<16xf32>,
      tpu.vector_store %arg7[%parallel_loop3A_237, %parallel_loop3A_238], %parallel_loop3A_235 {strides = array<i32>} : memref<64x512xf32, #tpu.memory_space<vmem>>, vector<16xf32>,
      %parallel_loop3A_240 = arith.constant 25600 : i32
      %parallel_loop3A_241 = vector.broadcast %parallel_loop3A_240 : i32 to vector<16xi32>
      %parallel_loop3A_242 = arith.addi %parallel_loop3A_39, %parallel_loop3A_241 : vector<16xi32>
      %parallel_loop3A_243 = tpu.vector_load_idx %arg5[%parallel_loop3A_242] : memref<65536xf32, #tpu.memory_space<vmem>>[vector<16xi32>], vector<16xf32>,
      %parallel_loop3A_244 = arith.constant 25 : i32
      %parallel_loop3A_245 = arith.index_cast %parallel_loop3A_244 : i32 to index
      %parallel_loop3A_246 = arith.index_cast %parallel_loop3A_37 : i32 to index
      %parallel_loop3A_247 = tpu.vector_load %arg7[%parallel_loop3A_245, %parallel_loop3A_246] {strides = array<i32>} : memref<64x512xf32, #tpu.memory_space<vmem>>, vector<16xf32>,
      tpu.vector_store %arg7[%parallel_loop3A_245, %parallel_loop3A_246], %parallel_loop3A_243 {strides = array<i32>} : memref<64x512xf32, #tpu.memory_space<vmem>>, vector<16xf32>,
      %parallel_loop3A_248 = arith.constant 26624 : i32
      %parallel_loop3A_249 = vector.broadcast %parallel_loop3A_248 : i32 to vector<16xi32>
      %parallel_loop3A_250 = arith.addi %parallel_loop3A_39, %parallel_loop3A_249 : vector<16xi32>
      %parallel_loop3A_251 = tpu.vector_load_idx %arg5[%parallel_loop3A_250] : memref<65536xf32, #tpu.memory_space<vmem>>[vector<16xi32>], vector<16xf32>,
      %parallel_loop3A_252 = arith.constant 26 : i32
      %parallel_loop3A_253 = arith.index_cast %parallel_loop3A_252 : i32 to index
      %parallel_loop3A_254 = arith.index_cast %parallel_loop3A_37 : i32 to index
      %parallel_loop3A_255 = tpu.vector_load %arg7[%parallel_loop3A_253, %parallel_loop3A_254] {strides = array<i32>} : memref<64x512xf32, #tpu.memory_space<vmem>>, vector<16xf32>,
      tpu.vector_store %arg7[%parallel_loop3A_253, %parallel_loop3A_254], %parallel_loop3A_251 {strides = array<i32>} : memref<64x512xf32, #tpu.memory_space<vmem>>, vector<16xf32>,
      %parallel_loop3A_256 = arith.constant 27648 : i32
      %parallel_loop3A_257 = vector.broadcast %parallel_loop3A_256 : i32 to vector<16xi32>
      %parallel_loop3A_258 = arith.addi %parallel_loop3A_39, %parallel_loop3A_257 : vector<16xi32>
      %parallel_loop3A_259 = tpu.vector_load_idx %arg5[%parallel_loop3A_258] : memref<65536xf32, #tpu.memory_space<vmem>>[vector<16xi32>], vector<16xf32>,
      %parallel_loop3A_260 = arith.constant 27 : i32
      %parallel_loop3A_261 = arith.index_cast %parallel_loop3A_260 : i32 to index
      %parallel_loop3A_262 = arith.index_cast %parallel_loop3A_37 : i32 to index
      %parallel_loop3A_263 = tpu.vector_load %arg7[%parallel_loop3A_261, %parallel_loop3A_262] {strides = array<i32>} : memref<64x512xf32, #tpu.memory_space<vmem>>, vector<16xf32>,
      tpu.vector_store %arg7[%parallel_loop3A_261, %parallel_loop3A_262], %parallel_loop3A_259 {strides = array<i32>} : memref<64x512xf32, #tpu.memory_space<vmem>>, vector<16xf32>,
      %parallel_loop3A_264 = arith.constant 28672 : i32
      %parallel_loop3A_265 = vector.broadcast %parallel_loop3A_264 : i32 to vector<16xi32>
      %parallel_loop3A_266 = arith.addi %parallel_loop3A_39, %parallel_loop3A_265 : vector<16xi32>
      %parallel_loop3A_267 = tpu.vector_load_idx %arg5[%parallel_loop3A_266] : memref<65536xf32, #tpu.memory_space<vmem>>[vector<16xi32>], vector<16xf32>,
      %parallel_loop3A_268 = arith.constant 28 : i32
      %parallel_loop3A_269 = arith.index_cast %parallel_loop3A_268 : i32 to index
      %parallel_loop3A_270 = arith.index_cast %parallel_loop3A_37 : i32 to index
      %parallel_loop3A_271 = tpu.vector_load %arg7[%parallel_loop3A_269, %parallel_loop3A_270] {strides = array<i32>} : memref<64x512xf32, #tpu.memory_space<vmem>>, vector<16xf32>,
      tpu.vector_store %arg7[%parallel_loop3A_269, %parallel_loop3A_270], %parallel_loop3A_267 {strides = array<i32>} : memref<64x512xf32, #tpu.memory_space<vmem>>, vector<16xf32>,
      %parallel_loop3A_272 = arith.constant 29696 : i32
      %parallel_loop3A_273 = vector.broadcast %parallel_loop3A_272 : i32 to vector<16xi32>
      %parallel_loop3A_274 = arith.addi %parallel_loop3A_39, %parallel_loop3A_273 : vector<16xi32>
      %parallel_loop3A_275 = tpu.vector_load_idx %arg5[%parallel_loop3A_274] : memref<65536xf32, #tpu.memory_space<vmem>>[vector<16xi32>], vector<16xf32>,
      %parallel_loop3A_276 = arith.constant 29 : i32
      %parallel_loop3A_277 = arith.index_cast %parallel_loop3A_276 : i32 to index
      %parallel_loop3A_278 = arith.index_cast %parallel_loop3A_37 : i32 to index
      %parallel_loop3A_279 = tpu.vector_load %arg7[%parallel_loop3A_277, %parallel_loop3A_278] {strides = array<i32>} : memref<64x512xf32, #tpu.memory_space<vmem>>, vector<16xf32>,
      tpu.vector_store %arg7[%parallel_loop3A_277, %parallel_loop3A_278], %parallel_loop3A_275 {strides = array<i32>} : memref<64x512xf32, #tpu.memory_space<vmem>>, vector<16xf32>,
      %parallel_loop3A_280 = arith.constant 30720 : i32
      %parallel_loop3A_281 = vector.broadcast %parallel_loop3A_280 : i32 to vector<16xi32>
      %parallel_loop3A_282 = arith.addi %parallel_loop3A_39, %parallel_loop3A_281 : vector<16xi32>
      %parallel_loop3A_283 = tpu.vector_load_idx %arg5[%parallel_loop3A_282] : memref<65536xf32, #tpu.memory_space<vmem>>[vector<16xi32>], vector<16xf32>,
      %parallel_loop3A_284 = arith.constant 30 : i32
      %parallel_loop3A_285 = arith.index_cast %parallel_loop3A_284 : i32 to index
      %parallel_loop3A_286 = arith.index_cast %parallel_loop3A_37 : i32 to index
      %parallel_loop3A_287 = tpu.vector_load %arg7[%parallel_loop3A_285, %parallel_loop3A_286] {strides = array<i32>} : memref<64x512xf32, #tpu.memory_space<vmem>>, vector<16xf32>,
      tpu.vector_store %arg7[%parallel_loop3A_285, %parallel_loop3A_286], %parallel_loop3A_283 {strides = array<i32>} : memref<64x512xf32, #tpu.memory_space<vmem>>, vector<16xf32>,
      %parallel_loop3A_288 = arith.constant 31744 : i32
      %parallel_loop3A_289 = vector.broadcast %parallel_loop3A_288 : i32 to vector<16xi32>
      %parallel_loop3A_290 = arith.addi %parallel_loop3A_39, %parallel_loop3A_289 : vector<16xi32>
      %parallel_loop3A_291 = tpu.vector_load_idx %arg5[%parallel_loop3A_290] : memref<65536xf32, #tpu.memory_space<vmem>>[vector<16xi32>], vector<16xf32>,
      %parallel_loop3A_292 = arith.constant 31 : i32
      %parallel_loop3A_293 = arith.index_cast %parallel_loop3A_292 : i32 to index
      %parallel_loop3A_294 = arith.index_cast %parallel_loop3A_37 : i32 to index
      %parallel_loop3A_295 = tpu.vector_load %arg7[%parallel_loop3A_293, %parallel_loop3A_294] {strides = array<i32>} : memref<64x512xf32, #tpu.memory_space<vmem>>, vector<16xf32>,
      tpu.vector_store %arg7[%parallel_loop3A_293, %parallel_loop3A_294], %parallel_loop3A_291 {strides = array<i32>} : memref<64x512xf32, #tpu.memory_space<vmem>>, vector<16xf32>,
      %parallel_loop3A_296 = arith.constant 32768 : i32
      %parallel_loop3A_297 = vector.broadcast %parallel_loop3A_296 : i32 to vector<16xi32>
      %parallel_loop3A_298 = arith.addi %parallel_loop3A_39, %parallel_loop3A_297 : vector<16xi32>
      %parallel_loop3A_299 = tpu.vector_load_idx %arg5[%parallel_loop3A_298] : memref<65536xf32, #tpu.memory_space<vmem>>[vector<16xi32>], vector<16xf32>,
      %parallel_loop3A_300 = arith.constant 32 : i32
      %parallel_loop3A_301 = arith.index_cast %parallel_loop3A_300 : i32 to index
      %parallel_loop3A_302 = arith.index_cast %parallel_loop3A_37 : i32 to index
      %parallel_loop3A_303 = tpu.vector_load %arg7[%parallel_loop3A_301, %parallel_loop3A_302] {strides = array<i32>} : memref<64x512xf32, #tpu.memory_space<vmem>>, vector<16xf32>,
      tpu.vector_store %arg7[%parallel_loop3A_301, %parallel_loop3A_302], %parallel_loop3A_299 {strides = array<i32>} : memref<64x512xf32, #tpu.memory_space<vmem>>, vector<16xf32>,
      %parallel_loop3A_304 = arith.constant 33792 : i32
      %parallel_loop3A_305 = vector.broadcast %parallel_loop3A_304 : i32 to vector<16xi32>
      %parallel_loop3A_306 = arith.addi %parallel_loop3A_39, %parallel_loop3A_305 : vector<16xi32>
      %parallel_loop3A_307 = tpu.vector_load_idx %arg5[%parallel_loop3A_306] : memref<65536xf32, #tpu.memory_space<vmem>>[vector<16xi32>], vector<16xf32>,
      %parallel_loop3A_308 = arith.constant 33 : i32
      %parallel_loop3A_309 = arith.index_cast %parallel_loop3A_308 : i32 to index
      %parallel_loop3A_310 = arith.index_cast %parallel_loop3A_37 : i32 to index
      %parallel_loop3A_311 = tpu.vector_load %arg7[%parallel_loop3A_309, %parallel_loop3A_310] {strides = array<i32>} : memref<64x512xf32, #tpu.memory_space<vmem>>, vector<16xf32>,
      tpu.vector_store %arg7[%parallel_loop3A_309, %parallel_loop3A_310], %parallel_loop3A_307 {strides = array<i32>} : memref<64x512xf32, #tpu.memory_space<vmem>>, vector<16xf32>,
      %parallel_loop3A_312 = arith.constant 34816 : i32
      %parallel_loop3A_313 = vector.broadcast %parallel_loop3A_312 : i32 to vector<16xi32>
      %parallel_loop3A_314 = arith.addi %parallel_loop3A_39, %parallel_loop3A_313 : vector<16xi32>
      %parallel_loop3A_315 = tpu.vector_load_idx %arg5[%parallel_loop3A_314] : memref<65536xf32, #tpu.memory_space<vmem>>[vector<16xi32>], vector<16xf32>,
      %parallel_loop3A_316 = arith.constant 34 : i32
      %parallel_loop3A_317 = arith.index_cast %parallel_loop3A_316 : i32 to index
      %parallel_loop3A_318 = arith.index_cast %parallel_loop3A_37 : i32 to index
      %parallel_loop3A_319 = tpu.vector_load %arg7[%parallel_loop3A_317, %parallel_loop3A_318] {strides = array<i32>} : memref<64x512xf32, #tpu.memory_space<vmem>>, vector<16xf32>,
      tpu.vector_store %arg7[%parallel_loop3A_317, %parallel_loop3A_318], %parallel_loop3A_315 {strides = array<i32>} : memref<64x512xf32, #tpu.memory_space<vmem>>, vector<16xf32>,
      %parallel_loop3A_320 = arith.constant 35840 : i32
      %parallel_loop3A_321 = vector.broadcast %parallel_loop3A_320 : i32 to vector<16xi32>
      %parallel_loop3A_322 = arith.addi %parallel_loop3A_39, %parallel_loop3A_321 : vector<16xi32>
      %parallel_loop3A_323 = tpu.vector_load_idx %arg5[%parallel_loop3A_322] : memref<65536xf32, #tpu.memory_space<vmem>>[vector<16xi32>], vector<16xf32>,
      %parallel_loop3A_324 = arith.constant 35 : i32
      %parallel_loop3A_325 = arith.index_cast %parallel_loop3A_324 : i32 to index
      %parallel_loop3A_326 = arith.index_cast %parallel_loop3A_37 : i32 to index
      %parallel_loop3A_327 = tpu.vector_load %arg7[%parallel_loop3A_325, %parallel_loop3A_326] {strides = array<i32>} : memref<64x512xf32, #tpu.memory_space<vmem>>, vector<16xf32>,
      tpu.vector_store %arg7[%parallel_loop3A_325, %parallel_loop3A_326], %parallel_loop3A_323 {strides = array<i32>} : memref<64x512xf32, #tpu.memory_space<vmem>>, vector<16xf32>,
      %parallel_loop3A_328 = arith.constant 36864 : i32
      %parallel_loop3A_329 = vector.broadcast %parallel_loop3A_328 : i32 to vector<16xi32>
      %parallel_loop3A_330 = arith.addi %parallel_loop3A_39, %parallel_loop3A_329 : vector<16xi32>
      %parallel_loop3A_331 = tpu.vector_load_idx %arg5[%parallel_loop3A_330] : memref<65536xf32, #tpu.memory_space<vmem>>[vector<16xi32>], vector<16xf32>,
      %parallel_loop3A_332 = arith.constant 36 : i32
      %parallel_loop3A_333 = arith.index_cast %parallel_loop3A_332 : i32 to index
      %parallel_loop3A_334 = arith.index_cast %parallel_loop3A_37 : i32 to index
      %parallel_loop3A_335 = tpu.vector_load %arg7[%parallel_loop3A_333, %parallel_loop3A_334] {strides = array<i32>} : memref<64x512xf32, #tpu.memory_space<vmem>>, vector<16xf32>,
      tpu.vector_store %arg7[%parallel_loop3A_333, %parallel_loop3A_334], %parallel_loop3A_331 {strides = array<i32>} : memref<64x512xf32, #tpu.memory_space<vmem>>, vector<16xf32>,
      %parallel_loop3A_336 = arith.constant 37888 : i32
      %parallel_loop3A_337 = vector.broadcast %parallel_loop3A_336 : i32 to vector<16xi32>
      %parallel_loop3A_338 = arith.addi %parallel_loop3A_39, %parallel_loop3A_337 : vector<16xi32>
      %parallel_loop3A_339 = tpu.vector_load_idx %arg5[%parallel_loop3A_338] : memref<65536xf32, #tpu.memory_space<vmem>>[vector<16xi32>], vector<16xf32>,
      %parallel_loop3A_340 = arith.constant 37 : i32
      %parallel_loop3A_341 = arith.index_cast %parallel_loop3A_340 : i32 to index
      %parallel_loop3A_342 = arith.index_cast %parallel_loop3A_37 : i32 to index
      %parallel_loop3A_343 = tpu.vector_load %arg7[%parallel_loop3A_341, %parallel_loop3A_342] {strides = array<i32>} : memref<64x512xf32, #tpu.memory_space<vmem>>, vector<16xf32>,
      tpu.vector_store %arg7[%parallel_loop3A_341, %parallel_loop3A_342], %parallel_loop3A_339 {strides = array<i32>} : memref<64x512xf32, #tpu.memory_space<vmem>>, vector<16xf32>,
      %parallel_loop3A_344 = arith.constant 38912 : i32
      %parallel_loop3A_345 = vector.broadcast %parallel_loop3A_344 : i32 to vector<16xi32>
      %parallel_loop3A_346 = arith.addi %parallel_loop3A_39, %parallel_loop3A_345 : vector<16xi32>
      %parallel_loop3A_347 = tpu.vector_load_idx %arg5[%parallel_loop3A_346] : memref<65536xf32, #tpu.memory_space<vmem>>[vector<16xi32>], vector<16xf32>,
      %parallel_loop3A_348 = arith.constant 38 : i32
      %parallel_loop3A_349 = arith.index_cast %parallel_loop3A_348 : i32 to index
      %parallel_loop3A_350 = arith.index_cast %parallel_loop3A_37 : i32 to index
      %parallel_loop3A_351 = tpu.vector_load %arg7[%parallel_loop3A_349, %parallel_loop3A_350] {strides = array<i32>} : memref<64x512xf32, #tpu.memory_space<vmem>>, vector<16xf32>,
      tpu.vector_store %arg7[%parallel_loop3A_349, %parallel_loop3A_350], %parallel_loop3A_347 {strides = array<i32>} : memref<64x512xf32, #tpu.memory_space<vmem>>, vector<16xf32>,
      %parallel_loop3A_352 = arith.constant 39936 : i32
      %parallel_loop3A_353 = vector.broadcast %parallel_loop3A_352 : i32 to vector<16xi32>
      %parallel_loop3A_354 = arith.addi %parallel_loop3A_39, %parallel_loop3A_353 : vector<16xi32>
      %parallel_loop3A_355 = tpu.vector_load_idx %arg5[%parallel_loop3A_354] : memref<65536xf32, #tpu.memory_space<vmem>>[vector<16xi32>], vector<16xf32>,
      %parallel_loop3A_356 = arith.constant 39 : i32
      %parallel_loop3A_357 = arith.index_cast %parallel_loop3A_356 : i32 to index
      %parallel_loop3A_358 = arith.index_cast %parallel_loop3A_37 : i32 to index
      %parallel_loop3A_359 = tpu.vector_load %arg7[%parallel_loop3A_357, %parallel_loop3A_358] {strides = array<i32>} : memref<64x512xf32, #tpu.memory_space<vmem>>, vector<16xf32>,
      tpu.vector_store %arg7[%parallel_loop3A_357, %parallel_loop3A_358], %parallel_loop3A_355 {strides = array<i32>} : memref<64x512xf32, #tpu.memory_space<vmem>>, vector<16xf32>,
      %parallel_loop3A_360 = arith.constant 40960 : i32
      %parallel_loop3A_361 = vector.broadcast %parallel_loop3A_360 : i32 to vector<16xi32>
      %parallel_loop3A_362 = arith.addi %parallel_loop3A_39, %parallel_loop3A_361 : vector<16xi32>
      %parallel_loop3A_363 = tpu.vector_load_idx %arg5[%parallel_loop3A_362] : memref<65536xf32, #tpu.memory_space<vmem>>[vector<16xi32>], vector<16xf32>,
      %parallel_loop3A_364 = arith.constant 40 : i32
      %parallel_loop3A_365 = arith.index_cast %parallel_loop3A_364 : i32 to index
      %parallel_loop3A_366 = arith.index_cast %parallel_loop3A_37 : i32 to index
      %parallel_loop3A_367 = tpu.vector_load %arg7[%parallel_loop3A_365, %parallel_loop3A_366] {strides = array<i32>} : memref<64x512xf32, #tpu.memory_space<vmem>>, vector<16xf32>,
      tpu.vector_store %arg7[%parallel_loop3A_365, %parallel_loop3A_366], %parallel_loop3A_363 {strides = array<i32>} : memref<64x512xf32, #tpu.memory_space<vmem>>, vector<16xf32>,
      %parallel_loop3A_368 = arith.constant 41984 : i32
      %parallel_loop3A_369 = vector.broadcast %parallel_loop3A_368 : i32 to vector<16xi32>
      %parallel_loop3A_370 = arith.addi %parallel_loop3A_39, %parallel_loop3A_369 : vector<16xi32>
      %parallel_loop3A_371 = tpu.vector_load_idx %arg5[%parallel_loop3A_370] : memref<65536xf32, #tpu.memory_space<vmem>>[vector<16xi32>], vector<16xf32>,
      %parallel_loop3A_372 = arith.constant 41 : i32
      %parallel_loop3A_373 = arith.index_cast %parallel_loop3A_372 : i32 to index
      %parallel_loop3A_374 = arith.index_cast %parallel_loop3A_37 : i32 to index
      %parallel_loop3A_375 = tpu.vector_load %arg7[%parallel_loop3A_373, %parallel_loop3A_374] {strides = array<i32>} : memref<64x512xf32, #tpu.memory_space<vmem>>, vector<16xf32>,
      tpu.vector_store %arg7[%parallel_loop3A_373, %parallel_loop3A_374], %parallel_loop3A_371 {strides = array<i32>} : memref<64x512xf32, #tpu.memory_space<vmem>>, vector<16xf32>,
      %parallel_loop3A_376 = arith.constant 43008 : i32
      %parallel_loop3A_377 = vector.broadcast %parallel_loop3A_376 : i32 to vector<16xi32>
      %parallel_loop3A_378 = arith.addi %parallel_loop3A_39, %parallel_loop3A_377 : vector<16xi32>
      %parallel_loop3A_379 = tpu.vector_load_idx %arg5[%parallel_loop3A_378] : memref<65536xf32, #tpu.memory_space<vmem>>[vector<16xi32>], vector<16xf32>,
      %parallel_loop3A_380 = arith.constant 42 : i32
      %parallel_loop3A_381 = arith.index_cast %parallel_loop3A_380 : i32 to index
      %parallel_loop3A_382 = arith.index_cast %parallel_loop3A_37 : i32 to index
      %parallel_loop3A_383 = tpu.vector_load %arg7[%parallel_loop3A_381, %parallel_loop3A_382] {strides = array<i32>} : memref<64x512xf32, #tpu.memory_space<vmem>>, vector<16xf32>,
      tpu.vector_store %arg7[%parallel_loop3A_381, %parallel_loop3A_382], %parallel_loop3A_379 {strides = array<i32>} : memref<64x512xf32, #tpu.memory_space<vmem>>, vector<16xf32>,
      %parallel_loop3A_384 = arith.constant 44032 : i32
      %parallel_loop3A_385 = vector.broadcast %parallel_loop3A_384 : i32 to vector<16xi32>
      %parallel_loop3A_386 = arith.addi %parallel_loop3A_39, %parallel_loop3A_385 : vector<16xi32>
      %parallel_loop3A_387 = tpu.vector_load_idx %arg5[%parallel_loop3A_386] : memref<65536xf32, #tpu.memory_space<vmem>>[vector<16xi32>], vector<16xf32>,
      %parallel_loop3A_388 = arith.constant 43 : i32
      %parallel_loop3A_389 = arith.index_cast %parallel_loop3A_388 : i32 to index
      %parallel_loop3A_390 = arith.index_cast %parallel_loop3A_37 : i32 to index
      %parallel_loop3A_391 = tpu.vector_load %arg7[%parallel_loop3A_389, %parallel_loop3A_390] {strides = array<i32>} : memref<64x512xf32, #tpu.memory_space<vmem>>, vector<16xf32>,
      tpu.vector_store %arg7[%parallel_loop3A_389, %parallel_loop3A_390], %parallel_loop3A_387 {strides = array<i32>} : memref<64x512xf32, #tpu.memory_space<vmem>>, vector<16xf32>,
      %parallel_loop3A_392 = arith.constant 45056 : i32
      %parallel_loop3A_393 = vector.broadcast %parallel_loop3A_392 : i32 to vector<16xi32>
      %parallel_loop3A_394 = arith.addi %parallel_loop3A_39, %parallel_loop3A_393 : vector<16xi32>
      %parallel_loop3A_395 = tpu.vector_load_idx %arg5[%parallel_loop3A_394] : memref<65536xf32, #tpu.memory_space<vmem>>[vector<16xi32>], vector<16xf32>,
      %parallel_loop3A_396 = arith.constant 44 : i32
      %parallel_loop3A_397 = arith.index_cast %parallel_loop3A_396 : i32 to index
      %parallel_loop3A_398 = arith.index_cast %parallel_loop3A_37 : i32 to index
      %parallel_loop3A_399 = tpu.vector_load %arg7[%parallel_loop3A_397, %parallel_loop3A_398] {strides = array<i32>} : memref<64x512xf32, #tpu.memory_space<vmem>>, vector<16xf32>,
      tpu.vector_store %arg7[%parallel_loop3A_397, %parallel_loop3A_398], %parallel_loop3A_395 {strides = array<i32>} : memref<64x512xf32, #tpu.memory_space<vmem>>, vector<16xf32>,
      %parallel_loop3A_400 = arith.constant 46080 : i32
      %parallel_loop3A_401 = vector.broadcast %parallel_loop3A_400 : i32 to vector<16xi32>
      %parallel_loop3A_402 = arith.addi %parallel_loop3A_39, %parallel_loop3A_401 : vector<16xi32>
      %parallel_loop3A_403 = tpu.vector_load_idx %arg5[%parallel_loop3A_402] : memref<65536xf32, #tpu.memory_space<vmem>>[vector<16xi32>], vector<16xf32>,
      %parallel_loop3A_404 = arith.constant 45 : i32
      %parallel_loop3A_405 = arith.index_cast %parallel_loop3A_404 : i32 to index
      %parallel_loop3A_406 = arith.index_cast %parallel_loop3A_37 : i32 to index
      %parallel_loop3A_407 = tpu.vector_load %arg7[%parallel_loop3A_405, %parallel_loop3A_406] {strides = array<i32>} : memref<64x512xf32, #tpu.memory_space<vmem>>, vector<16xf32>,
      tpu.vector_store %arg7[%parallel_loop3A_405, %parallel_loop3A_406], %parallel_loop3A_403 {strides = array<i32>} : memref<64x512xf32, #tpu.memory_space<vmem>>, vector<16xf32>,
      %parallel_loop3A_408 = arith.constant 47104 : i32
      %parallel_loop3A_409 = vector.broadcast %parallel_loop3A_408 : i32 to vector<16xi32>
      %parallel_loop3A_410 = arith.addi %parallel_loop3A_39, %parallel_loop3A_409 : vector<16xi32>
      %parallel_loop3A_411 = tpu.vector_load_idx %arg5[%parallel_loop3A_410] : memref<65536xf32, #tpu.memory_space<vmem>>[vector<16xi32>], vector<16xf32>,
      %parallel_loop3A_412 = arith.constant 46 : i32
      %parallel_loop3A_413 = arith.index_cast %parallel_loop3A_412 : i32 to index
      %parallel_loop3A_414 = arith.index_cast %parallel_loop3A_37 : i32 to index
      %parallel_loop3A_415 = tpu.vector_load %arg7[%parallel_loop3A_413, %parallel_loop3A_414] {strides = array<i32>} : memref<64x512xf32, #tpu.memory_space<vmem>>, vector<16xf32>,
      tpu.vector_store %arg7[%parallel_loop3A_413, %parallel_loop3A_414], %parallel_loop3A_411 {strides = array<i32>} : memref<64x512xf32, #tpu.memory_space<vmem>>, vector<16xf32>,
      %parallel_loop3A_416 = arith.constant 48128 : i32
      %parallel_loop3A_417 = vector.broadcast %parallel_loop3A_416 : i32 to vector<16xi32>
      %parallel_loop3A_418 = arith.addi %parallel_loop3A_39, %parallel_loop3A_417 : vector<16xi32>
      %parallel_loop3A_419 = tpu.vector_load_idx %arg5[%parallel_loop3A_418] : memref<65536xf32, #tpu.memory_space<vmem>>[vector<16xi32>], vector<16xf32>,
      %parallel_loop3A_420 = arith.constant 47 : i32
      %parallel_loop3A_421 = arith.index_cast %parallel_loop3A_420 : i32 to index
      %parallel_loop3A_422 = arith.index_cast %parallel_loop3A_37 : i32 to index
      %parallel_loop3A_423 = tpu.vector_load %arg7[%parallel_loop3A_421, %parallel_loop3A_422] {strides = array<i32>} : memref<64x512xf32, #tpu.memory_space<vmem>>, vector<16xf32>,
      tpu.vector_store %arg7[%parallel_loop3A_421, %parallel_loop3A_422], %parallel_loop3A_419 {strides = array<i32>} : memref<64x512xf32, #tpu.memory_space<vmem>>, vector<16xf32>,
      %parallel_loop3A_424 = arith.constant 49152 : i32
      %parallel_loop3A_425 = vector.broadcast %parallel_loop3A_424 : i32 to vector<16xi32>
      %parallel_loop3A_426 = arith.addi %parallel_loop3A_39, %parallel_loop3A_425 : vector<16xi32>
      %parallel_loop3A_427 = tpu.vector_load_idx %arg5[%parallel_loop3A_426] : memref<65536xf32, #tpu.memory_space<vmem>>[vector<16xi32>], vector<16xf32>,
      %parallel_loop3A_428 = arith.constant 48 : i32
      %parallel_loop3A_429 = arith.index_cast %parallel_loop3A_428 : i32 to index
      %parallel_loop3A_430 = arith.index_cast %parallel_loop3A_37 : i32 to index
      %parallel_loop3A_431 = tpu.vector_load %arg7[%parallel_loop3A_429, %parallel_loop3A_430] {strides = array<i32>} : memref<64x512xf32, #tpu.memory_space<vmem>>, vector<16xf32>,
      tpu.vector_store %arg7[%parallel_loop3A_429, %parallel_loop3A_430], %parallel_loop3A_427 {strides = array<i32>} : memref<64x512xf32, #tpu.memory_space<vmem>>, vector<16xf32>,
      %parallel_loop3A_432 = arith.constant 50176 : i32
      %parallel_loop3A_433 = vector.broadcast %parallel_loop3A_432 : i32 to vector<16xi32>
      %parallel_loop3A_434 = arith.addi %parallel_loop3A_39, %parallel_loop3A_433 : vector<16xi32>
      %parallel_loop3A_435 = tpu.vector_load_idx %arg5[%parallel_loop3A_434] : memref<65536xf32, #tpu.memory_space<vmem>>[vector<16xi32>], vector<16xf32>,
      %parallel_loop3A_436 = arith.constant 49 : i32
      %parallel_loop3A_437 = arith.index_cast %parallel_loop3A_436 : i32 to index
      %parallel_loop3A_438 = arith.index_cast %parallel_loop3A_37 : i32 to index
      %parallel_loop3A_439 = tpu.vector_load %arg7[%parallel_loop3A_437, %parallel_loop3A_438] {strides = array<i32>} : memref<64x512xf32, #tpu.memory_space<vmem>>, vector<16xf32>,
      tpu.vector_store %arg7[%parallel_loop3A_437, %parallel_loop3A_438], %parallel_loop3A_435 {strides = array<i32>} : memref<64x512xf32, #tpu.memory_space<vmem>>, vector<16xf32>,
      %parallel_loop3A_440 = arith.constant 51200 : i32
      %parallel_loop3A_441 = vector.broadcast %parallel_loop3A_440 : i32 to vector<16xi32>
      %parallel_loop3A_442 = arith.addi %parallel_loop3A_39, %parallel_loop3A_441 : vector<16xi32>
      %parallel_loop3A_443 = tpu.vector_load_idx %arg5[%parallel_loop3A_442] : memref<65536xf32, #tpu.memory_space<vmem>>[vector<16xi32>], vector<16xf32>,
      %parallel_loop3A_444 = arith.constant 50 : i32
      %parallel_loop3A_445 = arith.index_cast %parallel_loop3A_444 : i32 to index
      %parallel_loop3A_446 = arith.index_cast %parallel_loop3A_37 : i32 to index
      %parallel_loop3A_447 = tpu.vector_load %arg7[%parallel_loop3A_445, %parallel_loop3A_446] {strides = array<i32>} : memref<64x512xf32, #tpu.memory_space<vmem>>, vector<16xf32>,
      tpu.vector_store %arg7[%parallel_loop3A_445, %parallel_loop3A_446], %parallel_loop3A_443 {strides = array<i32>} : memref<64x512xf32, #tpu.memory_space<vmem>>, vector<16xf32>,
      %parallel_loop3A_448 = arith.constant 52224 : i32
      %parallel_loop3A_449 = vector.broadcast %parallel_loop3A_448 : i32 to vector<16xi32>
      %parallel_loop3A_450 = arith.addi %parallel_loop3A_39, %parallel_loop3A_449 : vector<16xi32>
      %parallel_loop3A_451 = tpu.vector_load_idx %arg5[%parallel_loop3A_450] : memref<65536xf32, #tpu.memory_space<vmem>>[vector<16xi32>], vector<16xf32>,
      %parallel_loop3A_452 = arith.constant 51 : i32
      %parallel_loop3A_453 = arith.index_cast %parallel_loop3A_452 : i32 to index
      %parallel_loop3A_454 = arith.index_cast %parallel_loop3A_37 : i32 to index
      %parallel_loop3A_455 = tpu.vector_load %arg7[%parallel_loop3A_453, %parallel_loop3A_454] {strides = array<i32>} : memref<64x512xf32, #tpu.memory_space<vmem>>, vector<16xf32>,
      tpu.vector_store %arg7[%parallel_loop3A_453, %parallel_loop3A_454], %parallel_loop3A_451 {strides = array<i32>} : memref<64x512xf32, #tpu.memory_space<vmem>>, vector<16xf32>,
      %parallel_loop3A_456 = arith.constant 53248 : i32
      %parallel_loop3A_457 = vector.broadcast %parallel_loop3A_456 : i32 to vector<16xi32>
      %parallel_loop3A_458 = arith.addi %parallel_loop3A_39, %parallel_loop3A_457 : vector<16xi32>
      %parallel_loop3A_459 = tpu.vector_load_idx %arg5[%parallel_loop3A_458] : memref<65536xf32, #tpu.memory_space<vmem>>[vector<16xi32>], vector<16xf32>,
      %parallel_loop3A_460 = arith.constant 52 : i32
      %parallel_loop3A_461 = arith.index_cast %parallel_loop3A_460 : i32 to index
      %parallel_loop3A_462 = arith.index_cast %parallel_loop3A_37 : i32 to index
      %parallel_loop3A_463 = tpu.vector_load %arg7[%parallel_loop3A_461, %parallel_loop3A_462] {strides = array<i32>} : memref<64x512xf32, #tpu.memory_space<vmem>>, vector<16xf32>,
      tpu.vector_store %arg7[%parallel_loop3A_461, %parallel_loop3A_462], %parallel_loop3A_459 {strides = array<i32>} : memref<64x512xf32, #tpu.memory_space<vmem>>, vector<16xf32>,
      %parallel_loop3A_464 = arith.constant 54272 : i32
      %parallel_loop3A_465 = vector.broadcast %parallel_loop3A_464 : i32 to vector<16xi32>
      %parallel_loop3A_466 = arith.addi %parallel_loop3A_39, %parallel_loop3A_465 : vector<16xi32>
      %parallel_loop3A_467 = tpu.vector_load_idx %arg5[%parallel_loop3A_466] : memref<65536xf32, #tpu.memory_space<vmem>>[vector<16xi32>], vector<16xf32>,
      %parallel_loop3A_468 = arith.constant 53 : i32
      %parallel_loop3A_469 = arith.index_cast %parallel_loop3A_468 : i32 to index
      %parallel_loop3A_470 = arith.index_cast %parallel_loop3A_37 : i32 to index
      %parallel_loop3A_471 = tpu.vector_load %arg7[%parallel_loop3A_469, %parallel_loop3A_470] {strides = array<i32>} : memref<64x512xf32, #tpu.memory_space<vmem>>, vector<16xf32>,
      tpu.vector_store %arg7[%parallel_loop3A_469, %parallel_loop3A_470], %parallel_loop3A_467 {strides = array<i32>} : memref<64x512xf32, #tpu.memory_space<vmem>>, vector<16xf32>,
      %parallel_loop3A_472 = arith.constant 55296 : i32
      %parallel_loop3A_473 = vector.broadcast %parallel_loop3A_472 : i32 to vector<16xi32>
      %parallel_loop3A_474 = arith.addi %parallel_loop3A_39, %parallel_loop3A_473 : vector<16xi32>
      %parallel_loop3A_475 = tpu.vector_load_idx %arg5[%parallel_loop3A_474] : memref<65536xf32, #tpu.memory_space<vmem>>[vector<16xi32>], vector<16xf32>,
      %parallel_loop3A_476 = arith.constant 54 : i32
      %parallel_loop3A_477 = arith.index_cast %parallel_loop3A_476 : i32 to index
      %parallel_loop3A_478 = arith.index_cast %parallel_loop3A_37 : i32 to index
      %parallel_loop3A_479 = tpu.vector_load %arg7[%parallel_loop3A_477, %parallel_loop3A_478] {strides = array<i32>} : memref<64x512xf32, #tpu.memory_space<vmem>>, vector<16xf32>,
      tpu.vector_store %arg7[%parallel_loop3A_477, %parallel_loop3A_478], %parallel_loop3A_475 {strides = array<i32>} : memref<64x512xf32, #tpu.memory_space<vmem>>, vector<16xf32>,
      %parallel_loop3A_480 = arith.constant 56320 : i32
      %parallel_loop3A_481 = vector.broadcast %parallel_loop3A_480 : i32 to vector<16xi32>
      %parallel_loop3A_482 = arith.addi %parallel_loop3A_39, %parallel_loop3A_481 : vector<16xi32>
      %parallel_loop3A_483 = tpu.vector_load_idx %arg5[%parallel_loop3A_482] : memref<65536xf32, #tpu.memory_space<vmem>>[vector<16xi32>], vector<16xf32>,
      %parallel_loop3A_484 = arith.constant 55 : i32
      %parallel_loop3A_485 = arith.index_cast %parallel_loop3A_484 : i32 to index
      %parallel_loop3A_486 = arith.index_cast %parallel_loop3A_37 : i32 to index
      %parallel_loop3A_487 = tpu.vector_load %arg7[%parallel_loop3A_485, %parallel_loop3A_486] {strides = array<i32>} : memref<64x512xf32, #tpu.memory_space<vmem>>, vector<16xf32>,
      tpu.vector_store %arg7[%parallel_loop3A_485, %parallel_loop3A_486], %parallel_loop3A_483 {strides = array<i32>} : memref<64x512xf32, #tpu.memory_space<vmem>>, vector<16xf32>,
      %parallel_loop3A_488 = arith.constant 57344 : i32
      %parallel_loop3A_489 = vector.broadcast %parallel_loop3A_488 : i32 to vector<16xi32>
      %parallel_loop3A_490 = arith.addi %parallel_loop3A_39, %parallel_loop3A_489 : vector<16xi32>
      %parallel_loop3A_491 = tpu.vector_load_idx %arg5[%parallel_loop3A_490] : memref<65536xf32, #tpu.memory_space<vmem>>[vector<16xi32>], vector<16xf32>,
      %parallel_loop3A_492 = arith.constant 56 : i32
      %parallel_loop3A_493 = arith.index_cast %parallel_loop3A_492 : i32 to index
      %parallel_loop3A_494 = arith.index_cast %parallel_loop3A_37 : i32 to index
      %parallel_loop3A_495 = tpu.vector_load %arg7[%parallel_loop3A_493, %parallel_loop3A_494] {strides = array<i32>} : memref<64x512xf32, #tpu.memory_space<vmem>>, vector<16xf32>,
      tpu.vector_store %arg7[%parallel_loop3A_493, %parallel_loop3A_494], %parallel_loop3A_491 {strides = array<i32>} : memref<64x512xf32, #tpu.memory_space<vmem>>, vector<16xf32>,
      %parallel_loop3A_496 = arith.constant 58368 : i32
      %parallel_loop3A_497 = vector.broadcast %parallel_loop3A_496 : i32 to vector<16xi32>
      %parallel_loop3A_498 = arith.addi %parallel_loop3A_39, %parallel_loop3A_497 : vector<16xi32>
      %parallel_loop3A_499 = tpu.vector_load_idx %arg5[%parallel_loop3A_498] : memref<65536xf32, #tpu.memory_space<vmem>>[vector<16xi32>], vector<16xf32>,
      %parallel_loop3A_500 = arith.constant 57 : i32
      %parallel_loop3A_501 = arith.index_cast %parallel_loop3A_500 : i32 to index
      %parallel_loop3A_502 = arith.index_cast %parallel_loop3A_37 : i32 to index
      %parallel_loop3A_503 = tpu.vector_load %arg7[%parallel_loop3A_501, %parallel_loop3A_502] {strides = array<i32>} : memref<64x512xf32, #tpu.memory_space<vmem>>, vector<16xf32>,
      tpu.vector_store %arg7[%parallel_loop3A_501, %parallel_loop3A_502], %parallel_loop3A_499 {strides = array<i32>} : memref<64x512xf32, #tpu.memory_space<vmem>>, vector<16xf32>,
      %parallel_loop3A_504 = arith.constant 59392 : i32
      %parallel_loop3A_505 = vector.broadcast %parallel_loop3A_504 : i32 to vector<16xi32>
      %parallel_loop3A_506 = arith.addi %parallel_loop3A_39, %parallel_loop3A_505 : vector<16xi32>
      %parallel_loop3A_507 = tpu.vector_load_idx %arg5[%parallel_loop3A_506] : memref<65536xf32, #tpu.memory_space<vmem>>[vector<16xi32>], vector<16xf32>,
      %parallel_loop3A_508 = arith.constant 58 : i32
      %parallel_loop3A_509 = arith.index_cast %parallel_loop3A_508 : i32 to index
      %parallel_loop3A_510 = arith.index_cast %parallel_loop3A_37 : i32 to index
      %parallel_loop3A_511 = tpu.vector_load %arg7[%parallel_loop3A_509, %parallel_loop3A_510] {strides = array<i32>} : memref<64x512xf32, #tpu.memory_space<vmem>>, vector<16xf32>,
      tpu.vector_store %arg7[%parallel_loop3A_509, %parallel_loop3A_510], %parallel_loop3A_507 {strides = array<i32>} : memref<64x512xf32, #tpu.memory_space<vmem>>, vector<16xf32>,
      %parallel_loop3A_512 = arith.constant 60416 : i32
      %parallel_loop3A_513 = vector.broadcast %parallel_loop3A_512 : i32 to vector<16xi32>
      %parallel_loop3A_514 = arith.addi %parallel_loop3A_39, %parallel_loop3A_513 : vector<16xi32>
      %parallel_loop3A_515 = tpu.vector_load_idx %arg5[%parallel_loop3A_514] : memref<65536xf32, #tpu.memory_space<vmem>>[vector<16xi32>], vector<16xf32>,
      %parallel_loop3A_516 = arith.constant 59 : i32
      %parallel_loop3A_517 = arith.index_cast %parallel_loop3A_516 : i32 to index
      %parallel_loop3A_518 = arith.index_cast %parallel_loop3A_37 : i32 to index
      %parallel_loop3A_519 = tpu.vector_load %arg7[%parallel_loop3A_517, %parallel_loop3A_518] {strides = array<i32>} : memref<64x512xf32, #tpu.memory_space<vmem>>, vector<16xf32>,
      tpu.vector_store %arg7[%parallel_loop3A_517, %parallel_loop3A_518], %parallel_loop3A_515 {strides = array<i32>} : memref<64x512xf32, #tpu.memory_space<vmem>>, vector<16xf32>,
      %parallel_loop3A_520 = arith.constant 61440 : i32
      %parallel_loop3A_521 = vector.broadcast %parallel_loop3A_520 : i32 to vector<16xi32>
      %parallel_loop3A_522 = arith.addi %parallel_loop3A_39, %parallel_loop3A_521 : vector<16xi32>
      %parallel_loop3A_523 = tpu.vector_load_idx %arg5[%parallel_loop3A_522] : memref<65536xf32, #tpu.memory_space<vmem>>[vector<16xi32>], vector<16xf32>,
      %parallel_loop3A_524 = arith.constant 60 : i32
      %parallel_loop3A_525 = arith.index_cast %parallel_loop3A_524 : i32 to index
      %parallel_loop3A_526 = arith.index_cast %parallel_loop3A_37 : i32 to index
      %parallel_loop3A_527 = tpu.vector_load %arg7[%parallel_loop3A_525, %parallel_loop3A_526] {strides = array<i32>} : memref<64x512xf32, #tpu.memory_space<vmem>>, vector<16xf32>,
      tpu.vector_store %arg7[%parallel_loop3A_525, %parallel_loop3A_526], %parallel_loop3A_523 {strides = array<i32>} : memref<64x512xf32, #tpu.memory_space<vmem>>, vector<16xf32>,
      %parallel_loop3A_528 = arith.constant 62464 : i32
      %parallel_loop3A_529 = vector.broadcast %parallel_loop3A_528 : i32 to vector<16xi32>
      %parallel_loop3A_530 = arith.addi %parallel_loop3A_39, %parallel_loop3A_529 : vector<16xi32>
      %parallel_loop3A_531 = tpu.vector_load_idx %arg5[%parallel_loop3A_530] : memref<65536xf32, #tpu.memory_space<vmem>>[vector<16xi32>], vector<16xf32>,
      %parallel_loop3A_532 = arith.constant 61 : i32
      %parallel_loop3A_533 = arith.index_cast %parallel_loop3A_532 : i32 to index
      %parallel_loop3A_534 = arith.index_cast %parallel_loop3A_37 : i32 to index
      %parallel_loop3A_535 = tpu.vector_load %arg7[%parallel_loop3A_533, %parallel_loop3A_534] {strides = array<i32>} : memref<64x512xf32, #tpu.memory_space<vmem>>, vector<16xf32>,
      tpu.vector_store %arg7[%parallel_loop3A_533, %parallel_loop3A_534], %parallel_loop3A_531 {strides = array<i32>} : memref<64x512xf32, #tpu.memory_space<vmem>>, vector<16xf32>,
      %parallel_loop3A_536 = arith.constant 63488 : i32
      %parallel_loop3A_537 = vector.broadcast %parallel_loop3A_536 : i32 to vector<16xi32>
      %parallel_loop3A_538 = arith.addi %parallel_loop3A_39, %parallel_loop3A_537 : vector<16xi32>
      %parallel_loop3A_539 = tpu.vector_load_idx %arg5[%parallel_loop3A_538] : memref<65536xf32, #tpu.memory_space<vmem>>[vector<16xi32>], vector<16xf32>,
      %parallel_loop3A_540 = arith.constant 62 : i32
      %parallel_loop3A_541 = arith.index_cast %parallel_loop3A_540 : i32 to index
      %parallel_loop3A_542 = arith.index_cast %parallel_loop3A_37 : i32 to index
      %parallel_loop3A_543 = tpu.vector_load %arg7[%parallel_loop3A_541, %parallel_loop3A_542] {strides = array<i32>} : memref<64x512xf32, #tpu.memory_space<vmem>>, vector<16xf32>,
      tpu.vector_store %arg7[%parallel_loop3A_541, %parallel_loop3A_542], %parallel_loop3A_539 {strides = array<i32>} : memref<64x512xf32, #tpu.memory_space<vmem>>, vector<16xf32>,
      %parallel_loop3A_544 = arith.constant 64512 : i32
      %parallel_loop3A_545 = vector.broadcast %parallel_loop3A_544 : i32 to vector<16xi32>
      %parallel_loop3A_546 = arith.addi %parallel_loop3A_39, %parallel_loop3A_545 : vector<16xi32>
      %parallel_loop3A_547 = tpu.vector_load_idx %arg5[%parallel_loop3A_546] : memref<65536xf32, #tpu.memory_space<vmem>>[vector<16xi32>], vector<16xf32>,
      %parallel_loop3A_548 = arith.constant 63 : i32
      %parallel_loop3A_549 = arith.index_cast %parallel_loop3A_548 : i32 to index
      %parallel_loop3A_550 = arith.index_cast %parallel_loop3A_37 : i32 to index
      %parallel_loop3A_551 = tpu.vector_load %arg7[%parallel_loop3A_549, %parallel_loop3A_550] {strides = array<i32>} : memref<64x512xf32, #tpu.memory_space<vmem>>, vector<16xf32>,
      tpu.vector_store %arg7[%parallel_loop3A_549, %parallel_loop3A_550], %parallel_loop3A_547 {strides = array<i32>} : memref<64x512xf32, #tpu.memory_space<vmem>>, vector<16xf32>,
    } {sc.loop_unroll_factor = 2 : i64, sc.parallel_access}
    "tpu.region"() ({
      %run_scoped3A_35 = tpu.sem_alloc : memref<!tpu.dma_semaphore, #tpu.memory_space<semaphore_mem>>
      %dma_start3A = arith.constant 0 : i32
      %dma_start3A_36 = tpu.memref_slice %arg4[%select_n3A, %dma_start3A, %mul3A_32] : memref<16x64x1024xf32, #tpu.memory_space<hbm>> -> memref<1x64x512xf32, #tpu.memory_space<hbm>>
      %dma_start3A_37 = tpu.memref_squeeze %dma_start3A_36 : memref<1x64x512xf32, #tpu.memory_space<hbm>> -> memref<64x512xf32, #tpu.memory_space<hbm>>
      %dma_start3A_38 = arith.constant 0 : i32
      %dma_start3A_39 = tpu.memref_slice %arg4[%select_n3A, %dma_start3A_38, %mul3A_32] : memref<16x64x1024xf32, #tpu.memory_space<hbm>> -> memref<1x64x512xf32, #tpu.memory_space<hbm>>
      %dma_start3A_40 = tpu.memref_squeeze %dma_start3A_39 : memref<1x64x512xf32, #tpu.memory_space<hbm>> -> memref<64x512xf32, #tpu.memory_space<hbm>>
      tpu.enqueue_dma source(%arg7 : memref<64x512xf32, #tpu.memory_space<vmem>>) target(%dma_start3A_40 : memref<64x512xf32, #tpu.memory_space<hbm>>) target_semaphore(%run_scoped3A_35 : memref<!tpu.dma_semaphore, #tpu.memory_space<semaphore_mem>>)
      %dma_wait3A = arith.constant 0 : i32
      %dma_wait3A_41 = tpu.memref_slice %arg4[%select_n3A, %dma_wait3A, %mul3A_32] : memref<16x64x1024xf32, #tpu.memory_space<hbm>> -> memref<1x64x512xf32, #tpu.memory_space<hbm>>
      %dma_wait3A_42 = tpu.memref_squeeze %dma_wait3A_41 : memref<1x64x512xf32, #tpu.memory_space<hbm>> -> memref<64x512xf32, #tpu.memory_space<hbm>>
      %dma_wait3A_43 = arith.constant 0 : i32
      %dma_wait3A_44 = tpu.memref_slice %arg4[%select_n3A, %dma_wait3A_43, %mul3A_32] : memref<16x64x1024xf32, #tpu.memory_space<hbm>> -> memref<1x64x512xf32, #tpu.memory_space<hbm>>
      %dma_wait3A_45 = tpu.memref_squeeze %dma_wait3A_44 : memref<1x64x512xf32, #tpu.memory_space<hbm>> -> memref<64x512xf32, #tpu.memory_space<hbm>>
      tpu.wait_dma2 semaphore(%run_scoped3A_35 : memref<!tpu.dma_semaphore, #tpu.memory_space<semaphore_mem>>) src(%arg7 : memref<64x512xf32, #tpu.memory_space<vmem>>) dst(%dma_wait3A_45 : memref<64x512xf32, #tpu.memory_space<hbm>>)
      tpu.yield
    }) : () -> ()
    return
  }
}

module attributes {stable_mosaic.version = 14 : i64} {
  func.func @_vq_body(%arg0: i32, %arg1: memref<1x64x1024xf32, #tpu.memory_space<vmem>>, %arg2: memref<1024x1xf32, #tpu.memory_space<vmem>>, %arg3: memref<1024x64xf32, #tpu.memory_space<vmem>>, %arg4: memref<1x1x1024xi32, #tpu.memory_space<vmem>>, %arg5: memref<1x1xf32, #tpu.memory_space<vmem>>) attributes {dimension_semantics = [#tpu.dimension_semantics<arbitrary>], iteration_bounds = array<i64: 16>, scalar_prefetch = 0 : i64, scratch_operands = 0 : i64, tpu.core_type = #tpu.core_type<tc>, window_params = [{transform_indices = @transform_0, window_bounds = array<i64: 1, 64, 1024>}, {pipeline_mode = #tpu.pipeline_mode<synchronous>, transform_indices = @transform_1, window_bounds = array<i64: 1024, 1>}, {pipeline_mode = #tpu.pipeline_mode<synchronous>, transform_indices = @transform_2, window_bounds = array<i64: 1024, 64>}, {transform_indices = @transform_3, window_bounds = array<i64: 1, 1, 1024>}, {pipeline_mode = #tpu.pipeline_mode<synchronous>, transform_indices = @transform_4, window_bounds = array<i64: 1, 1>}]} {
    %get3A = arith.constant 0 : index
    %get3A_0 = arith.constant 0 : index
    %get3A_1 = arith.constant 0 : index
    %get3A_2 = vector.load %arg1[%get3A, %get3A_0, %get3A_1] : memref<1x64x1024xf32, #tpu.memory_space<vmem>>, vector<1x64x1024xf32>
    %get3A_3 = vector.shape_cast %get3A_2 : vector<1x64x1024xf32> to vector<64x1024xf32>
    %mul3A = arith.mulf %get3A_3, %get3A_3 : vector<64x1024xf32>
    %reduce_sum3A = arith.constant dense<0.000000e+00> : vector<1024xf32>
    %reduce_sum3A_4 = vector.multi_reduction <add>, %mul3A, %reduce_sum3A [0] : vector<64x1024xf32> to vector<1024xf32>
    %broadcast_in_dim3A = vector.shape_cast %reduce_sum3A_4 : vector<1024xf32> to vector<1x1024xf32>
    %get3A_5 = arith.constant 0 : index
    %get3A_6 = arith.constant 0 : index
    %get3A_7 = vector.load %arg2[%get3A_5, %get3A_6] : memref<1024x1xf32, #tpu.memory_space<vmem>>, vector<1024x1xf32>
    %get3A_8 = arith.constant 0 : index
    %get3A_9 = arith.constant 0 : index
    %get3A_10 = vector.load %arg3[%get3A_8, %get3A_9] : memref<1024x64xf32, #tpu.memory_space<vmem>>, vector<1024x64xf32>
    %dot_general3A = arith.constant dense<0.000000e+00> : vector<1024x1024xf32>
    %dot_general3A_11 = tpu.matmul %get3A_10, %get3A_3, %dot_general3A {dimension_numbers = #tpu.dot_dimension_numbers<[1], [0], [0], [1], [0, 0, 1, 1], [], []>, transpose_lhs_hint = false} : vector<1024x64xf32>, vector<64x1024xf32>, vector<1024x1024xf32> -> vector<1024x1024xf32>
    %add3A = vector.broadcast %broadcast_in_dim3A : vector<1x1024xf32> to vector<1024x1024xf32>
    %add3A_12 = vector.broadcast %get3A_7 : vector<1024x1xf32> to vector<1024x1024xf32>
    %add3A_13 = arith.addf %add3A, %add3A_12 : vector<1024x1024xf32>
    %add3A_14 = arith.addf %add3A_13, %dot_general3A_11 : vector<1024x1024xf32>
    %reduce_min3A = arith.constant dense<0x7F800000> : vector<1024xf32>
    %reduce_min3A_15 = vector.multi_reduction <minimumf>, %add3A_14, %reduce_min3A [0] : vector<1024x1024xf32> to vector<1024xf32>
    %broadcast_in_dim3A_16 = vector.shape_cast %reduce_min3A_15 : vector<1024xf32> to vector<1x1024xf32>
    %iota3A = tpu.iota {dimensions = array<i32: 0>} : vector<1024x1024xi32>
    %eq3A = vector.broadcast %broadcast_in_dim3A_16 : vector<1x1024xf32> to vector<1024x1024xf32>
    %eq3A_17 = arith.cmpf oeq, %add3A_14, %eq3A : vector<1024x1024xf32>
    %jit3A = arith.constant 1024 : i32
    %broadcast_in_dim3A_18 = vector.broadcast %jit3A : i32 to vector<1024x1024xi32>
    %select_n3A = arith.select %eq3A_17, %iota3A, %broadcast_in_dim3A_18 : vector<1024x1024xi1>, vector<1024x1024xi32>
    %reduce_min3A_19 = arith.constant dense<2147483647> : vector<1024xi32>
    %reduce_min3A_20 = vector.multi_reduction <minsi>, %select_n3A, %reduce_min3A_19 [0] : vector<1024x1024xi32> to vector<1024xi32>
    %broadcast_in_dim3A_21 = vector.shape_cast %reduce_min3A_20 : vector<1024xi32> to vector<1x1024xi32>
    %swap3A = arith.constant 0 : index
    %swap3A_22 = arith.constant 0 : index
    %swap3A_23 = arith.constant 0 : index
    %swap3A_24 = vector.load %arg4[%swap3A, %swap3A_22, %swap3A_23] : memref<1x1x1024xi32, #tpu.memory_space<vmem>>, vector<1x1x1024xi32>
    %swap3A_25 = vector.shape_cast %swap3A_24 : vector<1x1x1024xi32> to vector<1x1024xi32>
    %swap3A_26 = vector.shape_cast %broadcast_in_dim3A_21 : vector<1x1024xi32> to vector<1x1x1024xi32>
    tpu.vector_store %arg4[%swap3A, %swap3A_22, %swap3A_23], %swap3A_26 {strides = array<i32>} : memref<1x1x1024xi32, #tpu.memory_space<vmem>>, vector<1x1x1024xi32>,
    %reduce_sum3A_27 = vector.shape_cast %broadcast_in_dim3A_16 : vector<1x1024xf32> to vector<1x1x1024xf32>
    %reduce_sum3A_28 = arith.constant dense<0.000000e+00> : vector<1xf32>
    %reduce_sum3A_29 = vector.multi_reduction <add>, %reduce_sum3A_27, %reduce_sum3A_28 [1, 2] : vector<1x1x1024xf32> to vector<1xf32>
    %reduce_sum3A_30 = vector.shape_cast %reduce_sum3A_29 : vector<1xf32> to vector<1x1x1xf32>
    %reduce_sum3A_31 = vector.extract %reduce_sum3A_30[0, 0, 0] : f32 from vector<1x1x1xf32>
    %broadcast_in_dim3A_32 = vector.broadcast %reduce_sum3A_31 : f32 to vector<1x1xf32>
    %eq3A_33 = arith.constant 0 : i32
    %eq3A_34 = arith.cmpi eq, %arg0, %eq3A_33 : i32
    %broadcast_in_dim3A_35 = arith.constant 0.000000e+00 : f32
    %broadcast_in_dim3A_36 = vector.broadcast %broadcast_in_dim3A_35 : f32 to vector<1x1xf32>
    %get3A_37 = arith.constant 0 : index
    %get3A_38 = arith.constant 0 : index
    %get3A_39 = vector.load %arg5[%get3A_37, %get3A_38] : memref<1x1xf32, #tpu.memory_space<vmem>>, vector<1x1xf32>
    %select_n3A_40 = arith.select %eq3A_34, %broadcast_in_dim3A_36, %get3A_39 : vector<1x1xf32>
    %add3A_41 = arith.addf %select_n3A_40, %broadcast_in_dim3A_32 : vector<1x1xf32>
    %eq3A_42 = arith.constant 15 : i32
    %eq3A_43 = arith.cmpi eq, %arg0, %eq3A_42 : i32
    %div3A = arith.constant 0x49800000 : f32
    %div3A_44 = vector.broadcast %div3A : f32 to vector<1x1xf32>
    %div3A_45 = arith.divf %add3A_41, %div3A_44 : vector<1x1xf32>
    %select_n3A_46 = arith.select %eq3A_43, %div3A_45, %add3A_41 : vector<1x1xf32>
    %swap3A_47 = arith.constant 0 : index
    %swap3A_48 = arith.constant 0 : index
    %swap3A_49 = vector.load %arg5[%swap3A_47, %swap3A_48] : memref<1x1xf32, #tpu.memory_space<vmem>>, vector<1x1xf32>
    tpu.vector_store %arg5[%swap3A_47, %swap3A_48], %select_n3A_46 {strides = array<i32>} : memref<1x1xf32, #tpu.memory_space<vmem>>, vector<1x1xf32>,
    return
  }
  func.func @transform_0(%arg0: i32) -> (i32, i32, i32) {
    %c0_i32 = arith.constant 0 : i32
    %c0_i32_0 = arith.constant 0 : i32
    %c0_i32_1 = arith.constant 0 : i32
    return %arg0, %c0_i32, %c0_i32_0 : i32, i32, i32
  }
  func.func @transform_1(%arg0: i32) -> (i32, i32) {
    %c0_i32 = arith.constant 0 : i32
    %c0_i32_0 = arith.constant 0 : i32
    %c0_i32_1 = arith.constant 0 : i32
    return %c0_i32, %c0_i32_0 : i32, i32
  }
  func.func @transform_2(%arg0: i32) -> (i32, i32) {
    %c0_i32 = arith.constant 0 : i32
    %c0_i32_0 = arith.constant 0 : i32
    %c0_i32_1 = arith.constant 0 : i32
    return %c0_i32, %c0_i32_0 : i32, i32
  }
  func.func @transform_3(%arg0: i32) -> (i32, i32, i32) {
    %c0_i32 = arith.constant 0 : i32
    %c0_i32_0 = arith.constant 0 : i32
    %c0_i32_1 = arith.constant 0 : i32
    return %arg0, %c0_i32, %c0_i32_0 : i32, i32, i32
  }
  func.func @transform_4(%arg0: i32) -> (i32, i32) {
    %c0_i32 = arith.constant 0 : i32
    %c0_i32_0 = arith.constant 0 : i32
    %c0_i32_1 = arith.constant 0 : i32
    return %c0_i32, %c0_i32_0 : i32, i32
  }
}

</mosaic_0001>

<sc_bundles>
// kernel: kernel.4.cloned.1.call-start
scs
__scs_entry_jumppad:
0x0: {  	(pc) =	sbr.rel $0x88, $3  }
0x1: {  	(tag) =	ssettag $0x0;
	lr =	simm.s32 $0x1  }
0x2: {  	[smem:$0x3F9F] =	sst lr;
	_ =	strace $0xD0000000  }
0x3: {  	_ = 	snop  }
0x4: {  	_ = 	snop  }
0x5: {  	_ = 	snop  }
0x6: {  	_ = 	snop  }
0x7: {  	_ = 	snop  }
__scs_overlays_trampoline_lowered:
0x8: {  	[smem:$0x3FAE] =	sst s0  }
0x9: {  	[smem:$0x3FAF] =	sst s1  }
0xa: {  	[smem:$0x3FB0] =	sst s2  }
0xb: {  	[smem:$0x3FB1] =	sst s3  }
0xc: {  	[smem:$0x3FB2] =	sst s4  }
0xd: {  	[smem:$0x3FB3] =	sst s5  }
0xe: {  	[smem:$0x3FB4] =	sst s6  }
0xf: {  	[smem:$0x3FB5] =	sst s7  }
0x10: {  	[smem:$0x3FB6] =	sst s8  }
0x11: {  	[smem:$0x3FB7] =	sst s9;
	s0 =	simm.s32 @!p0 $0x0  }
0x12: {  	s1 =	sld [smem:$0x3F9D];
	s0 =	simm.s32 @p0 $0x1  }
0x13: {  	[smem:$0x3FB8] =	sst s0;
	s0 =	simm.s32 @!p1 $0x0  }
0x14: {  	s2 =	sld [smem:$0x3F9C];
	s0 =	simm.s32 @p1 $0x1  }
0x15: {  	[smem:$0x3FB9] =	sst s0;
	s0 =	simm.s32 @!p2 $0x0  }
0x16: {  	s3 =	sld [smem:$0x3FDB];
	s0 =	simm.s32 @p2 $0x1  }
0x17: {  	s4 =	simm.s32 $0x1BF5;
	[smem:$0x3FBB] =	sst s0  }
0x18: {  	s0 =	sld [smem:$0x3F9E];
	_ =	swait.ge [sflag:s4], $0x0  }
0x19: {  	s7 =	sld [smem:$0x3F9F]  }
0x1a: {  	s8 =	sadd.s32 $0xFFFFE003, lr  }
0x1b: {  	s9 =	sadd.s32 $0xFFFFFEF7, lr;
	s5 =	simm.s32 $0xFFFFFFFF;
	p2 =	slt.u32 s8, $0xFFFFF086  }
0x1c: {  	p1 =	slt.u32 s9, $0xF7A;
	s5 =	simm.s32 @!p2 $0x0  }
0x1d: {  	s5 =	simm.s32 @p1 $0x1;
	p0 =	seq.s32 s7, s2  }
0x1e: {  	s7 =	smul.u32 @!p0 $0xF7A, s2;
	p2 =	seq.s32 @!p0 s5, $0x0  }
0x1f: {  	s9 =	smul.u32 $0xF7A, s1;
	s8 =	simm.s32 @!p0 $0x1BF5;
	p2 =	por !p2, p0  }
0x20: {  	[sflag:s8] =	ssyncset.s32 @!p0 $0xFFFFF086;
	s6 =	sadd.s32 @!p0 s3, s7;
	s7 =	simm.s32 @!p0 $0x108  }
0x21: {  	s3 =	sadd.s32 s3, s9;
	s6 =	sadd.s32 @!p0 $0x88, s6;
	s7 =	simm.s32 @p2 $0x1082  }
0x22: {  	[simem:s7], [sflag:s8] =	dma.local @!p0 [hbm:s6], $0xF7A  }
0x23: {  	s9 =	sor.u32 $0xD0000000, s2;
	s6 =	simm.s32 $0x108;
	_ =	swait.ge @!p0 [sflag:s8], $0x0  }
0x24: {  	s3 =	sadd.s32 $0x88, s3;
	s6 =	simm.s32 @!p1 $0x1082;
	[sflag:s4] =	ssyncset.s32 $0xFFFFF086  }
0x25: {  	[simem:s6], [sflag:s4] =	dma.local [hbm:s3], $0xF7A  }
0x26: {  	[smem:$0x3F9F] =	sst s1;
	(tag) =	ssettag s2;
	_ =	strace s9  }
0x27: {  	s1 =	sld [smem:$0x3FAF]  }
0x28: {  	s2 =	sld [smem:$0x3FB0]  }
0x29: {  	s4 =	sld [smem:$0x3FB2]  }
0x2a: {  	p0 =	seq.s32 s5, $0x0;
	s5 =	sld [smem:$0x3FB3]  }
0x2b: {  	s6 =	sld [smem:$0x3FB4]  }
0x2c: {  	s7 =	sld [smem:$0x3FB5]  }
0x2d: {  	s3 =	simm.s32 $0x108;
	s8 =	sld [smem:$0x3FB6]  }
0x2e: {  	s3 =	simm.s32 @!p0 $0x1082;
	s9 =	sld [smem:$0x3FB7]  }
0x2f: {  	lr =	sadd.s32 s0, s3;
	s0 =	sld [smem:$0x3FAE]  }
0x30: {  	s3 =	sld [smem:$0x3FB1]  }
0x31: {  	[smem:$0x3FBA] =	sst s10  }
0x32: {  	s10 =	sld [smem:$0x3FB8];
	_ =	sdelay $0x3  }
0x33: {  	p0 =	seq.s32 s10, $0x1;
	s10 =	sld [smem:$0x3FBA];
	_ =	sdelay $0x3  }
0x34: {  	[smem:$0x3FBA] =	sst s10  }
0x35: {  	s10 =	sld [smem:$0x3FB9];
	_ =	sdelay $0x3  }
0x36: {  	p1 =	seq.s32 s10, $0x1;
	s10 =	sld [smem:$0x3FBA];
	_ =	sdelay $0x3  }
0x37: {  	[smem:$0x3FBA] =	sst s10  }
0x38: {  	s10 =	sld [smem:$0x3FBB]  }
0x39: {  	_ = 	snop;
	(pc) =	sbr.ind lr, $3  }
0x3a: {  	_ = 	snop  }
0x3b: {  	_ = 	snop  }
0x3c: {  	p2 =	seq.s32 s10, $0x1;
	s10 =	sld [smem:$0x3FBA]  }
0x3d: {  	_ =	shalt  }
0x3e: {  	_ =	shalt  }
0x3f: {  	_ =	shalt  }
0x40: {  	_ =	shalt  }
0x41: {  	_ =	shalt  }
0x42: {  	_ =	shalt  }
0x43: {  	_ =	shalt  }
0x44: {  	_ =	shalt  }
0x45: {  	_ =	shalt  }
0x46: {  	_ =	shalt  }
0x47: {  	_ =	shalt  }
0x48: {  	_ =	shalt  }
0x49: {  	_ =	shalt  }
0x4a: {  	_ =	shalt  }
0x4b: {  	_ =	shalt  }
0x4c: {  	_ =	shalt  }
0x4d: {  	_ =	shalt  }
0x4e: {  	_ =	shalt  }
0x4f: {  	_ =	shalt  }
0x50: {  	_ =	shalt  }
0x51: {  	_ =	shalt  }
0x52: {  	_ =	shalt  }
0x53: {  	_ =	shalt  }
0x54: {  	_ =	shalt  }
0x55: {  	_ =	shalt  }
0x56: {  	_ =	shalt  }
0x57: {  	_ =	shalt  }
0x58: {  	_ =	shalt  }
0x59: {  	_ =	shalt  }
0x5a: {  	_ =	shalt  }
0x5b: {  	_ =	shalt  }
0x5c: {  	_ =	shalt  }
0x5d: {  	_ =	shalt  }
0x5e: {  	_ =	shalt  }
0x5f: {  	_ =	shalt  }
0x60: {  	_ =	shalt  }
0x61: {  	_ =	shalt  }
0x62: {  	_ =	shalt  }
0x63: {  	_ =	shalt  }
0x64: {  	_ =	shalt  }
0x65: {  	_ =	shalt  }
0x66: {  	_ =	shalt  }
0x67: {  	_ =	shalt  }
0x68: {  	_ =	shalt  }
0x69: {  	_ =	shalt  }
0x6a: {  	_ =	shalt  }
0x6b: {  	_ =	shalt  }
0x6c: {  	_ =	shalt  }
0x6d: {  	_ =	shalt  }
0x6e: {  	_ =	shalt  }
0x6f: {  	_ =	shalt  }
0x70: {  	_ =	shalt  }
0x71: {  	_ =	shalt  }
0x72: {  	_ =	shalt  }
0x73: {  	_ =	shalt  }
0x74: {  	_ =	shalt  }
0x75: {  	_ =	shalt  }
0x76: {  	_ =	shalt  }
0x77: {  	_ =	shalt  }
0x78: {  	_ =	shalt  }
0x79: {  	_ =	shalt  }
0x7a: {  	_ =	shalt  }
0x7b: {  	_ =	shalt  }
0x7c: {  	_ =	shalt  }
0x7d: {  	_ =	shalt  }
0x7e: {  	_ =	shalt  }
0x7f: {  	_ =	shalt  }
0x80: {  	_ =	shalt  }
0x81: {  	_ =	shalt  }
0x82: {  	_ =	shalt  }
0x83: {  	_ =	shalt  }
0x84: {  	_ =	shalt  }
0x85: {  	_ =	shalt  }
0x86: {  	_ =	shalt  }
0x87: {  	_ =	shalt  }
.Lfunc_end0:
.L_simem_size_0:
called_computation_lowered:
.L_overlay_start_0:
0x88: {  	s2 =	sld [smem:$0x3FD9]  }
0x89: {  	s3 =	sld [smem:$0x3FFE];
	_ =	sdelay $0x1  }
0x8a: {  	s1 =	srdreg.scid  }
0x8b: {  	s0 =	sand.u32 $0x1, s1  }
0x8c: {  	s14 =	sshll.u32 s0, $0xA;
	s2 =	sadd.s32 s3, s2  }
0x8d: {  	s2 =	sadd.s32 s2, s14  }
0x8e: {  	[smem:$0x3FC6] =	sst s2  }
0x8f: {  	_ = 	snop  }
0x90: {  	s2 =	sld [smem:$0x3FD0];
	_ =	sdelay $0x2  }
0x91: {  	s15 =	simm.s32 $0xA;
	s4 =	simm.s32 $0x10  }
0x92: {  	[smem:s4], [sflag:s15] =	dma.local [hbm:s2], $0x1  }
0x93: {  	_ =	swait.eq [sflag:s15], $0x1  }
0x94: {  	[sflag:s15] =	ssyncset.done $0x0  }
0x95: {  	[sflag:s15] =	ssyncadd.s32 $0xFFFFFFFF  }
0x96: {  	s16 =	sld [smem:$0x10];
	(tm) =	ssettm $0x1  }
0x97: {  	s17 =	sld [smem:$0x3FFB];
	_ =	sdelay $0x3  }
0x98: {  	_ =	strace s17  }
0x99: {  	s3 =	sld [smem:$0x3FFC];
	_ =	sdelay $0x3  }
0x9a: {  	_ =	strace s3  }
0x9b: {  	s3 =	sld [smem:$0x3FFD];
	_ =	sdelay $0x3  }
0x9c: {  	_ =	strace s3  }
0x9d: {  	_ =	strace $0x8FFFFFFF  }
0x9e: {  	s18 =	sld [smem:$0x3FDB];
	_ =	sdelay $0x1  }
0x9f: {  	s19 =	simm.s32 $_scs_section_size  }
0xa0: {  	s5 =	simm.s32 $_size__tile_overlayer_lowered;
	s6 =	simm.s32 $_tile_overlayer_lowered  }
0xa1: {  	s22 =	simm.s32 $0x1BFF;
	s21 =	sshll.u32 s6, $0x1;
	s3 =	sadd.s32 s19, s18  }
0xa2: {  	s7 =	simm.s32 $0x0;
	s20 =	sshll.u32 s5, $0x1;
	s5 =	sadd.s32 s21, s3  }
0xa3: {  	[timem:s7], [sflag:s22] =	dma.local [hbm:s5], s20  }
0xa4: {  	_ =	swait.ge [sflag:s22], s20  }
0xa5: {  	s4 =	ssub.s32 $0x0, s20;
	[sflag:s22] =	ssyncset.done $0x0  }
0xa6: {  	[sflag:s22] =	ssyncadd.s32 s4;
	_ =	sdelay $0x1  }
0xa7: {  	s23 =	simm.s32 $0x1B8B  }
0xa8: {  	_ =	swait.ge [sflag:s23], $0x1  }
0xa9: {  	[sflag:s23] =	ssyncset.done $0x0  }
0xaa: {  	s25 =	simm.s32 $0x1B8E;
	s24 =	sld [smem:$0x3FFE];
	[sflag:s23] =	ssyncadd.s32 $0xFFFFFFFF  }
0xab: {  	s26 =	simm.s32 $execute0_lowered;
	[smem:$0x3FD2] =	sst s25  }
0xac: {  	s5 =	sshll.u32 s26, $0x1;
	_ =	strace $0x80000046;
	[dreg:$0x1] =	wrdreg $0xFFFFFFFF  }
0xad: {  	s28 =	simm.s32 $_size_execute0_lowered;
	s3 =	sadd.s32 s3, s5;
	[dreg:$0x0] =	wrdreg $0x0  }
0xae: {  	s5 =	sshll.u32 s28, $0x1;
	[dreg:$0x2] =	wrdreg s3  }
0xaf: {  	[dreg:$0x3] =	wrdreg s5  }
0xb0: {  	[dreg:$0x4] =	wrdreg $0xC0  }
0xb1: {  	_ =	task [dreg:s7], $0x5FFFF  }
0xb2: {  	[dreg:$0x1] =	wrdreg $0xFFFFFFFF  }
0xb3: {  	[dreg:$0x0] =	wrdreg $0x60  }
0xb4: {  	[dreg:$0x2] =	wrdreg s16  }
0xb5: {  	[dreg:$0x3] =	wrdreg s24  }
0xb6: {  	[dreg:$0x4] =	wrdreg $0x9  }
0xb7: {  	_ =	task.clear_ibuf [dreg:s7], $0x5FFFF;
	_ =	strace $0x90000046  }
0xb8: {  	s29 =	simm.s32 $0x9;
	_ =	strace $0x80000048  }
0xb9: {  	_ =	swait.ge [sflag:s29], $0x1  }
0xba: {  	[sflag:s29] =	ssyncadd.s32 $0xFFFFFFFF  }
0xbb: {  	_ =	strace $0x90000048  }
0xbc: {  	_ =	sfence  }
0xbd: {  	s30 =	sld [smem:$0x0];
	_ =	sdelay $0x2  }
0xbe: {  	s31 =	sshll.u32 s1, $0xD;
	s1 =	sshrl.u32 s1, $0x2  }
0xbf: {  	s3 =	sand.u32 $0x4000, s31;
	s1 =	sadd.s32 s1, s30  }
0xc0: {  	s0 =	sor.u32 s3, s0;
	s1 =	sshll.u32 s1, $0x11  }
0xc1: {  	s0 =	sor.u32 s1, s0  }
0xc2: {  	s0 =	sadd.s32 $0x8F2B, s0  }
0xc3: {  	[sflag:s0] =	ssyncadd.remote.s32 $0x1  }
0xc4: {  	_ =	sfence.sel $0xFFFF  }
0xc5: {  	[dreg:$0x0] =	wrdreg $0xFFFFFFFF;
	(pc) =	sbr.abs _section_cstart, $3  }
0xc6: {  	[dreg:$0x1] =	wrdreg $0xFFFFFFFF  }
0xc7: {  	_ =	task.clear_ibuf [dreg:s7], $0x2FFFF;
	_ =	strace $0x9FFFFFFF  }
0xc8: {  	(tm) =	ssettm $0x7FFFFFFF  }
0xc9: {  	_ =	shalt  }
tec
execute0_lowered:
.L_overlay_start_1:
0x0: {  	(tag) =	ssettag $0x1  }
0x1: {  	s0 =	srdreg.scid  }
0x2: {  	s4 =	stileid.u32;
	s0 =	sand.u32 $0x1, s0  }
0x3: {  	s1 =	sor.u32 s0, s4  }
0x4: {  	p1 =	seq.s32 s0, $0x1;
	p0 =	seq.s32 s1, $0x0  }
0x5: {  	s2 =	rddreg [dreg:$0x1];
	p0 =	por !p0, !p1  }
0x6: {  	s3 =	simm.s32 $0x0;
	s1 =	simm.s32 $0x1;
	p0 =	por !p0, !p0  }
0x7: {  	[smem:$0x7FF] =	sst s3;
	s1 =	simm.s32 @!p0 $0x0  }
0x8: {  	_ =	strace $0x80000047;
	s5 =	sshll.u32 s0, $0x9;
	s1 =	ssub.s32 s4, s1  }
0x9: {  	s29 =	sshll.u32 s0, $0xC;
	s0 =	ssub.s32 $0x2, s0;
	s6 =	sshll.u32 s1, $0xA  }
0xa: {  	s30 =	sshrl.u32 s0, $0x1;
	s1 =	sshll.u32 s1, $0x10;
	s5 =	sor.u32 s5, s6  }
0xb: {  	s0 =	ssub.s32 s0, s30;
	s1 =	sor.u32 s29, s1;
	s5 =	sshrl.u32 s5, $0x3  }
0xc: {  	s0 =	smax.u32 s0, $0x1;
	s1 =	sshrl.u32 s1, $0x3;
	s5 =	sadd.s32 s5, s2  }
0xd: {  	[dreg:$0x6] =	wrdreg s0;
	s1 =	sadd.s32 s1, s2;
	s31 =	sadd.s32 $0x200, s5  }
0xe: {  	s1 =	sadd.s32 $0xA00, s1;
	[dreg:$0x4] =	wrdreg s31  }
0xf: {  	s4 =	simm.s32 $0x1;
	[dreg:$0x5] =	wrdreg s1;
	s1 =	simm.s32 $0x0  }
.LBB2_1:
0x10: {  	[dreg:$0x7] =	wrdreg s1  }
0x11: {  	s0 =	rddreg [dreg:$0x0]  }
0x12: {  	[tilespmem:s3], [sflag:$0x1] =	stream.linear.gather [hbm4b:s0+s3], $0x10000, $0x38;
	[tilespmem:$0x18200] =	vst v63  }
0x13: {  	_ =	swait.ge [sflag:s4], $0x10000  }
0x14: {  	[sflag:s4] =	ssyncset.done $0x0  }
0x15: {  	s8 =	simm.s32 $0x10000;
	s9 =	rddreg [dreg:$0x4];
	[sflag:s4] =	ssyncadd.s32 $0xFFFF0000  }
0x16: {  	[tilespmem:s8], [sflag:$0x1] =	stream.linear.gather [hbm4b:s9+s3], $0x200, $0x38;
	[tilespmem:$0x18200] =	vst v63  }
0x17: {  	s21 =	sand.u32 $0x60, s3;
	_ =	swait.ge [sflag:s4], $0x200  }
0x18: {  	s10 =	sand.u32 $0x180, s3;
	s22 =	sor.u32 $0x10, s21;
	[sflag:s4] =	ssyncset.done $0x0  }
0x19: {  	s1 =	sor.u32 s22, s10;
	[sflag:s4] =	ssyncadd.s32 $0xFFFFFE00  }
0x1a: {  	v7 =	vld [tilespmem:s1+$0x10000]  }
0x1b: {  	v2 =	vld [tilespmem:s8+$0x0];
	_ =	sdelay $0x6  }
0x1c: {  	v0 =	vld.idx.msk [tilespmem:v7+s3+$0x0], $0xffff  }
0x1d: {  	v3 =	vadd.s32 $0x400, v7;
	v1 =	vld.idx.msk [tilespmem:v2+s3+$0x0], $0xffff  }
0x1e: {  	s23 =	sand.u32 $0xC00, s3;
	v4 =	vadd.s32 $0x400, v2  }
0x1f: {  	s11 =	sor.u32 $0x10200, s23  }
0x20: {  	s12 =	sor.u32 s22, s11  }
0x21: {  	s0 =	sor.u32 s21, s11;
	[tilespmem:s12+$0x0] =	vst v0  }
0x22: {  	[tilespmem:s0+$0x0] =	vst v1;
	v0 =	vld.idx.msk [tilespmem:v3+s3+$0x0], $0xffff  }
0x23: {  	v1 =	vld.idx.msk [tilespmem:v4+s3+$0x0], $0xffff;
	v3 =	vadd.s32 $0x800, v7  }
0x24: {  	v4 =	vadd.s32 $0x800, v2;
	_ =	sdelay $0x2  }
0x25: {  	[tilespmem:s12+$0x80] =	vst v0  }
0x26: {  	[tilespmem:s0+$0x80] =	vst v1;
	v0 =	vld.idx.msk [tilespmem:v3+s3+$0x0], $0xffff  }
0x27: {  	v1 =	vld.idx.msk [tilespmem:v4+s3+$0x0], $0xffff;
	v3 =	vadd.s32 $0xC00, v7  }
0x28: {  	v4 =	vadd.s32 $0xC00, v2;
	_ =	sdelay $0x2  }
0x29: {  	[tilespmem:s12+$0x100] =	vst v0  }
0x2a: {  	[tilespmem:s0+$0x100] =	vst v1;
	v0 =	vld.idx.msk [tilespmem:v3+s3+$0x0], $0xffff  }
0x2b: {  	v1 =	vld.idx.msk [tilespmem:v4+s3+$0x0], $0xffff;
	v3 =	vadd.s32 $0x1000, v7  }
0x2c: {  	v4 =	vadd.s32 $0x1000, v2;
	_ =	sdelay $0x2  }
0x2d: {  	[tilespmem:s12+$0x180] =	vst v0  }
0x2e: {  	[tilespmem:s0+$0x180] =	vst v1;
	v0 =	vld.idx.msk [tilespmem:v3+s3+$0x0], $0xffff  }
0x2f: {  	v1 =	vld.idx.msk [tilespmem:v4+s3+$0x0], $0xffff;
	v3 =	vadd.s32 $0x1400, v7  }
0x30: {  	v4 =	vadd.s32 $0x1400, v2;
	_ =	sdelay $0x2  }
0x31: {  	[tilespmem:s12+$0x200] =	vst v0  }
0x32: {  	[tilespmem:s0+$0x200] =	vst v1;
	v0 =	vld.idx.msk [tilespmem:v3+s3+$0x0], $0xffff  }
0x33: {  	v1 =	vld.idx.msk [tilespmem:v4+s3+$0x0], $0xffff;
	v3 =	vadd.s32 $0x1800, v7  }
0x34: {  	v4 =	vadd.s32 $0x1800, v2;
	_ =	sdelay $0x2  }
0x35: {  	[tilespmem:s12+$0x280] =	vst v0  }
0x36: {  	s13 =	sand.u32 $0x3, s3;
	[tilespmem:s0+$0x280] =	vst v1;
	v0 =	vld.idx.msk [tilespmem:v3+s3+$0x0], $0xffff  }
0x37: {  	s0 =	sshll.u32 s13, $0x5;
	v1 =	vld.idx.msk [tilespmem:v4+s3+$0x0], $0xffff;
	v3 =	vadd.s32 $0x1C00, v7  }
0x38: {  	s0 =	sadd.s32 $0x0, s0;
	v4 =	vadd.s32 $0x1C00, v2  }
0x39: {  	s14 =	sadd.s32 $0x10, s0  }
0x3a: {  	s2 =	sor.u32 $0x300, s14  }
0x3b: {  	s0 =	sor.u32 $0x300, s0;
	[tilespmem:s2+$0x10200] =	vst v0  }
0x3c: {  	[tilespmem:s0+$0x10200] =	vst v1;
	v0 =	vld.idx.msk [tilespmem:v3+s3+$0x0], $0xffff  }
0x3d: {  	v1 =	vld.idx.msk [tilespmem:v4+s3+$0x0], $0xffff;
	v3 =	vadd.s32 $0x2000, v7  }
0x3e: {  	v4 =	vadd.s32 $0x2000, v2;
	_ =	sdelay $0x1  }
0x3f: {  	s15 =	sor.u32 s3, s3;
	s1 =	sor.u32 $0x380, s14  }
0x40: {  	s0 =	sor.u32 $0x380, s15;
	[tilespmem:s1+$0x10200] =	vst v0  }
0x41: {  	[tilespmem:s0+$0x10200] =	vst v1;
	v0 =	vld.idx.msk [tilespmem:v3+s3+$0x0], $0xffff  }
0x42: {  	v1 =	vld.idx.msk [tilespmem:v4+s3+$0x0], $0xffff;
	v3 =	vadd.s32 $0x2400, v7  }
0x43: {  	v4 =	vadd.s32 $0x2400, v2  }
0x44: {  	s16 =	sor.u32 $0x11200, s23  }
0x45: {  	s17 =	sor.u32 s22, s16  }
0x46: {  	s0 =	sor.u32 s21, s16;
	[tilespmem:s17+$0x0] =	vst v0  }
0x47: {  	[tilespmem:s0+$0x0] =	vst v1;
	v0 =	vld.idx.msk [tilespmem:v3+s3+$0x0], $0xffff  }
0x48: {  	v1 =	vld.idx.msk [tilespmem:v4+s3+$0x0], $0xffff;
	v3 =	vadd.s32 $0x2800, v7  }
0x49: {  	v4 =	vadd.s32 $0x2800, v2  }
0x4a: {  	s18 =	sor.u32 $0x11280, s23  }
0x4b: {  	s19 =	sor.u32 s22, s18  }
0x4c: {  	s0 =	sor.u32 s21, s18;
	[tilespmem:s19+$0x0] =	vst v0  }
0x4d: {  	[tilespmem:s0+$0x0] =	vst v1;
	v0 =	vld.idx.msk [tilespmem:v3+s3+$0x0], $0xffff  }
0x4e: {  	v1 =	vld.idx.msk [tilespmem:v4+s3+$0x0], $0xffff;
	v3 =	vadd.s32 $0x2C00, v7  }
0x4f: {  	v4 =	vadd.s32 $0x2C00, v2  }
0x50: {  	s20 =	sor.u32 $0x11300, s23  }
0x51: {  	s24 =	sor.u32 s22, s20  }
0x52: {  	s0 =	sor.u32 s21, s20;
	[tilespmem:s24+$0x0] =	vst v0  }
0x53: {  	[tilespmem:s0+$0x0] =	vst v1;
	v0 =	vld.idx.msk [tilespmem:v3+s3+$0x0], $0xffff  }
0x54: {  	v1 =	vld.idx.msk [tilespmem:v4+s3+$0x0], $0xffff;
	v3 =	vadd.s32 $0x3000, v7  }
0x55: {  	v4 =	vadd.s32 $0x3000, v2  }
0x56: {  	s25 =	sor.u32 $0x11380, s23  }
0x57: {  	s26 =	sor.u32 s22, s25  }
0x58: {  	s0 =	sor.u32 s21, s25;
	[tilespmem:s26+$0x0] =	vst v0  }
0x59: {  	[tilespmem:s0+$0x0] =	vst v1;
	v0 =	vld.idx.msk [tilespmem:v3+s3+$0x0], $0xffff  }
0x5a: {  	v1 =	vld.idx.msk [tilespmem:v4+s3+$0x0], $0xffff;
	v3 =	vadd.s32 $0x3400, v7  }
0x5b: {  	v4 =	vadd.s32 $0x3400, v2  }
0x5c: {  	s1 =	sadd.s32 $0x11400, s23  }
0x5d: {  	s2 =	sor.u32 s22, s1  }
0x5e: {  	s0 =	sor.u32 s21, s1;
	[tilespmem:s2+$0x0] =	vst v0  }
0x5f: {  	[tilespmem:s0+$0x0] =	vst v1;
	v0 =	vld.idx.msk [tilespmem:v3+s3+$0x0], $0xffff  }
0x60: {  	v1 =	vld.idx.msk [tilespmem:v4+s3+$0x0], $0xffff;
	v3 =	vadd.s32 $0x3800, v7  }
0x61: {  	v4 =	vadd.s32 $0x3800, v2  }
0x62: {  	s4 =	sadd.s32 $0x11480, s23  }
0x63: {  	s5 =	sor.u32 s22, s4  }
0x64: {  	s0 =	sor.u32 s21, s4;
	[tilespmem:s5+$0x0] =	vst v0  }
0x65: {  	[tilespmem:s0+$0x0] =	vst v1;
	v0 =	vld.idx.msk [tilespmem:v3+s3+$0x0], $0xffff  }
0x66: {  	v1 =	vld.idx.msk [tilespmem:v4+s3+$0x0], $0xffff;
	v3 =	vadd.s32 $0x3C00, v7  }
0x67: {  	v4 =	vadd.s32 $0x3C00, v2  }
0x68: {  	s6 =	sadd.s32 $0x11500, s23  }
0x69: {  	s7 =	sor.u32 s22, s6  }
0x6a: {  	s0 =	sor.u32 s21, s6;
	[tilespmem:s7+$0x0] =	vst v0  }
0x6b: {  	[tilespmem:s0+$0x0] =	vst v1;
	v0 =	vld.idx.msk [tilespmem:v3+s3+$0x0], $0xffff  }
0x6c: {  	v1 =	vld.idx.msk [tilespmem:v4+s3+$0x0], $0xffff  }
0x6d: {  	v3 =	vadd.s32 $0x4000, v7  }
0x6e: {  	s8 =	sadd.s32 $0x11580, s23  }
0x6f: {  	s9 =	sor.u32 s22, s8;
	v4 =	vadd.s32 $0x4000, v2  }
0x70: {  	s10 =	simm.s32 $0x10020;
	s0 =	sor.u32 s21, s8;
	[tilespmem:s9+$0x0] =	vst v0  }
0x71: {  	v0 =	vld [tilespmem:s10+$0x0];
	[tilespmem:s0+$0x0] =	vst v1  }
0x72: {  	v1 =	vld.idx.msk [tilespmem:v3+s3+$0x0], $0xffff  }
0x73: {  	v3 =	vadd.s32 $0x4400, v7  }
0x74: {  	v4 =	vld.idx.msk [tilespmem:v4+s3+$0x0], $0xffff  }
0x75: {  	s11 =	sor.u32 $0x12200, s23;
	v5 =	vadd.s32 $0x4400, v2;
	s0 =	simm.s32 $0x20  }
0x76: {  	s14 =	sor.u32 s22, s11;
	s12 =	sand.u32 $0x60, s0  }
0x77: {  	s5 =	sand.u32 $0x180, s0;
	s13 =	sor.u32 $0x10, s12;
	[tilespmem:s14+$0x0] =	vst v1  }
0x78: {  	s1 =	sor.u32 s21, s11;
	s15 =	sor.u32 s13, s5;
	v3 =	vld.idx.msk [tilespmem:v3+s3+$0x0], $0xffff  }
0x79: {  	[tilespmem:s1+$0x0] =	vst v4;
	v1 =	vld [tilespmem:s15+$0x10000];
	v4 =	vadd.s32 $0x4800, v7  }
0x7a: {  	v5 =	vld.idx.msk [tilespmem:v5+s3+$0x0], $0xffff  }
0x7b: {  	v6 =	vadd.s32 $0x4800, v2;
	s16 =	sor.u32 $0x12280, s23  }
0x7c: {  	s17 =	sor.u32 s22, s16  }
0x7d: {  	[tilespmem:s17+$0x0] =	vst v3  }
0x7e: {  	s1 =	sor.u32 s21, s16;
	v3 =	vld.idx.msk [tilespmem:v4+s3+$0x0], $0xffff  }
0x7f: {  	[tilespmem:s1+$0x0] =	vst v5;
	v4 =	vadd.s32 $0x4C00, v7  }
0x80: {  	v5 =	vld.idx.msk [tilespmem:v6+s3+$0x0], $0xffff  }
0x81: {  	s18 =	sor.u32 $0x12300, s23;
	v6 =	vadd.s32 $0x4C00, v2;
	v8 =	vld.idx.msk [tilespmem:v1+s3+$0x0], $0xffff  }
0x82: {  	s19 =	sor.u32 s22, s18;
	v9 =	vld.idx.msk [tilespmem:v0+s3+$0x0], $0xffff;
	v10 =	vadd.s32 $0x400, v1;
	s1 =	simm.s32 $0x100  }
0x83: {  	s14 =	sand.u32 $0xC00, s1;
	[tilespmem:s19+$0x0] =	vst v3;
	v3 =	vadd.s32 $0x400, v0  }
0x84: {  	s2 =	sor.u32 s21, s18;
	s6 =	sor.u32 $0x10200, s14;
	v4 =	vld.idx.msk [tilespmem:v4+s3+$0x0], $0xffff  }
0x85: {  	s20 =	sor.u32 s13, s6;
	[tilespmem:s2+$0x0] =	vst v5;
	v5 =	vadd.s32 $0x5000, v7  }
0x86: {  	s24 =	sor.u32 s12, s6;
	v6 =	vld.idx.msk [tilespmem:v6+s3+$0x0], $0xffff;
	[tilespmem:s20+$0x0] =	vst v8  }
0x87: {  	s25 =	sor.u32 $0x12380, s23;
	[tilespmem:s24+$0x0] =	vst v9;
	v8 =	vadd.s32 $0x5000, v2;
	v9 =	vld.idx.msk [tilespmem:v10+s3+$0x0], $0xffff  }
0x88: {  	s8 =	sor.u32 s22, s25;
	v10 =	vadd.s32 $0x800, v1;
	v3 =	vld.idx.msk [tilespmem:v3+s3+$0x0], $0xffff  }
0x89: {  	[tilespmem:s8+$0x0] =	vst v4;
	v4 =	vadd.s32 $0x800, v0  }
0x8a: {  	s6 =	sor.u32 s21, s25;
	v5 =	vld.idx.msk [tilespmem:v5+s3+$0x0], $0xffff  }
0x8b: {  	[tilespmem:s6+$0x0] =	vst v6;
	v6 =	vadd.s32 $0x5400, v7  }
0x8c: {  	v8 =	vld.idx.msk [tilespmem:v8+s3+$0x0], $0xffff;
	[tilespmem:s20+$0x80] =	vst v9  }
0x8d: {  	s26 =	sadd.s32 $0x12400, s23;
	v9 =	vadd.s32 $0x5400, v2;
	[tilespmem:s24+$0x80] =	vst v3;
	v3 =	vld.idx.msk [tilespmem:v10+s3+$0x0], $0xffff  }
0x8e: {  	s4 =	sor.u32 s22, s26;
	v10 =	vadd.s32 $0xC00, v1;
	v4 =	vld.idx.msk [tilespmem:v4+s3+$0x0], $0xffff  }
0x8f: {  	[tilespmem:s4+$0x0] =	vst v5;
	v5 =	vadd.s32 $0xC00, v0  }
0x90: {  	s6 =	sor.u32 s21, s26;
	v6 =	vld.idx.msk [tilespmem:v6+s3+$0x0], $0xffff  }
0x91: {  	[tilespmem:s6+$0x0] =	vst v8;
	v8 =	vadd.s32 $0x5800, v7  }
0x92: {  	v9 =	vld.idx.msk [tilespmem:v9+s3+$0x0], $0xffff;
	[tilespmem:s20+$0x100] =	vst v3  }
0x93: {  	s7 =	sadd.s32 $0x12480, s23;
	v3 =	vadd.s32 $0x5800, v2;
	[tilespmem:s24+$0x100] =	vst v4;
	v4 =	vld.idx.msk [tilespmem:v10+s3+$0x0], $0xffff  }
0x94: {  	s9 =	sor.u32 s22, s7;
	v10 =	vadd.s32 $0x1000, v1;
	v5 =	vld.idx.msk [tilespmem:v5+s3+$0x0], $0xffff  }
0x95: {  	[tilespmem:s9+$0x0] =	vst v6;
	v6 =	vadd.s32 $0x1000, v0  }
0x96: {  	s6 =	sor.u32 s21, s7;
	v8 =	vld.idx.msk [tilespmem:v8+s3+$0x0], $0xffff  }
0x97: {  	[tilespmem:s6+$0x0] =	vst v9;
	v9 =	vadd.s32 $0x5C00, v7  }
0x98: {  	v3 =	vld.idx.msk [tilespmem:v3+s3+$0x0], $0xffff;
	[tilespmem:s20+$0x180] =	vst v4  }
0x99: {  	s10 =	sadd.s32 $0x12500, s23;
	v4 =	vadd.s32 $0x5C00, v2;
	[tilespmem:s24+$0x180] =	vst v5;
	v5 =	vld.idx.msk [tilespmem:v10+s3+$0x0], $0xffff  }
0x9a: {  	s11 =	sor.u32 s22, s10;
	v10 =	vadd.s32 $0x1400, v1;
	v6 =	vld.idx.msk [tilespmem:v6+s3+$0x0], $0xffff  }
0x9b: {  	[tilespmem:s11+$0x0] =	vst v8;
	v8 =	vadd.s32 $0x1400, v0  }
0x9c: {  	s6 =	sor.u32 s21, s10;
	v9 =	vld.idx.msk [tilespmem:v9+s3+$0x0], $0xffff  }
0x9d: {  	[tilespmem:s6+$0x0] =	vst v3;
	v3 =	vadd.s32 $0x6000, v7  }
0x9e: {  	v4 =	vld.idx.msk [tilespmem:v4+s3+$0x0], $0xffff;
	[tilespmem:s20+$0x200] =	vst v5  }
0x9f: {  	s15 =	sadd.s32 $0x12580, s23;
	v5 =	vadd.s32 $0x6000, v2;
	[tilespmem:s24+$0x200] =	vst v6;
	v6 =	vld.idx.msk [tilespmem:v10+s3+$0x0], $0xffff  }
0xa0: {  	s16 =	sor.u32 s22, s15;
	v10 =	vadd.s32 $0x1800, v1;
	v8 =	vld.idx.msk [tilespmem:v8+s3+$0x0], $0xffff  }
0xa1: {  	[tilespmem:s16+$0x0] =	vst v9;
	v9 =	vadd.s32 $0x1800, v0  }
0xa2: {  	s6 =	sor.u32 s21, s15;
	v3 =	vld.idx.msk [tilespmem:v3+s3+$0x0], $0xffff  }
0xa3: {  	[tilespmem:s6+$0x0] =	vst v4;
	v4 =	vadd.s32 $0x6400, v7  }
0xa4: {  	s17 =	simm.s32 $0x1;
	v5 =	vld.idx.msk [tilespmem:v5+s3+$0x0], $0xffff;
	[tilespmem:s20+$0x280] =	vst v6  }
0xa5: {  	s18 =	sor.u32 $0x13200, s23;
	s5 =	sand.u32 $0x3, s17;
	v6 =	vadd.s32 $0x6400, v2;
	[tilespmem:s24+$0x280] =	vst v8;
	v8 =	vld.idx.msk [tilespmem:v10+s3+$0x0], $0xffff  }
0xa6: {  	s5 =	sshll.u32 s5, $0x5;
	s19 =	sor.u32 s22, s18;
	v10 =	vadd.s32 $0x1C00, v1;
	v9 =	vld.idx.msk [tilespmem:v9+s3+$0x0], $0xffff  }
0xa7: {  	s5 =	sadd.s32 $0x100, s5;
	[tilespmem:s19+$0x0] =	vst v3;
	v3 =	vadd.s32 $0x1C00, v0  }
0xa8: {  	s2 =	sor.u32 s21, s18;
	s20 =	sadd.s32 $0x10, s5;
	v4 =	vld.idx.msk [tilespmem:v4+s3+$0x0], $0xffff  }
0xa9: {  	s24 =	sor.u32 $0x300, s20;
	[tilespmem:s2+$0x0] =	vst v5;
	v5 =	vadd.s32 $0x6800, v7  }
0xaa: {  	s5 =	sor.u32 $0x300, s5;
	v6 =	vld.idx.msk [tilespmem:v6+s3+$0x0], $0xffff;
	[tilespmem:s24+$0x10200] =	vst v8  }
0xab: {  	s25 =	sor.u32 $0x13280, s23;
	v8 =	vadd.s32 $0x6800, v2;
	[tilespmem:s5+$0x10200] =	vst v9;
	v9 =	vld.idx.msk [tilespmem:v10+s3+$0x0], $0xffff  }
0xac: {  	s26 =	sor.u32 s22, s25;
	v10 =	vadd.s32 $0x2000, v1;
	v3 =	vld.idx.msk [tilespmem:v3+s3+$0x0], $0xffff  }
0xad: {  	[tilespmem:s26+$0x0] =	vst v4;
	v4 =	vadd.s32 $0x2000, v0  }
0xae: {  	s2 =	sor.u32 s21, s25;
	v5 =	vld.idx.msk [tilespmem:v5+s3+$0x0], $0xffff  }
0xaf: {  	s0 =	sor.u32 s1, s0;
	s4 =	sor.u32 $0x380, s20;
	[tilespmem:s2+$0x0] =	vst v6;
	v6 =	vadd.s32 $0x6C00, v7  }
0xb0: {  	s0 =	sor.u32 $0x380, s0;
	v8 =	vld.idx.msk [tilespmem:v8+s3+$0x0], $0xffff;
	[tilespmem:s4+$0x10200] =	vst v9  }
0xb1: {  	s5 =	sor.u32 $0x13300, s23;
	v9 =	vadd.s32 $0x6C00, v2;
	[tilespmem:s0+$0x10200] =	vst v3;
	v3 =	vld.idx.msk [tilespmem:v10+s3+$0x0], $0xffff  }
0xb2: {  	s6 =	sor.u32 s22, s5;
	v10 =	vadd.s32 $0x2400, v1;
	v4 =	vld.idx.msk [tilespmem:v4+s3+$0x0], $0xffff  }
0xb3: {  	[tilespmem:s6+$0x0] =	vst v5;
	v5 =	vadd.s32 $0x2400, v0  }
0xb4: {  	s7 =	sor.u32 $0x11200, s14;
	s0 =	sor.u32 s21, s5;
	v6 =	vld.idx.msk [tilespmem:v6+s3+$0x0], $0xffff  }
0xb5: {  	s8 =	sor.u32 s13, s7;
	[tilespmem:s0+$0x0] =	vst v8;
	v8 =	vadd.s32 $0x7000, v7  }
0xb6: {  	s1 =	sor.u32 s12, s7;
	v9 =	vld.idx.msk [tilespmem:v9+s3+$0x0], $0xffff;
	[tilespmem:s8+$0x0] =	vst v3  }
0xb7: {  	s9 =	sor.u32 $0x13380, s23;
	v3 =	vadd.s32 $0x7000, v2;
	[tilespmem:s1+$0x0] =	vst v4;
	v4 =	vld.idx.msk [tilespmem:v10+s3+$0x0], $0xffff  }
0xb8: {  	s10 =	sor.u32 s22, s9;
	v10 =	vadd.s32 $0x2800, v1;
	v5 =	vld.idx.msk [tilespmem:v5+s3+$0x0], $0xffff  }
0xb9: {  	[tilespmem:s10+$0x0] =	vst v6;
	v6 =	vadd.s32 $0x2800, v0  }
0xba: {  	s11 =	sor.u32 $0x11280, s14;
	s0 =	sor.u32 s21, s9;
	v8 =	vld.idx.msk [tilespmem:v8+s3+$0x0], $0xffff  }
0xbb: {  	s15 =	sor.u32 s13, s11;
	[tilespmem:s0+$0x0] =	vst v9;
	v9 =	vadd.s32 $0x7400, v7  }
0xbc: {  	s1 =	sor.u32 s12, s11;
	v3 =	vld.idx.msk [tilespmem:v3+s3+$0x0], $0xffff;
	[tilespmem:s15+$0x0] =	vst v4  }
0xbd: {  	s16 =	sadd.s32 $0x13400, s23;
	v4 =	vadd.s32 $0x7400, v2;
	[tilespmem:s1+$0x0] =	vst v5;
	v5 =	vld.idx.msk [tilespmem:v10+s3+$0x0], $0xffff  }
0xbe: {  	s17 =	sor.u32 s22, s16;
	v10 =	vadd.s32 $0x2C00, v1;
	v6 =	vld.idx.msk [tilespmem:v6+s3+$0x0], $0xffff  }
0xbf: {  	[tilespmem:s17+$0x0] =	vst v8;
	v8 =	vadd.s32 $0x2C00, v0  }
0xc0: {  	s18 =	sor.u32 $0x11300, s14;
	s0 =	sor.u32 s21, s16;
	v9 =	vld.idx.msk [tilespmem:v9+s3+$0x0], $0xffff  }
0xc1: {  	s19 =	sor.u32 s13, s18;
	[tilespmem:s0+$0x0] =	vst v3;
	v3 =	vadd.s32 $0x7800, v7  }
0xc2: {  	s1 =	sor.u32 s12, s18;
	v4 =	vld.idx.msk [tilespmem:v4+s3+$0x0], $0xffff;
	[tilespmem:s19+$0x0] =	vst v5  }
0xc3: {  	s20 =	sadd.s32 $0x13480, s23;
	v5 =	vadd.s32 $0x7800, v2;
	[tilespmem:s1+$0x0] =	vst v6;
	v6 =	vld.idx.msk [tilespmem:v10+s3+$0x0], $0xffff  }
0xc4: {  	s24 =	sor.u32 s22, s20;
	v10 =	vadd.s32 $0x3000, v1;
	v8 =	vld.idx.msk [tilespmem:v8+s3+$0x0], $0xffff  }
0xc5: {  	[tilespmem:s24+$0x0] =	vst v9;
	v9 =	vadd.s32 $0x3000, v0  }
0xc6: {  	s25 =	sor.u32 $0x11380, s14;
	s0 =	sor.u32 s21, s20;
	v3 =	vld.idx.msk [tilespmem:v3+s3+$0x0], $0xffff  }
0xc7: {  	s26 =	sor.u32 s13, s25;
	[tilespmem:s0+$0x0] =	vst v4;
	v4 =	vadd.s32 $0x7C00, v7  }
0xc8: {  	s1 =	sor.u32 s12, s25;
	v5 =	vld.idx.msk [tilespmem:v5+s3+$0x0], $0xffff;
	[tilespmem:s26+$0x0] =	vst v6  }
0xc9: {  	s2 =	sadd.s32 $0x13500, s23;
	v6 =	vadd.s32 $0x7C00, v2;
	[tilespmem:s1+$0x0] =	vst v8;
	v8 =	vld.idx.msk [tilespmem:v10+s3+$0x0], $0xffff  }
0xca: {  	s4 =	sor.u32 s22, s2;
	v10 =	vadd.s32 $0x3400, v1;
	v9 =	vld.idx.msk [tilespmem:v9+s3+$0x0], $0xffff  }
0xcb: {  	[tilespmem:s4+$0x0] =	vst v3;
	v3 =	vadd.s32 $0x3400, v0  }
0xcc: {  	s5 =	sadd.s32 $0x11400, s14;
	s0 =	sor.u32 s21, s2;
	v4 =	vld.idx.msk [tilespmem:v4+s3+$0x0], $0xffff  }
0xcd: {  	s6 =	sor.u32 s13, s5;
	[tilespmem:s0+$0x0] =	vst v5;
	v5 =	vadd.s32 $0x8000, v7  }
0xce: {  	s1 =	sor.u32 s12, s5;
	v6 =	vld.idx.msk [tilespmem:v6+s3+$0x0], $0xffff;
	[tilespmem:s6+$0x0] =	vst v8  }
0xcf: {  	s7 =	sadd.s32 $0x13580, s23;
	v8 =	vadd.s32 $0x8000, v2;
	[tilespmem:s1+$0x0] =	vst v9;
	v9 =	vld.idx.msk [tilespmem:v10+s3+$0x0], $0xffff  }
0xd0: {  	s8 =	sor.u32 s22, s7;
	v10 =	vadd.s32 $0x3800, v1;
	v3 =	vld.idx.msk [tilespmem:v3+s3+$0x0], $0xffff  }
0xd1: {  	[tilespmem:s8+$0x0] =	vst v4;
	v4 =	vadd.s32 $0x3800, v0  }
0xd2: {  	s9 =	sadd.s32 $0x11480, s14;
	s0 =	sor.u32 s21, s7;
	v5 =	vld.idx.msk [tilespmem:v5+s3+$0x0], $0xffff  }
0xd3: {  	s10 =	sor.u32 s13, s9;
	[tilespmem:s0+$0x0] =	vst v6;
	v6 =	vadd.s32 $0x8400, v7  }
0xd4: {  	s1 =	sor.u32 s12, s9;
	v8 =	vld.idx.msk [tilespmem:v8+s3+$0x0], $0xffff;
	[tilespmem:s10+$0x0] =	vst v9  }
0xd5: {  	s11 =	sor.u32 $0x14200, s23;
	v9 =	vadd.s32 $0x8400, v2;
	[tilespmem:s1+$0x0] =	vst v3;
	v3 =	vld.idx.msk [tilespmem:v10+s3+$0x0], $0xffff  }
0xd6: {  	s15 =	sor.u32 s22, s11;
	v10 =	vadd.s32 $0x3C00, v1;
	v4 =	vld.idx.msk [tilespmem:v4+s3+$0x0], $0xffff  }
0xd7: {  	[tilespmem:s15+$0x0] =	vst v5;
	v5 =	vadd.s32 $0x3C00, v0  }
0xd8: {  	s16 =	sadd.s32 $0x11500, s14;
	s0 =	sor.u32 s21, s11;
	v6 =	vld.idx.msk [tilespmem:v6+s3+$0x0], $0xffff  }
0xd9: {  	s17 =	sor.u32 s13, s16;
	[tilespmem:s0+$0x0] =	vst v8;
	v8 =	vadd.s32 $0x8800, v7  }
0xda: {  	s1 =	sor.u32 s12, s16;
	v9 =	vld.idx.msk [tilespmem:v9+s3+$0x0], $0xffff;
	[tilespmem:s17+$0x0] =	vst v3  }
0xdb: {  	s18 =	sor.u32 $0x14280, s23;
	v3 =	vadd.s32 $0x8800, v2;
	[tilespmem:s1+$0x0] =	vst v4;
	v4 =	vld.idx.msk [tilespmem:v10+s3+$0x0], $0xffff  }
0xdc: {  	s19 =	sor.u32 s22, s18;
	v10 =	vadd.s32 $0x4000, v1;
	v5 =	vld.idx.msk [tilespmem:v5+s3+$0x0], $0xffff  }
0xdd: {  	[tilespmem:s19+$0x0] =	vst v6;
	v6 =	vadd.s32 $0x4000, v0  }
0xde: {  	s20 =	sadd.s32 $0x11580, s14;
	s0 =	sor.u32 s21, s18;
	v8 =	vld.idx.msk [tilespmem:v8+s3+$0x0], $0xffff  }
0xdf: {  	s24 =	sor.u32 s13, s20;
	[tilespmem:s0+$0x0] =	vst v9;
	v9 =	vadd.s32 $0x8C00, v7  }
0xe0: {  	s1 =	sor.u32 s12, s20;
	v11 =	vld.idx.msk [tilespmem:v3+s3+$0x0], $0xffff;
	[tilespmem:s24+$0x0] =	vst v4  }
0xe1: {  	s25 =	sor.u32 $0x14300, s23;
	v4 =	vadd.s32 $0x8C00, v2;
	[tilespmem:s1+$0x0] =	vst v5;
	v5 =	vld.idx.msk [tilespmem:v10+s3+$0x0], $0xffff  }
0xe2: {  	s26 =	sor.u32 s22, s25;
	v10 =	vadd.s32 $0x4400, v1;
	v6 =	vld.idx.msk [tilespmem:v6+s3+$0x0], $0xffff  }
0xe3: {  	[tilespmem:s26+$0x0] =	vst v8;
	v8 =	vadd.s32 $0x4400, v0  }
0xe4: {  	s2 =	simm.s32 $0x10040;
	s4 =	sor.u32 $0x12200, s14;
	s0 =	sor.u32 s21, s25;
	v9 =	vld.idx.msk [tilespmem:v9+s3+$0x0], $0xffff  }
0xe5: {  	s5 =	sor.u32 s13, s4;
	v3 =	vld [tilespmem:s2+$0x0];
	[tilespmem:s0+$0x0] =	vst v11;
	s0 =	simm.s32 $0x40;
	v11 =	vadd.s32 $0x9000, v7  }
0xe6: {  	s2 =	sor.u32 s12, s4;
	v12 =	vld.idx.msk [tilespmem:v4+s3+$0x0], $0xffff;
	s15 =	sand.u32 $0x60, s0;
	[tilespmem:s5+$0x0] =	vst v5  }
0xe7: {  	s7 =	sor.u32 $0x14380, s23;
	s6 =	sand.u32 $0x180, s0;
	s16 =	sor.u32 $0x10, s15;
	[tilespmem:s2+$0x0] =	vst v6;
	v5 =	vld.idx.msk [tilespmem:v10+s3+$0x0], $0xffff  }
0xe8: {  	s8 =	sor.u32 s22, s7;
	s1 =	sor.u32 s16, s6;
	v6 =	vld.idx.msk [tilespmem:v8+s3+$0x0], $0xffff;
	v8 =	vadd.s32 $0x4800, v1  }
0xe9: {  	v4 =	vld [tilespmem:s1+$0x10000];
	[tilespmem:s8+$0x0] =	vst v9;
	v9 =	vadd.s32 $0x4800, v0  }
0xea: {  	s9 =	sor.u32 $0x12280, s14;
	v10 =	vadd.s32 $0x9000, v2;
	v11 =	vld.idx.msk [tilespmem:v11+s3+$0x0], $0xffff  }
0xeb: {  	v13 =	vadd.s32 $0x9400, v7;
	s10 =	sor.u32 s13, s9  }
0xec: {  	s1 =	sor.u32 s12, s9;
	[tilespmem:s10+$0x0] =	vst v5  }
0xed: {  	s11 =	sadd.s32 $0x14400, s23;
	s2 =	sor.u32 s21, s7;
	[tilespmem:s1+$0x0] =	vst v6;
	v5 =	vld.idx.msk [tilespmem:v8+s3+$0x0], $0xffff  }
0xee: {  	s17 =	sor.u32 s22, s11;
	[tilespmem:s2+$0x0] =	vst v12;
	v8 =	vadd.s32 $0x4C00, v1;
	v6 =	vld.idx.msk [tilespmem:v9+s3+$0x0], $0xffff  }
0xef: {  	v9 =	vld.idx.msk [tilespmem:v10+s3+$0x0], $0xffff;
	v10 =	vadd.s32 $0x4C00, v0;
	[tilespmem:s17+$0x0] =	vst v11  }
0xf0: {  	s18 =	sor.u32 $0x12300, s14;
	v11 =	vadd.s32 $0x9400, v2;
	v12 =	vld.idx.msk [tilespmem:v13+s3+$0x0], $0xffff  }
0xf1: {  	v14 =	vadd.s32 $0x9800, v7;
	s19 =	sor.u32 s13, s18;
	v13 =	vld.idx.msk [tilespmem:v4+s3+$0x0], $0xffff  }
0xf2: {  	s20 =	sor.u32 s12, s18;
	v15 =	vld.idx.msk [tilespmem:v3+s3+$0x0], $0xffff;
	v16 =	vadd.s32 $0x400, v4;
	s1 =	simm.s32 $0x200;
	[tilespmem:s19+$0x0] =	vst v5  }
0xf3: {  	s25 =	sadd.s32 $0x14480, s23;
	s24 =	sor.u32 s21, s11;
	s17 =	sand.u32 $0xC00, s1;
	v5 =	vadd.s32 $0x400, v3;
	[tilespmem:s20+$0x0] =	vst v6;
	v6 =	vld.idx.msk [tilespmem:v8+s3+$0x0], $0xffff  }
0xf4: {  	s4 =	sor.u32 s22, s25;
	s26 =	sor.u32 $0x10200, s17;
	[tilespmem:s24+$0x0] =	vst v9;
	v9 =	vadd.s32 $0x5000, v1;
	v8 =	vld.idx.msk [tilespmem:v10+s3+$0x0], $0xffff  }
0xf5: {  	s5 =	sor.u32 s16, s26;
	v10 =	vld.idx.msk [tilespmem:v11+s3+$0x0], $0xffff;
	v11 =	vadd.s32 $0x5000, v0;
	[tilespmem:s4+$0x0] =	vst v12  }
0xf6: {  	s7 =	sor.u32 $0x12380, s14;
	s2 =	sor.u32 s15, s26;
	[tilespmem:s5+$0x0] =	vst v13;
	v13 =	vadd.s32 $0x9800, v2;
	v12 =	vld.idx.msk [tilespmem:v14+s3+$0x0], $0xffff  }
0xf7: {  	s9 =	sor.u32 s13, s7;
	[tilespmem:s2+$0x0] =	vst v15;
	v15 =	vadd.s32 $0x9C00, v7;
	v14 =	vld.idx.msk [tilespmem:v16+s3+$0x0], $0xffff  }
0xf8: {  	s8 =	sor.u32 s12, s7;
	v16 =	vadd.s32 $0x800, v4;
	v5 =	vld.idx.msk [tilespmem:v5+s3+$0x0], $0xffff;
	[tilespmem:s9+$0x0] =	vst v6  }
0xf9: {  	s6 =	sor.u32 s21, s25;
	s10 =	sadd.s32 $0x14500, s23;
	v6 =	vadd.s32 $0x800, v3;
	[tilespmem:s8+$0x0] =	vst v8;
	v8 =	vld.idx.msk [tilespmem:v9+s3+$0x0], $0xffff  }
0xfa: {  	s11 =	sor.u32 s22, s10;
	[tilespmem:s6+$0x0] =	vst v10;
	v10 =	vadd.s32 $0x5400, v1;
	v9 =	vld.idx.msk [tilespmem:v11+s3+$0x0], $0xffff  }
0xfb: {  	v11 =	vld.idx.msk [tilespmem:v13+s3+$0x0], $0xffff;
	[tilespmem:s11+$0x0] =	vst v12;
	v12 =	vadd.s32 $0x5400, v0  }
0xfc: {  	s18 =	sadd.s32 $0x12400, s14;
	[tilespmem:s5+$0x80] =	vst v14;
	v14 =	vadd.s32 $0x9C00, v2;
	v13 =	vld.idx.msk [tilespmem:v15+s3+$0x0], $0xffff  }
0xfd: {  	s19 =	sor.u32 s13, s18;
	[tilespmem:s2+$0x80] =	vst v5;
	v5 =	vld.idx.msk [tilespmem:v16+s3+$0x0], $0xffff;
	v15 =	vadd.s32 $0xA000, v7  }
0xfe: {  	s6 =	sor.u32 s12, s18;
	v16 =	vadd.s32 $0xC00, v4;
	v6 =	vld.idx.msk [tilespmem:v6+s3+$0x0], $0xffff;
	[tilespmem:s19+$0x0] =	vst v8  }
0xff: {  	s20 =	sadd.s32 $0x14580, s23;
	s8 =	sor.u32 s21, s10;
	v8 =	vadd.s32 $0xC00, v3;
	[tilespmem:s6+$0x0] =	vst v9;
	v9 =	vld.idx.msk [tilespmem:v10+s3+$0x0], $0xffff  }
0x100: {  	s24 =	sor.u32 s22, s20;
	[tilespmem:s8+$0x0] =	vst v11;
	v11 =	vadd.s32 $0x5800, v1;
	v10 =	vld.idx.msk [tilespmem:v12+s3+$0x0], $0xffff  }
0x101: {  	v12 =	vld.idx.msk [tilespmem:v14+s3+$0x0], $0xffff;
	[tilespmem:s24+$0x0] =	vst v13;
	v13 =	vadd.s32 $0x5800, v0  }
0x102: {  	s25 =	sadd.s32 $0x12480, s14;
	v14 =	vadd.s32 $0xA000, v2;
	[tilespmem:s5+$0x100] =	vst v5;
	v5 =	vld.idx.msk [tilespmem:v15+s3+$0x0], $0xffff  }
0x103: {  	s26 =	sor.u32 s13, s25;
	[tilespmem:s2+$0x100] =	vst v6;
	v6 =	vld.idx.msk [tilespmem:v16+s3+$0x0], $0xffff;
	v15 =	vadd.s32 $0xA400, v7  }
0x104: {  	s8 =	sor.u32 s12, s25;
	v16 =	vadd.s32 $0x1000, v4;
	v8 =	vld.idx.msk [tilespmem:v8+s3+$0x0], $0xffff;
	[tilespmem:s26+$0x0] =	vst v9  }
0x105: {  	s4 =	sor.u32 $0x15200, s23;
	s6 =	sor.u32 s21, s20;
	v9 =	vadd.s32 $0x1000, v3;
	[tilespmem:s8+$0x0] =	vst v10;
	v10 =	vld.idx.msk [tilespmem:v11+s3+$0x0], $0xffff  }
0x106: {  	s7 =	sor.u32 s22, s4;
	[tilespmem:s6+$0x0] =	vst v12;
	v12 =	vadd.s32 $0x5C00, v1;
	v11 =	vld.idx.msk [tilespmem:v13+s3+$0x0], $0xffff  }
0x107: {  	v13 =	vld.idx.msk [tilespmem:v14+s3+$0x0], $0xffff;
	[tilespmem:s7+$0x0] =	vst v5;
	v5 =	vadd.s32 $0x5C00, v0  }
0x108: {  	s9 =	sadd.s32 $0x12500, s14;
	v14 =	vadd.s32 $0xA400, v2;
	[tilespmem:s5+$0x180] =	vst v6;
	v6 =	vld.idx.msk [tilespmem:v15+s3+$0x0], $0xffff  }
0x109: {  	s10 =	sor.u32 s13, s9;
	[tilespmem:s2+$0x180] =	vst v8;
	v8 =	vld.idx.msk [tilespmem:v16+s3+$0x0], $0xffff;
	v15 =	vadd.s32 $0xA800, v7  }
0x10a: {  	s6 =	sor.u32 s12, s9;
	v16 =	vadd.s32 $0x1400, v4;
	v9 =	vld.idx.msk [tilespmem:v9+s3+$0x0], $0xffff;
	[tilespmem:s10+$0x0] =	vst v10  }
0x10b: {  	s11 =	sor.u32 $0x15280, s23;
	s8 =	sor.u32 s21, s4;
	v10 =	vadd.s32 $0x1400, v3;
	[tilespmem:s6+$0x0] =	vst v11;
	v11 =	vld.idx.msk [tilespmem:v12+s3+$0x0], $0xffff  }
0x10c: {  	s18 =	sor.u32 s22, s11;
	[tilespmem:s8+$0x0] =	vst v13;
	v12 =	vadd.s32 $0x6000, v1;
	v5 =	vld.idx.msk [tilespmem:v5+s3+$0x0], $0xffff  }
0x10d: {  	v13 =	vld.idx.msk [tilespmem:v14+s3+$0x0], $0xffff;
	[tilespmem:s18+$0x0] =	vst v6;
	v6 =	vadd.s32 $0x6000, v0  }
0x10e: {  	s19 =	sadd.s32 $0x12580, s14;
	v14 =	vadd.s32 $0xA800, v2;
	[tilespmem:s5+$0x200] =	vst v8;
	v8 =	vld.idx.msk [tilespmem:v15+s3+$0x0], $0xffff  }
0x10f: {  	s20 =	sor.u32 s13, s19;
	[tilespmem:s2+$0x200] =	vst v9;
	v9 =	vld.idx.msk [tilespmem:v16+s3+$0x0], $0xffff;
	v15 =	vadd.s32 $0xAC00, v7  }
0x110: {  	s8 =	sor.u32 s12, s19;
	v16 =	vadd.s32 $0x1800, v4;
	v10 =	vld.idx.msk [tilespmem:v10+s3+$0x0], $0xffff;
	[tilespmem:s20+$0x0] =	vst v11  }
0x111: {  	s24 =	sor.u32 $0x15300, s23;
	s6 =	sor.u32 s21, s11;
	v11 =	vadd.s32 $0x1800, v3;
	[tilespmem:s8+$0x0] =	vst v5;
	v5 =	vld.idx.msk [tilespmem:v12+s3+$0x0], $0xffff  }
0x112: {  	s25 =	sor.u32 s22, s24;
	[tilespmem:s6+$0x0] =	vst v13;
	v12 =	vadd.s32 $0x6400, v1;
	v6 =	vld.idx.msk [tilespmem:v6+s3+$0x0], $0xffff  }
0x113: {  	v13 =	vld.idx.msk [tilespmem:v14+s3+$0x0], $0xffff;
	[tilespmem:s25+$0x0] =	vst v8;
	v8 =	vadd.s32 $0x6400, v0  }
0x114: {  	s26 =	sor.u32 $0x13200, s14;
	s4 =	simm.s32 $0x2;
	v14 =	vadd.s32 $0xAC00, v2;
	[tilespmem:s5+$0x280] =	vst v9;
	v9 =	vld.idx.msk [tilespmem:v15+s3+$0x0], $0xffff  }
0x115: {  	s7 =	sor.u32 s13, s26;
	s6 =	sand.u32 $0x3, s4;
	[tilespmem:s2+$0x280] =	vst v10;
	v10 =	vld.idx.msk [tilespmem:v16+s3+$0x0], $0xffff;
	v15 =	vadd.s32 $0xB000, v7  }
0x116: {  	s5 =	sor.u32 s12, s26;
	s2 =	sshll.u32 s6, $0x5;
	v16 =	vadd.s32 $0x1C00, v4;
	v11 =	vld.idx.msk [tilespmem:v11+s3+$0x0], $0xffff;
	[tilespmem:s7+$0x0] =	vst v5  }
0x117: {  	s9 =	sor.u32 s21, s24;
	s10 =	sor.u32 $0x15380, s23;
	s2 =	sadd.s32 $0x200, s2;
	v5 =	vadd.s32 $0x1C00, v3;
	[tilespmem:s5+$0x0] =	vst v6;
	v6 =	vld.idx.msk [tilespmem:v12+s3+$0x0], $0xffff  }
0x118: {  	s18 =	sor.u32 s22, s10;
	s11 =	sadd.s32 $0x10, s2;
	[tilespmem:s9+$0x0] =	vst v13;
	v12 =	vadd.s32 $0x6800, v1;
	v8 =	vld.idx.msk [tilespmem:v8+s3+$0x0], $0xffff  }
0x119: {  	s19 =	sor.u32 $0x300, s11;
	v13 =	vld.idx.msk [tilespmem:v14+s3+$0x0], $0xffff;
	[tilespmem:s18+$0x0] =	vst v9;
	v9 =	vadd.s32 $0x6800, v0  }
0x11a: {  	s20 =	sor.u32 $0x13280, s14;
	s2 =	sor.u32 $0x300, s2;
	v14 =	vadd.s32 $0xB000, v2;
	[tilespmem:s19+$0x10200] =	vst v10;
	v10 =	vld.idx.msk [tilespmem:v15+s3+$0x0], $0xffff  }
0x11b: {  	s24 =	sor.u32 s13, s20;
	[tilespmem:s2+$0x10200] =	vst v11;
	v11 =	vld.idx.msk [tilespmem:v16+s3+$0x0], $0xffff;
	v15 =	vadd.s32 $0xB400, v7  }
0x11c: {  	s6 =	sor.u32 s12, s20;
	v16 =	vadd.s32 $0x2000, v4;
	v5 =	vld.idx.msk [tilespmem:v5+s3+$0x0], $0xffff;
	[tilespmem:s24+$0x0] =	vst v6  }
0x11d: {  	s25 =	sor.u32 s21, s10;
	s26 =	sadd.s32 $0x15400, s23;
	[tilespmem:s6+$0x0] =	vst v8;
	v8 =	vld.idx.msk [tilespmem:v12+s3+$0x0], $0xffff  }
0x11e: {  	s4 =	sor.u32 s22, s26;
	v6 =	vadd.s32 $0x2000, v3;
	[tilespmem:s25+$0x0] =	vst v13;
	v9 =	vld.idx.msk [tilespmem:v9+s3+$0x0], $0xffff  }
0x11f: {  	s6 =	sor.u32 $0x380, s11;
	v12 =	vadd.s32 $0x6C00, v1;
	v13 =	vld.idx.msk [tilespmem:v14+s3+$0x0], $0xffff;
	[tilespmem:s4+$0x0] =	vst v10  }
0x120: {  	s0 =	sor.u32 s1, s0;
	[tilespmem:s6+$0x10200] =	vst v11;
	v10 =	vadd.s32 $0x6C00, v0;
	v11 =	vld.idx.msk [tilespmem:v15+s3+$0x0], $0xffff  }
0x121: {  	s0 =	sor.u32 $0x380, s0;
	s8 =	simm.s32 $0x10060;
	s7 =	sor.u32 $0x13300, s14;
	v14 =	vld.idx.msk [tilespmem:v16+s3+$0x0], $0xffff;
	v15 =	vadd.s32 $0xB400, v2  }
0x122: {  	s9 =	sor.u32 s13, s7;
	[tilespmem:s0+$0x10200] =	vst v5;
	v16 =	vadd.s32 $0xB800, v7;
	v5 =	vld [tilespmem:s8+$0x0]  }
0x123: {  	v17 =	vadd.s32 $0x2400, v4;
	s0 =	sor.u32 s12, s7;
	v6 =	vld.idx.msk [tilespmem:v6+s3+$0x0], $0xffff;
	[tilespmem:s9+$0x0] =	vst v8  }
0x124: {  	s10 =	sor.u32 s21, s26;
	s11 =	sadd.s32 $0x15480, s23;
	v8 =	vadd.s32 $0x2400, v3;
	[tilespmem:s0+$0x0] =	vst v9;
	v9 =	vld.idx.msk [tilespmem:v12+s3+$0x0], $0xffff  }
0x125: {  	s18 =	sor.u32 $0x11200, s17;
	s19 =	sor.u32 s22, s11;
	[tilespmem:s10+$0x0] =	vst v13;
	v12 =	vadd.s32 $0x7000, v1;
	v10 =	vld.idx.msk [tilespmem:v10+s3+$0x0], $0xffff  }
0x126: {  	s20 =	sor.u32 s16, s18;
	v13 =	vld.idx.msk [tilespmem:v15+s3+$0x0], $0xffff;
	[tilespmem:s19+$0x0] =	vst v11;
	v11 =	vadd.s32 $0x7000, v0  }
0x127: {  	s24 =	sor.u32 s15, s18;
	s25 =	sor.u32 $0x13380, s14;
	[tilespmem:s20+$0x0] =	vst v14;
	v15 =	vadd.s32 $0xB800, v2;
	v14 =	vld.idx.msk [tilespmem:v16+s3+$0x0], $0xffff  }
0x128: {  	s26 =	sor.u32 s13, s25;
	[tilespmem:s24+$0x0] =	vst v6;
	v6 =	vld.idx.msk [tilespmem:v17+s3+$0x0], $0xffff;
	v16 =	vadd.s32 $0xBC00, v7  }
0x129: {  	s2 =	sor.u32 s12, s25;
	v17 =	vadd.s32 $0x2800, v4;
	v8 =	vld.idx.msk [tilespmem:v8+s3+$0x0], $0xffff;
	[tilespmem:s26+$0x0] =	vst v9  }
0x12a: {  	s4 =	sadd.s32 $0x15500, s23;
	s0 =	sor.u32 s21, s11;
	v9 =	vadd.s32 $0x2800, v3;
	[tilespmem:s2+$0x0] =	vst v10;
	v10 =	vld.idx.msk [tilespmem:v12+s3+$0x0], $0xffff  }
0x12b: {  	s5 =	sor.u32 $0x11280, s17;
	s6 =	sor.u32 s22, s4;
	v12 =	vadd.s32 $0x7400, v1;
	v11 =	vld.idx.msk [tilespmem:v11+s3+$0x0], $0xffff;
	[tilespmem:s0+$0x0] =	vst v13  }
0x12c: {  	s7 =	sor.u32 s16, s5;
	v13 =	vld.idx.msk [tilespmem:v15+s3+$0x0], $0xffff;
	[tilespmem:s6+$0x0] =	vst v14;
	v14 =	vadd.s32 $0x7400, v0  }
0x12d: {  	s8 =	sor.u32 s15, s5;
	s9 =	sadd.s32 $0x13400, s14;
	[tilespmem:s7+$0x0] =	vst v6;
	v15 =	vadd.s32 $0xBC00, v2;
	v6 =	vld.idx.msk [tilespmem:v16+s3+$0x0], $0xffff  }
0x12e: {  	s10 =	sor.u32 s13, s9;
	[tilespmem:s8+$0x0] =	vst v8;
	v8 =	vld.idx.msk [tilespmem:v17+s3+$0x0], $0xffff;
	v16 =	vadd.s32 $0xC000, v7  }
0x12f: {  	s2 =	sor.u32 s12, s9;
	v17 =	vadd.s32 $0x2C00, v4;
	v9 =	vld.idx.msk [tilespmem:v9+s3+$0x0], $0xffff;
	[tilespmem:s10+$0x0] =	vst v10  }
0x130: {  	s18 =	sadd.s32 $0x15580, s23;
	s11 =	sor.u32 s21, s4;
	v10 =	vadd.s32 $0x2C00, v3;
	[tilespmem:s2+$0x0] =	vst v11;
	v11 =	vld.idx.msk [tilespmem:v12+s3+$0x0], $0xffff  }
0x131: {  	s19 =	sor.u32 $0x11300, s17;
	s20 =	sor.u32 s22, s18;
	v12 =	vld.idx.msk [tilespmem:v14+s3+$0x0], $0xffff;
	[tilespmem:s11+$0x0] =	vst v13;
	v13 =	vadd.s32 $0x7800, v1  }
0x132: {  	s24 =	sor.u32 s16, s19;
	v14 =	vld.idx.msk [tilespmem:v15+s3+$0x0], $0xffff;
	[tilespmem:s20+$0x0] =	vst v6;
	v6 =	vadd.s32 $0x7800, v0  }
0x133: {  	s25 =	sor.u32 s15, s19;
	s26 =	sadd.s32 $0x13480, s14;
	[tilespmem:s24+$0x0] =	vst v8;
	v15 =	vadd.s32 $0xC000, v2;
	v8 =	vld.idx.msk [tilespmem:v16+s3+$0x0], $0xffff  }
0x134: {  	s4 =	sor.u32 s13, s26;
	[tilespmem:s25+$0x0] =	vst v9;
	v9 =	vld.idx.msk [tilespmem:v17+s3+$0x0], $0xffff;
	v16 =	vadd.s32 $0xC400, v7  }
0x135: {  	s2 =	sor.u32 s12, s26;
	v17 =	vadd.s32 $0x3000, v4;
	v10 =	vld.idx.msk [tilespmem:v10+s3+$0x0], $0xffff;
	[tilespmem:s4+$0x0] =	vst v11  }
0x136: {  	s5 =	sor.u32 s21, s18;
	s6 =	sor.u32 $0x16200, s23;
	v11 =	vadd.s32 $0x3000, v3;
	[tilespmem:s2+$0x0] =	vst v12;
	v12 =	vld.idx.msk [tilespmem:v13+s3+$0x0], $0xffff  }
0x137: {  	s7 =	sor.u32 $0x11380, s17;
	s8 =	sor.u32 s22, s6;
	v13 =	vadd.s32 $0x7C00, v1;
	v6 =	vld.idx.msk [tilespmem:v6+s3+$0x0], $0xffff;
	[tilespmem:s5+$0x0] =	vst v14  }
0x138: {  	s9 =	sor.u32 s16, s7;
	v14 =	vld.idx.msk [tilespmem:v15+s3+$0x0], $0xffff;
	[tilespmem:s8+$0x0] =	vst v8;
	v8 =	vadd.s32 $0x7C00, v0  }
0x139: {  	s10 =	sor.u32 s15, s7;
	s11 =	sadd.s32 $0x13500, s14;
	[tilespmem:s9+$0x0] =	vst v9;
	v15 =	vadd.s32 $0xC400, v2;
	v9 =	vld.idx.msk [tilespmem:v16+s3+$0x0], $0xffff  }
0x13a: {  	s18 =	sor.u32 s13, s11;
	[tilespmem:s10+$0x0] =	vst v10;
	v10 =	vld.idx.msk [tilespmem:v17+s3+$0x0], $0xffff;
	v16 =	vadd.s32 $0xC800, v7  }
0x13b: {  	s2 =	sor.u32 s12, s11;
	v17 =	vadd.s32 $0x3400, v4;
	v11 =	vld.idx.msk [tilespmem:v11+s3+$0x0], $0xffff;
	[tilespmem:s18+$0x0] =	vst v12  }
0x13c: {  	s19 =	sor.u32 s21, s6;
	s20 =	sor.u32 $0x16280, s23;
	v12 =	vadd.s32 $0x3400, v3;
	[tilespmem:s2+$0x0] =	vst v6;
	v6 =	vld.idx.msk [tilespmem:v13+s3+$0x0], $0xffff  }
0x13d: {  	s24 =	sadd.s32 $0x11400, s17;
	s25 =	sor.u32 s22, s20;
	v13 =	vadd.s32 $0x8000, v1;
	v8 =	vld.idx.msk [tilespmem:v8+s3+$0x0], $0xffff;
	[tilespmem:s19+$0x0] =	vst v14  }
0x13e: {  	s26 =	sor.u32 s16, s24;
	v14 =	vld.idx.msk [tilespmem:v15+s3+$0x0], $0xffff;
	[tilespmem:s25+$0x0] =	vst v9;
	v9 =	vadd.s32 $0x8000, v0  }
0x13f: {  	s6 =	sadd.s32 $0x13580, s14;
	s4 =	sor.u32 s15, s24;
	[tilespmem:s26+$0x0] =	vst v10;
	v15 =	vadd.s32 $0xC800, v2;
	v10 =	vld.idx.msk [tilespmem:v16+s3+$0x0], $0xffff  }
0x140: {  	s7 =	sor.u32 s13, s6;
	[tilespmem:s4+$0x0] =	vst v11;
	v11 =	vld.idx.msk [tilespmem:v17+s3+$0x0], $0xffff;
	v16 =	vadd.s32 $0xCC00, v7  }
0x141: {  	s2 =	sor.u32 s12, s6;
	v17 =	vadd.s32 $0x3800, v4;
	v12 =	vld.idx.msk [tilespmem:v12+s3+$0x0], $0xffff;
	[tilespmem:s7+$0x0] =	vst v6  }
0x142: {  	s8 =	sor.u32 s21, s20;
	s9 =	sor.u32 $0x16300, s23;
	v6 =	vadd.s32 $0x3800, v3;
	[tilespmem:s2+$0x0] =	vst v8;
	v8 =	vld.idx.msk [tilespmem:v13+s3+$0x0], $0xffff  }
0x143: {  	s10 =	sadd.s32 $0x11480, s17;
	s11 =	sor.u32 s22, s9;
	v13 =	vadd.s32 $0x8400, v1;
	v9 =	vld.idx.msk [tilespmem:v9+s3+$0x0], $0xffff;
	[tilespmem:s8+$0x0] =	vst v14  }
0x144: {  	s18 =	sor.u32 s16, s10;
	v14 =	vld.idx.msk [tilespmem:v15+s3+$0x0], $0xffff;
	[tilespmem:s11+$0x0] =	vst v10;
	v10 =	vadd.s32 $0x8400, v0  }
0x145: {  	s20 =	sor.u32 $0x14200, s14;
	s19 =	sor.u32 s15, s10;
	[tilespmem:s18+$0x0] =	vst v11;
	v15 =	vadd.s32 $0xCC00, v2;
	v11 =	vld.idx.msk [tilespmem:v16+s3+$0x0], $0xffff  }
0x146: {  	s24 =	sor.u32 s13, s20;
	[tilespmem:s19+$0x0] =	vst v12;
	v12 =	vld.idx.msk [tilespmem:v17+s3+$0x0], $0xffff;
	v16 =	vadd.s32 $0xD000, v7  }
0x147: {  	s2 =	sor.u32 s12, s20;
	v17 =	vadd.s32 $0x3C00, v4;
	v6 =	vld.idx.msk [tilespmem:v6+s3+$0x0], $0xffff;
	[tilespmem:s24+$0x0] =	vst v8  }
0x148: {  	s25 =	sor.u32 s21, s9;
	s26 =	sor.u32 $0x16380, s23;
	v8 =	vadd.s32 $0x3C00, v3;
	[tilespmem:s2+$0x0] =	vst v9;
	v9 =	vld.idx.msk [tilespmem:v13+s3+$0x0], $0xffff  }
0x149: {  	s4 =	sadd.s32 $0x11500, s17;
	s5 =	sor.u32 s22, s26;
	v13 =	vadd.s32 $0x8800, v1;
	v10 =	vld.idx.msk [tilespmem:v10+s3+$0x0], $0xffff;
	[tilespmem:s25+$0x0] =	vst v14  }
0x14a: {  	s6 =	sor.u32 s16, s4;
	v14 =	vld.idx.msk [tilespmem:v15+s3+$0x0], $0xffff;
	[tilespmem:s5+$0x0] =	vst v11;
	v11 =	vadd.s32 $0x8800, v0  }
0x14b: {  	s7 =	sor.u32 s15, s4;
	s8 =	sor.u32 $0x14280, s14;
	[tilespmem:s6+$0x0] =	vst v12;
	v15 =	vadd.s32 $0xD000, v2;
	v12 =	vld.idx.msk [tilespmem:v16+s3+$0x0], $0xffff  }
0x14c: {  	s9 =	sor.u32 s13, s8;
	[tilespmem:s7+$0x0] =	vst v6;
	v6 =	vld.idx.msk [tilespmem:v17+s3+$0x0], $0xffff;
	v16 =	vadd.s32 $0xD400, v7  }
0x14d: {  	s2 =	sor.u32 s12, s8;
	v17 =	vadd.s32 $0x4000, v4;
	v8 =	vld.idx.msk [tilespmem:v8+s3+$0x0], $0xffff;
	[tilespmem:s9+$0x0] =	vst v9  }
0x14e: {  	s10 =	sor.u32 s21, s26;
	s11 =	sadd.s32 $0x16400, s23;
	v9 =	vadd.s32 $0x4000, v3;
	[tilespmem:s2+$0x0] =	vst v10;
	v10 =	vld.idx.msk [tilespmem:v13+s3+$0x0], $0xffff  }
0x14f: {  	s18 =	sadd.s32 $0x11580, s17;
	s19 =	sor.u32 s22, s11;
	v13 =	vadd.s32 $0x8C00, v1;
	v11 =	vld.idx.msk [tilespmem:v11+s3+$0x0], $0xffff;
	[tilespmem:s10+$0x0] =	vst v14  }
0x150: {  	s20 =	sor.u32 s16, s18;
	v14 =	vld.idx.msk [tilespmem:v15+s3+$0x0], $0xffff;
	[tilespmem:s19+$0x0] =	vst v12;
	v12 =	vadd.s32 $0x8C00, v0  }
0x151: {  	s24 =	sor.u32 s15, s18;
	s25 =	sor.u32 $0x14300, s14;
	[tilespmem:s20+$0x0] =	vst v6;
	v15 =	vadd.s32 $0xD400, v2;
	v6 =	vld.idx.msk [tilespmem:v16+s3+$0x0], $0xffff  }
0x152: {  	s26 =	sor.u32 s13, s25;
	[tilespmem:s24+$0x0] =	vst v8;
	v8 =	vld.idx.msk [tilespmem:v17+s3+$0x0], $0xffff  }
0x153: {  	s4 =	sadd.s32 $0x16480, s23;
	s2 =	sor.u32 s12, s25;
	s25 =	simm.s32 $0x60;
	v16 =	vadd.s32 $0xD800, v7;
	v9 =	vld.idx.msk [tilespmem:v9+s3+$0x0], $0xffff;
	[tilespmem:s26+$0x0] =	vst v10  }
0x154: {  	s1 =	sor.u32 s21, s11;
	s5 =	sor.u32 $0x12200, s17;
	s19 =	sand.u32 $0x60, s25;
	v17 =	vadd.s32 $0x4400, v4;
	[tilespmem:s2+$0x0] =	vst v11;
	v11 =	vld.idx.msk [tilespmem:v13+s3+$0x0], $0xffff  }
0x155: {  	s6 =	sor.u32 s22, s4;
	s9 =	sand.u32 $0x180, s25;
	s18 =	sor.u32 $0x10, s19;
	v10 =	vadd.s32 $0x4400, v3;
	v12 =	vld.idx.msk [tilespmem:v12+s3+$0x0], $0xffff;
	[tilespmem:s1+$0x0] =	vst v14  }
0x156: {  	s7 =	sor.u32 s16, s5;
	v13 =	vadd.s32 $0x9000, v1;
	s2 =	sor.u32 s18, s9;
	v14 =	vld.idx.msk [tilespmem:v15+s3+$0x0], $0xffff;
	[tilespmem:s6+$0x0] =	vst v6  }
0x157: {  	[tilespmem:s7+$0x0] =	vst v8;
	v8 =	vadd.s32 $0x9000, v0;
	v6 =	vld [tilespmem:s2+$0x10000]  }
0x158: {  	s8 =	sor.u32 s15, s5;
	s10 =	sor.u32 $0x14380, s14;
	v15 =	vld.idx.msk [tilespmem:v16+s3+$0x0], $0xffff;
	v16 =	vadd.s32 $0xD800, v2  }
0x159: {  	s11 =	sor.u32 s13, s10;
	[tilespmem:s8+$0x0] =	vst v9;
	v9 =	vld.idx.msk [tilespmem:v17+s3+$0x0], $0xffff;
	v17 =	vadd.s32 $0xDC00, v7  }
0x15a: {  	v18 =	vadd.s32 $0x4800, v4;
	s0 =	sor.u32 s12, s10;
	v10 =	vld.idx.msk [tilespmem:v10+s3+$0x0], $0xffff;
	[tilespmem:s11+$0x0] =	vst v11  }
0x15b: {  	s20 =	sadd.s32 $0x16500, s23;
	s1 =	sor.u32 s21, s4;
	[tilespmem:s0+$0x0] =	vst v12;
	v12 =	vld.idx.msk [tilespmem:v13+s3+$0x0], $0xffff  }
0x15c: {  	s24 =	sor.u32 $0x12280, s17;
	s26 =	sor.u32 s22, s20;
	v11 =	vadd.s32 $0x4800, v3;
	v8 =	vld.idx.msk [tilespmem:v8+s3+$0x0], $0xffff;
	[tilespmem:s1+$0x0] =	vst v14  }
0x15d: {  	s4 =	sor.u32 s16, s24;
	v14 =	vld.idx.msk [tilespmem:v16+s3+$0x0], $0xffff;
	[tilespmem:s26+$0x0] =	vst v15  }
0x15e: {  	s5 =	sadd.s32 $0x14400, s14;
	v13 =	vadd.s32 $0x9400, v1;
	s0 =	sor.u32 s15, s24;
	[tilespmem:s4+$0x0] =	vst v9;
	v9 =	vld.idx.msk [tilespmem:v17+s3+$0x0], $0xffff  }
0x15f: {  	s6 =	sor.u32 s13, s5;
	v15 =	vadd.s32 $0x9400, v0;
	[tilespmem:s0+$0x0] =	vst v10;
	v10 =	vld.idx.msk [tilespmem:v18+s3+$0x0], $0xffff  }
0x160: {  	s7 =	sor.u32 s12, s5;
	v16 =	vadd.s32 $0xE000, v7;
	v17 =	vld.idx.msk [tilespmem:v5+s3+$0x0], $0xffff;
	[tilespmem:s6+$0x0] =	vst v12  }
0x161: {  	s30 =	simm.s32 $0x300;
	s2 =	sor.u32 s21, s20;
	v18 =	vadd.s32 $0x4C00, v4;
	s0 =	sadd.s32 $0x16580, s23;
	v11 =	vld.idx.msk [tilespmem:v11+s3+$0x0], $0xffff;
	[tilespmem:s7+$0x0] =	vst v8  }
0x162: {  	s20 =	sand.u32 $0xC00, s30;
	s8 =	sor.u32 $0x12300, s17;
	v19 =	vld.idx.msk [tilespmem:v6+s3+$0x0], $0xffff;
	s9 =	sor.u32 s22, s0;
	v12 =	vadd.s32 $0x4C00, v3;
	[tilespmem:s2+$0x0] =	vst v14  }
0x163: {  	s10 =	sor.u32 s16, s8;
	s24 =	sor.u32 $0x10200, s20;
	v13 =	vld.idx.msk [tilespmem:v13+s3+$0x0], $0xffff;
	v8 =	vadd.s32 $0xDC00, v2;
	[tilespmem:s9+$0x0] =	vst v9  }
0x164: {  	v20 =	vadd.s32 $0x9800, v1;
	v15 =	vld.idx.msk [tilespmem:v15+s3+$0x0], $0xffff;
	s2 =	sor.u32 s19, s24;
	[tilespmem:s10+$0x0] =	vst v10  }
0x165: {  	s1 =	sor.u32 s15, s8;
	v9 =	vadd.s32 $0x400, v6;
	[tilespmem:s2+$0x0] =	vst v17;
	v10 =	vld.idx.msk [tilespmem:v16+s3+$0x0], $0xffff  }
0x166: {  	s11 =	sadd.s32 $0x14480, s14;
	v17 =	vadd.s32 $0x9800, v0;
	[tilespmem:s1+$0x0] =	vst v11;
	v11 =	vld.idx.msk [tilespmem:v18+s3+$0x0], $0xffff  }
0x167: {  	s26 =	sor.u32 s13, s11;
	v16 =	vadd.s32 $0x400, v5;
	v12 =	vld.idx.msk [tilespmem:v12+s3+$0x0], $0xffff  }
0x168: {  	s6 =	sor.u32 s18, s24;
	v14 =	vadd.s32 $0xE400, v7;
	[tilespmem:s26+$0x0] =	vst v13;
	v8 =	vld.idx.msk [tilespmem:v8+s3+$0x0], $0xffff  }
0x169: {  	s5 =	sor.u32 s12, s11;
	v18 =	vadd.s32 $0x5000, v4;
	[tilespmem:s6+$0x0] =	vst v19;
	v19 =	vld.idx.msk [tilespmem:v20+s3+$0x0], $0xffff  }
0x16a: {  	s1 =	sor.u32 $0x17200, s23;
	v13 =	vadd.s32 $0x5000, v3;
	[tilespmem:s5+$0x0] =	vst v15;
	v9 =	vld.idx.msk [tilespmem:v9+s3+$0x0], $0xffff  }
0x16b: {  	s4 =	sor.u32 $0x12380, s17;
	s7 =	sor.u32 s22, s1;
	v20 =	vadd.s32 $0x9C00, v1;
	v17 =	vld.idx.msk [tilespmem:v17+s3+$0x0], $0xffff  }
0x16c: {  	s10 =	sor.u32 s16, s4;
	v16 =	vld.idx.msk [tilespmem:v16+s3+$0x0], $0xffff;
	[tilespmem:s7+$0x0] =	vst v10;
	v10 =	vadd.s32 $0x800, v6  }
0x16d: {  	s11 =	sadd.s32 $0x14500, s14;
	s8 =	sor.u32 s15, s4;
	[tilespmem:s10+$0x0] =	vst v11;
	v11 =	vld.idx.msk [tilespmem:v14+s3+$0x0], $0xffff;
	v14 =	vadd.s32 $0x800, v5  }
0x16e: {  	s26 =	sor.u32 s13, s11;
	v15 =	vadd.s32 $0xE800, v7;
	[tilespmem:s8+$0x0] =	vst v12;
	v12 =	vld.idx.msk [tilespmem:v18+s3+$0x0], $0xffff  }
0x16f: {  	v18 =	vadd.s32 $0x5400, v4;
	v13 =	vld.idx.msk [tilespmem:v13+s3+$0x0], $0xffff;
	[tilespmem:s26+$0x0] =	vst v19  }
0x170: {  	s5 =	sor.u32 $0x17280, s23;
	[tilespmem:s6+$0x80] =	vst v9;
	v9 =	vadd.s32 $0x5400, v3;
	v19 =	vld.idx.msk [tilespmem:v20+s3+$0x0], $0xffff  }
0x171: {  	s4 =	sadd.s32 $0x12400, s17;
	s7 =	sor.u32 s22, s5;
	[tilespmem:s2+$0x80] =	vst v16;
	v10 =	vld.idx.msk [tilespmem:v10+s3+$0x0], $0xffff;
	v16 =	vadd.s32 $0x9C00, v0  }
0x172: {  	s24 =	sor.u32 s16, s4;
	v20 =	vadd.s32 $0xA000, v1;
	v14 =	vld.idx.msk [tilespmem:v14+s3+$0x0], $0xffff;
	[tilespmem:s7+$0x0] =	vst v11  }
0x173: {  	s9 =	sor.u32 s15, s4;
	v11 =	vadd.s32 $0xC00, v6;
	[tilespmem:s24+$0x0] =	vst v12;
	v12 =	vld.idx.msk [tilespmem:v15+s3+$0x0], $0xffff  }
0x174: {  	s8 =	sor.u32 s12, s11;
	s11 =	sadd.s32 $0x14580, s14;
	v15 =	vadd.s32 $0xC00, v5;
	[tilespmem:s9+$0x0] =	vst v13;
	v13 =	vld.idx.msk [tilespmem:v18+s3+$0x0], $0xffff  }
0x175: {  	s4 =	sor.u32 s13, s11;
	[tilespmem:s8+$0x0] =	vst v17;
	v17 =	vadd.s32 $0xEC00, v7;
	v9 =	vld.idx.msk [tilespmem:v9+s3+$0x0], $0xffff  }
0x176: {  	v18 =	vadd.s32 $0x5800, v4;
	[tilespmem:s4+$0x0] =	vst v19;
	v16 =	vld.idx.msk [tilespmem:v16+s3+$0x0], $0xffff  }
0x177: {  	s4 =	sor.u32 $0x17300, s23;
	[tilespmem:s6+$0x100] =	vst v10;
	v10 =	vadd.s32 $0x5800, v3;
	v19 =	vld.idx.msk [tilespmem:v20+s3+$0x0], $0xffff  }
0x178: {  	s7 =	sadd.s32 $0x12480, s17;
	s9 =	sor.u32 s22, s4;
	[tilespmem:s2+$0x100] =	vst v14;
	v11 =	vld.idx.msk [tilespmem:v11+s3+$0x0], $0xffff;
	v14 =	vadd.s32 $0xA000, v0  }
0x179: {  	s26 =	sor.u32 s16, s7;
	v20 =	vadd.s32 $0xA400, v1;
	v15 =	vld.idx.msk [tilespmem:v15+s3+$0x0], $0xffff;
	[tilespmem:s9+$0x0] =	vst v12  }
0x17a: {  	s8 =	sor.u32 s15, s7;
	v12 =	vadd.s32 $0x1000, v6;
	[tilespmem:s26+$0x0] =	vst v13;
	v13 =	vld.idx.msk [tilespmem:v17+s3+$0x0], $0xffff  }
0x17b: {  	s10 =	sor.u32 s12, s11;
	s11 =	sor.u32 $0x15200, s14;
	v17 =	vadd.s32 $0x1000, v5;
	[tilespmem:s8+$0x0] =	vst v9;
	v9 =	vld.idx.msk [tilespmem:v18+s3+$0x0], $0xffff  }
0x17c: {  	s26 =	sor.u32 s13, s11;
	v10 =	vld.idx.msk [tilespmem:v10+s3+$0x0], $0xffff;
	[tilespmem:s10+$0x0] =	vst v16;
	v16 =	vadd.s32 $0xF000, v7  }
0x17d: {  	v18 =	vadd.s32 $0x5C00, v4;
	[tilespmem:s26+$0x0] =	vst v19;
	v14 =	vld.idx.msk [tilespmem:v14+s3+$0x0], $0xffff  }
0x17e: {  	s10 =	sor.u32 $0x17380, s23;
	[tilespmem:s6+$0x180] =	vst v11;
	v11 =	vadd.s32 $0x5C00, v3;
	v19 =	vld.idx.msk [tilespmem:v20+s3+$0x0], $0xffff  }
0x17f: {  	s7 =	sadd.s32 $0x12500, s17;
	s9 =	sor.u32 s22, s10;
	[tilespmem:s2+$0x180] =	vst v15;
	v12 =	vld.idx.msk [tilespmem:v12+s3+$0x0], $0xffff;
	v15 =	vadd.s32 $0xA400, v0  }
0x180: {  	s28 =	sor.u32 s16, s7;
	v20 =	vadd.s32 $0xA800, v1;
	v17 =	vld.idx.msk [tilespmem:v17+s3+$0x0], $0xffff;
	[tilespmem:s9+$0x0] =	vst v13  }
0x181: {  	s24 =	sor.u32 s15, s7;
	v13 =	vadd.s32 $0x1400, v6;
	[tilespmem:s28+$0x0] =	vst v9;
	v9 =	vld.idx.msk [tilespmem:v16+s3+$0x0], $0xffff  }
0x182: {  	s8 =	sor.u32 s12, s11;
	s11 =	sor.u32 $0x15280, s14;
	v16 =	vadd.s32 $0x1400, v5;
	[tilespmem:s24+$0x0] =	vst v10;
	v10 =	vld.idx.msk [tilespmem:v18+s3+$0x0], $0xffff  }
0x183: {  	s24 =	sor.u32 s13, s11;
	v11 =	vld.idx.msk [tilespmem:v11+s3+$0x0], $0xffff;
	[tilespmem:s8+$0x0] =	vst v14;
	v14 =	vadd.s32 $0xF400, v7  }
0x184: {  	v18 =	vadd.s32 $0x6000, v4;
	[tilespmem:s24+$0x0] =	vst v19;
	v15 =	vld.idx.msk [tilespmem:v15+s3+$0x0], $0xffff  }
0x185: {  	s24 =	sadd.s32 $0x17400, s23;
	[tilespmem:s6+$0x200] =	vst v12;
	v12 =	vadd.s32 $0x6000, v3;
	v19 =	vld.idx.msk [tilespmem:v20+s3+$0x0], $0xffff  }
0x186: {  	s7 =	sadd.s32 $0x12580, s17;
	s28 =	sor.u32 s22, s24;
	[tilespmem:s2+$0x200] =	vst v17;
	v13 =	vld.idx.msk [tilespmem:v13+s3+$0x0], $0xffff;
	v17 =	vadd.s32 $0xA800, v0  }
0x187: {  	s29 =	sor.u32 s16, s7;
	v20 =	vadd.s32 $0xAC00, v1;
	v16 =	vld.idx.msk [tilespmem:v16+s3+$0x0], $0xffff;
	[tilespmem:s28+$0x0] =	vst v9  }
0x188: {  	s8 =	sor.u32 s15, s7;
	v9 =	vadd.s32 $0x1800, v6;
	[tilespmem:s29+$0x0] =	vst v10;
	v10 =	vld.idx.msk [tilespmem:v14+s3+$0x0], $0xffff  }
0x189: {  	s26 =	sor.u32 s12, s11;
	s28 =	sor.u32 $0x15300, s14;
	v14 =	vadd.s32 $0x1800, v5;
	[tilespmem:s8+$0x0] =	vst v11;
	v11 =	vld.idx.msk [tilespmem:v18+s3+$0x0], $0xffff  }
0x18a: {  	s9 =	sor.u32 s13, s28;
	v12 =	vld.idx.msk [tilespmem:v12+s3+$0x0], $0xffff;
	[tilespmem:s26+$0x0] =	vst v15;
	v15 =	vadd.s32 $0xF800, v7  }
0x18b: {  	v18 =	vadd.s32 $0x6400, v4;
	[tilespmem:s9+$0x0] =	vst v19;
	v17 =	vld.idx.msk [tilespmem:v17+s3+$0x0], $0xffff  }
0x18c: {  	s9 =	sadd.s32 $0x17480, s23;
	[tilespmem:s6+$0x280] =	vst v13;
	v13 =	vadd.s32 $0x6400, v3;
	v19 =	vld.idx.msk [tilespmem:v20+s3+$0x0], $0xffff  }
0x18d: {  	s11 =	sor.u32 $0x13200, s17;
	s8 =	simm.s32 $0x3;
	s6 =	sor.u32 s22, s9;
	[tilespmem:s2+$0x280] =	vst v16;
	v9 =	vld.idx.msk [tilespmem:v9+s3+$0x0], $0xffff;
	v16 =	vadd.s32 $0xAC00, v0  }
0x18e: {  	s7 =	sor.u32 s16, s11;
	s29 =	sand.u32 $0x3, s8;
	v14 =	vld.idx.msk [tilespmem:v14+s3+$0x0], $0xffff;
	[tilespmem:s6+$0x0] =	vst v10;
	v10 =	vadd.s32 $0xB000, v1  }
0x18f: {  	s29 =	sshll.u32 s29, $0x5;
	v20 =	vadd.s32 $0x1C00, v6;
	s2 =	sor.u32 s15, s11;
	[tilespmem:s7+$0x0] =	vst v11;
	v11 =	vld.idx.msk [tilespmem:v15+s3+$0x0], $0xffff  }
0x190: {  	s11 =	sor.u32 s12, s28;
	s28 =	sadd.s32 $0x300, s29;
	s29 =	sor.u32 $0x15380, s14;
	v15 =	vadd.s32 $0x1C00, v5;
	[tilespmem:s2+$0x0] =	vst v12;
	v12 =	vld.idx.msk [tilespmem:v18+s3+$0x0], $0xffff  }
0x191: {  	v7 =	vadd.s32 $0xFC00, v7;
	s7 =	sadd.s32 $0x10, s28;
	s26 =	sor.u32 s13, s29;
	v13 =	vld.idx.msk [tilespmem:v13+s3+$0x0], $0xffff;
	[tilespmem:s11+$0x0] =	vst v17  }
0x192: {  	s6 =	sor.u32 $0x300, s7;
	[tilespmem:s26+$0x0] =	vst v19;
	v17 =	vadd.s32 $0x6800, v4;
	v16 =	vld.idx.msk [tilespmem:v16+s3+$0x0], $0xffff  }
0x193: {  	s11 =	sor.u32 $0x300, s28;
	[tilespmem:s6+$0x10200] =	vst v9;
	v9 =	vadd.s32 $0x6800, v3;
	s6 =	sadd.s32 $0x17500, s23;
	v10 =	vld.idx.msk [tilespmem:v10+s3+$0x0], $0xffff  }
0x194: {  	s26 =	sor.u32 s30, s25;
	v19 =	vadd.s32 $0xB000, v0;
	s28 =	sor.u32 $0x13280, s17;
	[tilespmem:s11+$0x10200] =	vst v14;
	v18 =	vld.idx.msk [tilespmem:v20+s3+$0x0], $0xffff;
	s11 =	sor.u32 s22, s6  }
0x195: {  	s31 =	sor.u32 s21, s4;
	[tilespmem:s11+$0x0] =	vst v11;
	s11 =	sor.u32 $0x380, s26;
	v11 =	vld.idx.msk [tilespmem:v15+s3+$0x0], $0xffff;
	v15 =	vadd.s32 $0xB400, v1;
	s26 =	sor.u32 s16, s28  }
0x196: {  	s4 =	sadd.s32 $0x15400, s14;
	s2 =	sor.u32 s21, s0;
	[tilespmem:s26+$0x0] =	vst v12;
	s26 =	sor.u32 s15, s28;
	v12 =	vadd.s32 $0x2000, v6;
	v20 =	vld.idx.msk [tilespmem:v7+s3+$0x0], $0xffff  }
0x197: {  	v21 =	vadd.s32 $0x2000, v5;
	s0 =	sor.u32 s21, s1;
	s1 =	sor.u32 s21, s5;
	[tilespmem:s26+$0x0] =	vst v13;
	s26 =	sor.u32 s12, s29;
	v13 =	vld.idx.msk [tilespmem:v17+s3+$0x0], $0xffff  }
0x198: {  	s7 =	sor.u32 $0x380, s7;
	s28 =	sor.u32 s21, s24;
	[tilespmem:s26+$0x0] =	vst v16;
	v14 =	vld.idx.msk [tilespmem:v9+s3+$0x0], $0xffff;
	s26 =	sor.u32 s13, s4  }
0x199: {  	s24 =	sor.u32 s21, s6;
	s29 =	sor.u32 s21, s10;
	s10 =	sadd.s32 $0x17580, s23;
	[tilespmem:s26+$0x0] =	vst v10;
	v10 =	vld.idx.msk [tilespmem:v19+s3+$0x0], $0xffff  }
0x19a: {  	s6 =	sor.u32 s12, s4;
	s23 =	sor.u32 $0x13300, s17;
	s4 =	sor.u32 s22, s10;
	[tilespmem:s7+$0x10200] =	vst v18;
	v7 =	vld.idx.msk [tilespmem:v15+s3+$0x0], $0xffff  }
0x19b: {  	s22 =	simm.s32 $0x10080;
	s5 =	sor.u32 s15, s23;
	s26 =	sor.u32 s21, s9;
	v15 =	vadd.s32 $0x6C00, v4;
	[tilespmem:s11+$0x10200] =	vst v11;
	v17 =	vld.idx.msk [tilespmem:v12+s3+$0x0], $0xffff  }
0x19c: {  	v16 =	vadd.s32 $0x6C00, v3;
	v9 =	vadd.s32 $0xB800, v1;
	s9 =	simm.s32 $0x6;
	s21 =	sor.u32 s21, s10;
	s10 =	sor.u32 s16, s23;
	v11 =	vadd.s32 $0xB400, v0;
	v18 =	vld.idx.msk [tilespmem:v21+s3+$0x0], $0xffff;
	[tilespmem:s4+$0x0] =	vst v20  }
.LBB2_2:
0x19d: {  	_ =	sdelay $0x1  }
0x19e: {  	v12 =	vld [tilespmem:s22+$0x0];
	s23 =	smov.u32 s12;
	s12 =	smov.u32 s15;
	[tilespmem:s10+$0x0] =	vst v13  }
0x19f: {  	s15 =	smov.u32 s19;
	s4 =	sadd.s32 $0x15480, s14;
	v13 =	vadd.s32 $0x2400, v5;
	s10 =	smov.u32 s13;
	[tilespmem:s5+$0x0] =	vst v14;
	v14 =	vld.idx.msk [tilespmem:v15+s3+$0x0], $0xffff  }
0x1a0: {  	v19 =	vadd.s32 $0x2400, v6;
	s19 =	sor.u32 $0x11200, s20;
	v15 =	vld.idx.msk [tilespmem:v16+s3+$0x0], $0xffff;
	[tilespmem:s6+$0x0] =	vst v10;
	s6 =	sor.u32 s23, s4;
	s4 =	sor.u32 s10, s4  }
0x1a1: {  	s5 =	sor.u32 s18, s19;
	v10 =	vadd.s32 $0xE000, v2;
	[tilespmem:s4+$0x0] =	vst v7  }
0x1a2: {  	s7 =	sor.u32 s15, s19;
	v11 =	vld.idx.msk [tilespmem:v11+s3+$0x0], $0xffff;
	v7 =	vadd.s32 $0x7000, v3;
	[tilespmem:s5+$0x0] =	vst v17  }
0x1a3: {  	s13 =	smov.u32 s16;
	v16 =	vadd.s32 $0x7000, v4;
	[tilespmem:s7+$0x0] =	vst v18;
	s7 =	sor.u32 $0x13380, s17;
	v9 =	vld.idx.msk [tilespmem:v9+s3+$0x0], $0xffff  }
0x1a4: {  	v18 =	vadd.s32 $0xB800, v0;
	s4 =	sor.u32 s13, s7;
	v13 =	vld.idx.msk [tilespmem:v13+s3+$0x0], $0xffff;
	[tilespmem:s2+$0x0] =	vst v8  }
0x1a5: {  	s11 =	sor.u32 s12, s7;
	v17 =	vld.idx.msk [tilespmem:v19+s3+$0x0], $0xffff;
	[tilespmem:s4+$0x0] =	vst v14;
	v14 =	vadd.s32 $0x2800, v5  }
0x1a6: {  	s16 =	smov.u32 s18;
	s18 =	sadd.s32 $0x15500, s14;
	s5 =	smov.u32 s20;
	v19 =	vadd.s32 $0xBC00, v1;
	v10 =	vld.idx.msk [tilespmem:v10+s3+$0x0], $0xffff;
	[tilespmem:s11+$0x0] =	vst v15  }
0x1a7: {  	v8 =	vadd.s32 $0x2800, v6;
	s19 =	sor.u32 $0x11280, s5;
	s2 =	sor.u32 s10, s18;
	v7 =	vld.idx.msk [tilespmem:v7+s3+$0x0], $0xffff;
	[tilespmem:s6+$0x0] =	vst v11  }
0x1a8: {  	s20 =	sor.u32 s15, s19;
	v15 =	vld.idx.msk [tilespmem:v16+s3+$0x0], $0xffff;
	v11 =	vadd.s32 $0xE400, v2;
	[tilespmem:s2+$0x0] =	vst v9  }
0x1a9: {  	s4 =	sor.u32 s16, s19;
	v16 =	vadd.s32 $0x7400, v4;
	v18 =	vld.idx.msk [tilespmem:v18+s3+$0x0], $0xffff;
	[tilespmem:s20+$0x0] =	vst v13  }
0x1aa: {  	v9 =	vadd.s32 $0x7400, v3;
	[tilespmem:s4+$0x0] =	vst v17;
	v14 =	vld.idx.msk [tilespmem:v14+s3+$0x0], $0xffff  }
0x1ab: {  	s7 =	sadd.s32 $0x13400, s17;
	v13 =	vadd.s32 $0xBC00, v0;
	v17 =	vld.idx.msk [tilespmem:v19+s3+$0x0], $0xffff  }
0x1ac: {  	s2 =	sor.u32 s13, s7;
	v8 =	vld.idx.msk [tilespmem:v8+s3+$0x0], $0xffff;
	[tilespmem:s0+$0x0] =	vst v10  }
0x1ad: {  	s11 =	sor.u32 s12, s7;
	[tilespmem:s2+$0x0] =	vst v15;
	v15 =	vadd.s32 $0x2C00, v5;
	v11 =	vld.idx.msk [tilespmem:v11+s3+$0x0], $0xffff  }
0x1ae: {  	s19 =	sor.u32 $0x11300, s5;
	s6 =	sor.u32 s23, s18;
	v19 =	vadd.s32 $0xC000, v1;
	[tilespmem:s11+$0x0] =	vst v7;
	v7 =	vld.idx.msk [tilespmem:v16+s3+$0x0], $0xffff  }
0x1af: {  	s18 =	sadd.s32 $0x15580, s14;
	s20 =	sor.u32 s15, s19;
	v10 =	vadd.s32 $0x2C00, v6;
	v9 =	vld.idx.msk [tilespmem:v9+s3+$0x0], $0xffff;
	[tilespmem:s6+$0x0] =	vst v18  }
0x1b0: {  	s0 =	sor.u32 s10, s18;
	v16 =	vadd.s32 $0xE800, v2;
	v13 =	vld.idx.msk [tilespmem:v13+s3+$0x0], $0xffff;
	[tilespmem:s20+$0x0] =	vst v14  }
0x1b1: {  	s2 =	sor.u32 s16, s19;
	[tilespmem:s0+$0x0] =	vst v17  }
0x1b2: {  	v15 =	vld.idx.msk [tilespmem:v15+s3+$0x0], $0xffff;
	[tilespmem:s2+$0x0] =	vst v8;
	v8 =	vadd.s32 $0x7800, v3  }
0x1b3: {  	s7 =	sadd.s32 $0x13480, s17;
	v18 =	vadd.s32 $0x7800, v4;
	v17 =	vld.idx.msk [tilespmem:v19+s3+$0x0], $0xffff  }
0x1b4: {  	v14 =	vadd.s32 $0xC000, v0;
	s0 =	sor.u32 s13, s7;
	[tilespmem:s1+$0x0] =	vst v11;
	v10 =	vld.idx.msk [tilespmem:v10+s3+$0x0], $0xffff  }
0x1b5: {  	s11 =	sor.u32 s12, s7;
	[tilespmem:s0+$0x0] =	vst v7;
	v7 =	vld.idx.msk [tilespmem:v16+s3+$0x0], $0xffff;
	v16 =	vadd.s32 $0x3000, v5  }
0x1b6: {  	s4 =	sor.u32 s23, s18;
	s18 =	sor.u32 $0x16200, s14;
	v19 =	vadd.s32 $0xC400, v1;
	[tilespmem:s11+$0x0] =	vst v9  }
0x1b7: {  	s19 =	sor.u32 $0x11380, s5;
	v11 =	vadd.s32 $0x3000, v6;
	s0 =	sor.u32 s10, s18;
	v8 =	vld.idx.msk [tilespmem:v8+s3+$0x0], $0xffff;
	[tilespmem:s4+$0x0] =	vst v13  }
0x1b8: {  	s6 =	sor.u32 s15, s19;
	v9 =	vld.idx.msk [tilespmem:v18+s3+$0x0], $0xffff;
	[tilespmem:s0+$0x0] =	vst v17  }
0x1b9: {  	s1 =	sor.u32 s16, s19;
	v13 =	vadd.s32 $0xEC00, v2;
	v14 =	vld.idx.msk [tilespmem:v14+s3+$0x0], $0xffff;
	[tilespmem:s6+$0x0] =	vst v15  }
0x1ba: {  	[tilespmem:s1+$0x0] =	vst v10;
	v10 =	vadd.s32 $0x7C00, v3;
	v16 =	vld.idx.msk [tilespmem:v16+s3+$0x0], $0xffff  }
0x1bb: {  	s7 =	sadd.s32 $0x13500, s17;
	v18 =	vadd.s32 $0x7C00, v4;
	v17 =	vld.idx.msk [tilespmem:v19+s3+$0x0], $0xffff  }
0x1bc: {  	v15 =	vadd.s32 $0xC400, v0;
	s0 =	sor.u32 s13, s7;
	[tilespmem:s31+$0x0] =	vst v7;
	v11 =	vld.idx.msk [tilespmem:v11+s3+$0x0], $0xffff  }
0x1bd: {  	s11 =	sor.u32 s12, s7;
	v19 =	vadd.s32 $0xC800, v1;
	[tilespmem:s0+$0x0] =	vst v9  }
0x1be: {  	s20 =	sor.u32 s23, s18;
	s18 =	sor.u32 $0x16280, s14;
	v7 =	vadd.s32 $0x3400, v6;
	v9 =	vld.idx.msk [tilespmem:v13+s3+$0x0], $0xffff;
	[tilespmem:s11+$0x0] =	vst v8  }
0x1bf: {  	s19 =	sadd.s32 $0x11400, s5;
	s0 =	sor.u32 s10, s18;
	v13 =	vadd.s32 $0x3400, v5;
	v10 =	vld.idx.msk [tilespmem:v10+s3+$0x0], $0xffff;
	[tilespmem:s20+$0x0] =	vst v14  }
0x1c0: {  	s1 =	sor.u32 s16, s19;
	v8 =	vld.idx.msk [tilespmem:v18+s3+$0x0], $0xffff;
	[tilespmem:s0+$0x0] =	vst v17  }
0x1c1: {  	v14 =	vadd.s32 $0xF000, v2;
	v15 =	vld.idx.msk [tilespmem:v15+s3+$0x0], $0xffff;
	[tilespmem:s1+$0x0] =	vst v11  }
0x1c2: {  	s6 =	sor.u32 s15, s19;
	v11 =	vadd.s32 $0x8000, v3;
	v17 =	vld.idx.msk [tilespmem:v19+s3+$0x0], $0xffff  }
0x1c3: {  	s7 =	sadd.s32 $0x13580, s17;
	v18 =	vadd.s32 $0x8000, v4;
	[tilespmem:s6+$0x0] =	vst v16;
	v7 =	vld.idx.msk [tilespmem:v7+s3+$0x0], $0xffff  }
0x1c4: {  	v16 =	vadd.s32 $0xC800, v0;
	s0 =	sor.u32 s13, s7;
	v13 =	vld.idx.msk [tilespmem:v13+s3+$0x0], $0xffff;
	[tilespmem:s29+$0x0] =	vst v9  }
0x1c5: {  	s11 =	sor.u32 s12, s7;
	v19 =	vadd.s32 $0xCC00, v1;
	[tilespmem:s0+$0x0] =	vst v8  }
0x1c6: {  	s20 =	sor.u32 s23, s18;
	s18 =	sor.u32 $0x16300, s14;
	v9 =	vadd.s32 $0x3800, v6;
	v8 =	vld.idx.msk [tilespmem:v14+s3+$0x0], $0xffff;
	[tilespmem:s11+$0x0] =	vst v10  }
0x1c7: {  	s19 =	sadd.s32 $0x11480, s5;
	s0 =	sor.u32 s10, s18;
	v14 =	vadd.s32 $0x3800, v5;
	v11 =	vld.idx.msk [tilespmem:v11+s3+$0x0], $0xffff;
	[tilespmem:s20+$0x0] =	vst v15  }
0x1c8: {  	s1 =	sor.u32 s16, s19;
	v10 =	vld.idx.msk [tilespmem:v18+s3+$0x0], $0xffff;
	[tilespmem:s0+$0x0] =	vst v17  }
0x1c9: {  	v15 =	vadd.s32 $0xF400, v2;
	v16 =	vld.idx.msk [tilespmem:v16+s3+$0x0], $0xffff;
	[tilespmem:s1+$0x0] =	vst v7  }
0x1ca: {  	s6 =	sor.u32 s15, s19;
	v7 =	vadd.s32 $0x8400, v3;
	v17 =	vld.idx.msk [tilespmem:v19+s3+$0x0], $0xffff  }
0x1cb: {  	s7 =	sor.u32 $0x14200, s17;
	v18 =	vadd.s32 $0x8400, v4;
	[tilespmem:s6+$0x0] =	vst v13;
	v9 =	vld.idx.msk [tilespmem:v9+s3+$0x0], $0xffff  }
0x1cc: {  	v13 =	vadd.s32 $0xCC00, v0;
	s0 =	sor.u32 s13, s7;
	v14 =	vld.idx.msk [tilespmem:v14+s3+$0x0], $0xffff;
	[tilespmem:s28+$0x0] =	vst v8  }
0x1cd: {  	s11 =	sor.u32 s12, s7;
	v19 =	vadd.s32 $0xD000, v1;
	[tilespmem:s0+$0x0] =	vst v10  }
0x1ce: {  	s20 =	sor.u32 s23, s18;
	s18 =	sor.u32 $0x16380, s14;
	v8 =	vadd.s32 $0x3C00, v6;
	v10 =	vld.idx.msk [tilespmem:v15+s3+$0x0], $0xffff;
	[tilespmem:s11+$0x0] =	vst v11  }
0x1cf: {  	s19 =	sadd.s32 $0x11500, s5;
	s0 =	sor.u32 s10, s18;
	v15 =	vadd.s32 $0x3C00, v5;
	v7 =	vld.idx.msk [tilespmem:v7+s3+$0x0], $0xffff;
	[tilespmem:s20+$0x0] =	vst v16  }
0x1d0: {  	s1 =	sor.u32 s16, s19;
	v11 =	vld.idx.msk [tilespmem:v18+s3+$0x0], $0xffff;
	[tilespmem:s0+$0x0] =	vst v17  }
0x1d1: {  	v16 =	vadd.s32 $0xF800, v2;
	v13 =	vld.idx.msk [tilespmem:v13+s3+$0x0], $0xffff;
	[tilespmem:s1+$0x0] =	vst v9  }
0x1d2: {  	s6 =	sor.u32 s15, s19;
	v9 =	vadd.s32 $0x8800, v3;
	v17 =	vld.idx.msk [tilespmem:v19+s3+$0x0], $0xffff  }
0x1d3: {  	s7 =	sor.u32 $0x14280, s17;
	v18 =	vadd.s32 $0x8800, v4;
	[tilespmem:s6+$0x0] =	vst v14;
	v8 =	vld.idx.msk [tilespmem:v8+s3+$0x0], $0xffff  }
0x1d4: {  	v14 =	vadd.s32 $0xD000, v0;
	s0 =	sor.u32 s13, s7;
	v15 =	vld.idx.msk [tilespmem:v15+s3+$0x0], $0xffff;
	[tilespmem:s26+$0x0] =	vst v10  }
0x1d5: {  	s11 =	sor.u32 s12, s7;
	v19 =	vadd.s32 $0xD400, v1;
	[tilespmem:s0+$0x0] =	vst v11  }
0x1d6: {  	s20 =	sor.u32 s23, s18;
	s18 =	sadd.s32 $0x16400, s14;
	v10 =	vadd.s32 $0x4000, v6;
	v11 =	vld.idx.msk [tilespmem:v16+s3+$0x0], $0xffff;
	[tilespmem:s11+$0x0] =	vst v7  }
0x1d7: {  	s19 =	sadd.s32 $0x11580, s5;
	s0 =	sor.u32 s10, s18;
	v16 =	vadd.s32 $0x4000, v5;
	v9 =	vld.idx.msk [tilespmem:v9+s3+$0x0], $0xffff;
	[tilespmem:s20+$0x0] =	vst v13  }
0x1d8: {  	s1 =	sor.u32 s16, s19;
	v7 =	vld.idx.msk [tilespmem:v18+s3+$0x0], $0xffff;
	[tilespmem:s0+$0x0] =	vst v17  }
0x1d9: {  	v13 =	vadd.s32 $0xFC00, v2;
	v2 =	vmov v0;
	v0 =	vmov v3;
	v14 =	vld.idx.msk [tilespmem:v14+s3+$0x0], $0xffff;
	[tilespmem:s1+$0x0] =	vst v8  }
0x1da: {  	s26 =	sor.u32 s15, s19;
	v8 =	vadd.s32 $0x8C00, v0;
	v17 =	vld.idx.msk [tilespmem:v19+s3+$0x0], $0xffff  }
0x1db: {  	v3 =	vmov v5;
	v5 =	vmov v12;
	v12 =	vadd.s32 $0x8C00, v4;
	[tilespmem:s26+$0x0] =	vst v15;
	s1 =	sor.u32 $0x14300, s17;
	v10 =	vld.idx.msk [tilespmem:v10+s3+$0x0], $0xffff  }
0x1dc: {  	v15 =	vadd.s32 $0xD400, v2;
	v16 =	vld.idx.msk [tilespmem:v16+s3+$0x0], $0xffff;
	s0 =	sor.u32 s13, s1;
	[tilespmem:s24+$0x0] =	vst v11  }
0x1dd: {  	v18 =	vadd.s32 $0xD800, v1;
	s4 =	sor.u32 s12, s1;
	[tilespmem:s0+$0x0] =	vst v7  }
0x1de: {  	s6 =	sadd.s32 $0x16480, s14;
	s20 =	sor.u32 s23, s18;
	v11 =	vadd.s32 $0x4400, v6;
	v7 =	vld.idx.msk [tilespmem:v13+s3+$0x0], $0xffff;
	[tilespmem:s4+$0x0] =	vst v9  }
0x1df: {  	s7 =	sor.u32 $0x12200, s5;
	s0 =	sor.u32 s10, s6;
	v13 =	vadd.s32 $0x4400, v3;
	v8 =	vld.idx.msk [tilespmem:v8+s3+$0x0], $0xffff;
	[tilespmem:s20+$0x0] =	vst v14  }
0x1e0: {  	s1 =	sor.u32 s16, s7;
	v9 =	vld.idx.msk [tilespmem:v12+s3+$0x0], $0xffff;
	[tilespmem:s0+$0x0] =	vst v17  }
0x1e1: {  	s25 =	sadd.s32 $0x20, s25;
	v12 =	vadd.s32 $0x9000, v4;
	v14 =	vld.idx.msk [tilespmem:v15+s3+$0x0], $0xffff;
	[tilespmem:s1+$0x0] =	vst v10  }
0x1e2: {  	s11 =	sor.u32 s15, s7;
	s20 =	sand.u32 $0x60, s25;
	v10 =	vadd.s32 $0x9000, v0;
	v15 =	vld.idx.msk [tilespmem:v18+s3+$0x0], $0xffff  }
0x1e3: {  	s19 =	sand.u32 $0x180, s25;
	s24 =	sor.u32 $0x14380, s17;
	s18 =	sor.u32 $0x10, s20;
	[tilespmem:s11+$0x0] =	vst v16;
	v11 =	vld.idx.msk [tilespmem:v11+s3+$0x0], $0xffff  }
0x1e4: {  	s26 =	sor.u32 s13, s24;
	v16 =	vadd.s32 $0xD800, v2;
	s0 =	sor.u32 s18, s19;
	v13 =	vld.idx.msk [tilespmem:v13+s3+$0x0], $0xffff;
	[tilespmem:s21+$0x0] =	vst v7  }
0x1e5: {  	s2 =	sor.u32 s23, s6;
	s6 =	sor.u32 s12, s24;
	v17 =	vadd.s32 $0xDC00, v1;
	v7 =	vld [tilespmem:s0+$0x10000];
	[tilespmem:s26+$0x0] =	vst v9  }
0x1e6: {  	s7 =	sadd.s32 $0x16500, s14;
	v18 =	vadd.s32 $0x4800, v6;
	[tilespmem:s6+$0x0] =	vst v8;
	v8 =	vld.idx.msk [tilespmem:v12+s3+$0x0], $0xffff  }
0x1e7: {  	s11 =	sor.u32 $0x12280, s5;
	v9 =	vadd.s32 $0x4800, v3;
	s0 =	sor.u32 s10, s7;
	v10 =	vld.idx.msk [tilespmem:v10+s3+$0x0], $0xffff;
	[tilespmem:s2+$0x0] =	vst v14  }
0x1e8: {  	s1 =	sor.u32 s16, s11;
	[tilespmem:s0+$0x0] =	vst v15  }
0x1e9: {  	v12 =	vadd.s32 $0x9400, v4;
	v14 =	vld.idx.msk [tilespmem:v16+s3+$0x0], $0xffff;
	[tilespmem:s1+$0x0] =	vst v11  }
0x1ea: {  	s24 =	sadd.s32 $0x14400, s17;
	s21 =	sor.u32 s15, s11;
	v11 =	vld.idx.msk [tilespmem:v17+s3+$0x0], $0xffff  }
0x1eb: {  	[tilespmem:s21+$0x0] =	vst v13;
	v15 =	vadd.s32 $0x9400, v0;
	s0 =	sor.u32 s13, s24;
	v13 =	vld.idx.msk [tilespmem:v18+s3+$0x0], $0xffff  }
0x1ec: {  	s26 =	sor.u32 s12, s24;
	v16 =	vadd.s32 $0xE000, v1;
	v9 =	vld.idx.msk [tilespmem:v9+s3+$0x0], $0xffff;
	[tilespmem:s0+$0x0] =	vst v8  }
0x1ed: {  	s4 =	sadd.s32 $0x16580, s14;
	s19 =	sor.u32 s23, s7;
	v17 =	vld.idx.msk [tilespmem:v5+s3+$0x0], $0xffff;
	v18 =	vadd.s32 $0x4C00, v6;
	[tilespmem:s26+$0x0] =	vst v10  }
0x1ee: {  	s6 =	sor.u32 $0x12300, s5;
	v8 =	vadd.s32 $0x4C00, v3;
	s0 =	sor.u32 s10, s4;
	v10 =	vld.idx.msk [tilespmem:v12+s3+$0x0], $0xffff;
	[tilespmem:s19+$0x0] =	vst v14  }
0x1ef: {  	s1 =	sor.u32 s16, s6;
	v12 =	vld.idx.msk [tilespmem:v7+s3+$0x0], $0xffff;
	[tilespmem:s0+$0x0] =	vst v11  }
0x1f0: {  	v14 =	vadd.s32 $0xDC00, v2;
	v15 =	vld.idx.msk [tilespmem:v15+s3+$0x0], $0xffff;
	[tilespmem:s1+$0x0] =	vst v13  }
0x1f1: {  	s30 =	sadd.s32 $0x100, s30;
	v19 =	vadd.s32 $0x9800, v4;
	s7 =	sor.u32 s15, s6;
	v13 =	vld.idx.msk [tilespmem:v16+s3+$0x0], $0xffff  }
0x1f2: {  	s2 =	sand.u32 $0xC00, s30;
	s19 =	sadd.s32 $0x14480, s17;
	[tilespmem:s7+$0x0] =	vst v9;
	v11 =	vadd.s32 $0x400, v7;
	v9 =	vld.idx.msk [tilespmem:v18+s3+$0x0], $0xffff  }
0x1f3: {  	s26 =	sor.u32 $0x10200, s2;
	s7 =	sor.u32 s13, s19;
	v16 =	vadd.s32 $0x400, v5;
	v18 =	vld.idx.msk [tilespmem:v8+s3+$0x0], $0xffff  }
0x1f4: {  	s11 =	sor.u32 s30, s25;
	s21 =	sor.u32 s23, s4;
	s24 =	sor.u32 s18, s26;
	[tilespmem:s7+$0x0] =	vst v10;
	v10 =	vadd.s32 $0x5000, v3  }
0x1f5: {  	v20 =	vadd.s32 $0xE400, v1;
	s6 =	sor.u32 s20, s26;
	s0 =	sor.u32 $0x380, s11;
	s11 =	sor.u32 $0x17200, s14;
	v8 =	vld.idx.msk [tilespmem:v14+s3+$0x0], $0xffff;
	[tilespmem:s24+$0x0] =	vst v12  }
0x1f6: {  	v21 =	vadd.s32 $0x5000, v6;
	s1 =	sor.u32 s12, s19;
	s19 =	sor.u32 $0x12380, s5;
	s4 =	sor.u32 s10, s11;
	[tilespmem:s6+$0x0] =	vst v17;
	v12 =	vld.idx.msk [tilespmem:v19+s3+$0x0], $0xffff  }
0x1f7: {  	[dreg:$0x3] =	wrdreg s0;
	s0 =	sor.u32 s23, s11;
	s11 =	sor.u32 s15, s19;
	v14 =	vadd.s32 $0x9800, v0;
	v11 =	vld.idx.msk [tilespmem:v11+s3+$0x0], $0xffff;
	[tilespmem:s4+$0x0] =	vst v13  }
0x1f8: {  	s7 =	sor.u32 s16, s19;
	v17 =	vadd.s32 $0x9C00, v4;
	v16 =	vld.idx.msk [tilespmem:v16+s3+$0x0], $0xffff;
	[tilespmem:s11+$0x0] =	vst v18  }
0x1f9: {  	s26 =	sadd.s32 $0x14500, s17;
	v13 =	vadd.s32 $0x800, v7;
	[tilespmem:s7+$0x0] =	vst v9;
	v10 =	vld.idx.msk [tilespmem:v10+s3+$0x0], $0xffff  }
0x1fa: {  	v19 =	vadd.s32 $0x800, v5;
	s11 =	sor.u32 s13, s26;
	[tilespmem:s1+$0x0] =	vst v15;
	v9 =	vld.idx.msk [tilespmem:v20+s3+$0x0], $0xffff  }
0x1fb: {  	v18 =	vld.idx.msk [tilespmem:v21+s3+$0x0], $0xffff;
	[tilespmem:s11+$0x0] =	vst v12  }
0x1fc: {  	v14 =	vld.idx.msk [tilespmem:v14+s3+$0x0], $0xffff;
	[tilespmem:s24+$0x80] =	vst v11;
	v11 =	vadd.s32 $0x5400, v3  }
0x1fd: {  	s19 =	sor.u32 $0x17280, s14;
	s7 =	sor.u32 s12, s26;
	v15 =	vadd.s32 $0xE800, v1;
	s26 =	sadd.s32 $0x12400, s5;
	v12 =	vld.idx.msk [tilespmem:v17+s3+$0x0], $0xffff  }
0x1fe: {  	s4 =	sor.u32 s10, s19;
	s1 =	sor.u32 s23, s19;
	v20 =	vadd.s32 $0x5400, v6;
	s19 =	sor.u32 s15, s26;
	[tilespmem:s6+$0x80] =	vst v16;
	v13 =	vld.idx.msk [tilespmem:v13+s3+$0x0], $0xffff  }
0x1ff: {  	v16 =	vadd.s32 $0x9C00, v0;
	v17 =	vld.idx.msk [tilespmem:v19+s3+$0x0], $0xffff;
	[tilespmem:s19+$0x0] =	vst v10  }
0x200: {  	s11 =	sor.u32 s16, s26;
	v19 =	vadd.s32 $0xA000, v4;
	[tilespmem:s4+$0x0] =	vst v9  }
0x201: {  	[tilespmem:s11+$0x0] =	vst v18;
	v18 =	vadd.s32 $0xC00, v5;
	s11 =	sadd.s32 $0x14580, s17;
	v11 =	vld.idx.msk [tilespmem:v11+s3+$0x0], $0xffff  }
0x202: {  	v9 =	vadd.s32 $0xC00, v7;
	[tilespmem:s7+$0x0] =	vst v14;
	v15 =	vld.idx.msk [tilespmem:v15+s3+$0x0], $0xffff;
	s4 =	sor.u32 s13, s11  }
0x203: {  	v10 =	vld.idx.msk [tilespmem:v20+s3+$0x0], $0xffff;
	[tilespmem:s4+$0x0] =	vst v12;
	v12 =	vadd.s32 $0x5800, v3  }
0x204: {  	s26 =	sadd.s32 $0x12480, s5;
	s19 =	sor.u32 $0x17300, s14;
	v14 =	vadd.s32 $0xEC00, v1;
	v16 =	vld.idx.msk [tilespmem:v16+s3+$0x0], $0xffff;
	[tilespmem:s24+$0x100] =	vst v13  }
0x205: {  	s31 =	sor.u32 s23, s19;
	v20 =	vadd.s32 $0x5800, v6;
	s4 =	sor.u32 s10, s19;
	s19 =	sor.u32 s15, s26;
	[tilespmem:s6+$0x100] =	vst v17;
	v13 =	vld.idx.msk [tilespmem:v19+s3+$0x0], $0xffff  }
0x206: {  	v18 =	vld.idx.msk [tilespmem:v18+s3+$0x0], $0xffff;
	[tilespmem:s19+$0x0] =	vst v11  }
0x207: {  	s7 =	sor.u32 s12, s11;
	s11 =	sor.u32 s16, s26;
	v17 =	vadd.s32 $0xA000, v0;
	v9 =	vld.idx.msk [tilespmem:v9+s3+$0x0], $0xffff;
	[tilespmem:s4+$0x0] =	vst v15  }
0x208: {  	v19 =	vadd.s32 $0xA400, v4;
	[tilespmem:s11+$0x0] =	vst v10;
	v12 =	vld.idx.msk [tilespmem:v12+s3+$0x0], $0xffff  }
0x209: {  	v15 =	vadd.s32 $0x1000, v7;
	s11 =	sor.u32 $0x15200, s17;
	v10 =	vld.idx.msk [tilespmem:v14+s3+$0x0], $0xffff  }
0x20a: {  	[tilespmem:s7+$0x0] =	vst v16;
	v14 =	vadd.s32 $0x1000, v5;
	v11 =	vld.idx.msk [tilespmem:v20+s3+$0x0], $0xffff;
	s4 =	sor.u32 s13, s11  }
0x20b: {  	v16 =	vadd.s32 $0xF000, v1;
	[tilespmem:s4+$0x0] =	vst v13  }
0x20c: {  	s19 =	sor.u32 $0x17380, s14;
	v17 =	vld.idx.msk [tilespmem:v17+s3+$0x0], $0xffff;
	[tilespmem:s24+$0x180] =	vst v9;
	v9 =	vadd.s32 $0x5C00, v3  }
0x20d: {  	s26 =	sadd.s32 $0x12500, s5;
	v20 =	vadd.s32 $0x5C00, v6;
	s4 =	sor.u32 s10, s19;
	[tilespmem:s6+$0x180] =	vst v18;
	v13 =	vld.idx.msk [tilespmem:v19+s3+$0x0], $0xffff  }
0x20e: {  	s7 =	sor.u32 s12, s11;
	s11 =	sor.u32 s16, s26;
	v18 =	vadd.s32 $0xA400, v0;
	v15 =	vld.idx.msk [tilespmem:v15+s3+$0x0], $0xffff;
	[tilespmem:s4+$0x0] =	vst v10  }
0x20f: {  	s29 =	sor.u32 s23, s19;
	s19 =	sor.u32 s15, s26;
	v19 =	vadd.s32 $0xA800, v4;
	v14 =	vld.idx.msk [tilespmem:v14+s3+$0x0], $0xffff;
	[tilespmem:s11+$0x0] =	vst v11  }
0x210: {  	v10 =	vadd.s32 $0x1400, v7;
	[tilespmem:s19+$0x0] =	vst v12;
	s11 =	sor.u32 $0x15280, s17;
	v11 =	vld.idx.msk [tilespmem:v16+s3+$0x0], $0xffff  }
0x211: {  	v16 =	vadd.s32 $0x1400, v5;
	v9 =	vld.idx.msk [tilespmem:v9+s3+$0x0], $0xffff;
	[tilespmem:s7+$0x0] =	vst v17;
	s4 =	sor.u32 s13, s11  }
0x212: {  	v12 =	vld.idx.msk [tilespmem:v20+s3+$0x0], $0xffff;
	[tilespmem:s4+$0x0] =	vst v13;
	v13 =	vadd.s32 $0x6000, v3  }
0x213: {  	s19 =	sadd.s32 $0x17400, s14;
	v17 =	vadd.s32 $0xF400, v1;
	v18 =	vld.idx.msk [tilespmem:v18+s3+$0x0], $0xffff;
	[tilespmem:s24+$0x200] =	vst v15  }
0x214: {  	s26 =	sadd.s32 $0x12580, s5;
	v20 =	vadd.s32 $0x6000, v6;
	s4 =	sor.u32 s10, s19;
	v15 =	vld.idx.msk [tilespmem:v19+s3+$0x0], $0xffff;
	[tilespmem:s6+$0x200] =	vst v14  }
0x215: {  	s28 =	sor.u32 s23, s19;
	s19 =	sor.u32 s15, s26;
	v10 =	vld.idx.msk [tilespmem:v10+s3+$0x0], $0xffff;
	[tilespmem:s4+$0x0] =	vst v11  }
0x216: {  	s7 =	sor.u32 s12, s11;
	s11 =	sor.u32 s16, s26;
	v14 =	vadd.s32 $0xA800, v0;
	v16 =	vld.idx.msk [tilespmem:v16+s3+$0x0], $0xffff;
	[tilespmem:s19+$0x0] =	vst v9  }
0x217: {  	v19 =	vadd.s32 $0xAC00, v4;
	[tilespmem:s11+$0x0] =	vst v12;
	v13 =	vld.idx.msk [tilespmem:v13+s3+$0x0], $0xffff  }
0x218: {  	s26 =	sor.u32 $0x15300, s17;
	v11 =	vadd.s32 $0x1800, v7;
	v12 =	vld.idx.msk [tilespmem:v17+s3+$0x0], $0xffff  }
0x219: {  	s4 =	sor.u32 s13, s26;
	[tilespmem:s7+$0x0] =	vst v18;
	v17 =	vadd.s32 $0x1800, v5;
	v9 =	vld.idx.msk [tilespmem:v20+s3+$0x0], $0xffff  }
0x21a: {  	v18 =	vadd.s32 $0xF800, v1;
	[tilespmem:s4+$0x0] =	vst v15  }
0x21b: {  	v14 =	vld.idx.msk [tilespmem:v14+s3+$0x0], $0xffff;
	s4 =	sadd.s32 $0x17480, s14;
	[tilespmem:s24+$0x280] =	vst v10;
	v10 =	vadd.s32 $0x6400, v3  }
0x21c: {  	s8 =	sadd.s32 $0x1, s8;
	s11 =	sor.u32 $0x13200, s5;
	v20 =	vadd.s32 $0x6400, v6;
	s24 =	sor.u32 s10, s4;
	v15 =	vld.idx.msk [tilespmem:v19+s3+$0x0], $0xffff;
	[tilespmem:s6+$0x280] =	vst v16  }
0x21d: {  	s7 =	sor.u32 s12, s26;
	s26 =	sand.u32 $0x3, s8;
	v11 =	vld.idx.msk [tilespmem:v11+s3+$0x0], $0xffff;
	v16 =	vadd.s32 $0xAC00, v0;
	s6 =	sor.u32 s16, s11;
	[tilespmem:s24+$0x0] =	vst v12  }
0x21e: {  	s19 =	sor.u32 s15, s11;
	v19 =	vadd.s32 $0xB000, v4;
	v17 =	vld.idx.msk [tilespmem:v17+s3+$0x0], $0xffff;
	s24 =	sshll.u32 s26, $0x5;
	[tilespmem:s6+$0x0] =	vst v9  }
0x21f: {  	v12 =	vadd.s32 $0x1C00, v7;
	[tilespmem:s19+$0x0] =	vst v13;
	s24 =	sadd.s32 s24, s30;
	s6 =	sor.u32 $0x15380, s17;
	v9 =	vld.idx.msk [tilespmem:v18+s3+$0x0], $0xffff  }
0x220: {  	s26 =	sor.u32 s23, s4;
	v18 =	vadd.s32 $0x1C00, v5;
	s4 =	sadd.s32 $0x10, s24;
	v10 =	vld.idx.msk [tilespmem:v10+s3+$0x0], $0xffff;
	[tilespmem:s7+$0x0] =	vst v14;
	s19 =	sor.u32 s13, s6  }
0x221: {  	v13 =	vld.idx.msk [tilespmem:v20+s3+$0x0], $0xffff;
	s11 =	sor.u32 $0x300, s24;
	s24 =	sor.u32 $0x300, s4;
	[tilespmem:s19+$0x0] =	vst v15  }
0x222: {  	v14 =	vadd.s32 $0xFC00, v1;
	v16 =	vld.idx.msk [tilespmem:v16+s3+$0x0], $0xffff;
	s19 =	sadd.s32 $0x17500, s14;
	[tilespmem:s24+$0x10200] =	vst v11  }
0x223: {  	v1 =	vmov v4;
	v4 =	vmov v6;
	v11 =	vadd.s32 $0x6800, v3;
	s7 =	sor.u32 s10, s19;
	v19 =	vld.idx.msk [tilespmem:v19+s3+$0x0], $0xffff;
	[tilespmem:s11+$0x10200] =	vst v17;
	s11 =	sor.u32 $0x13280, s5  }
0x224: {  	v6 =	vmov v7;
	v7 =	vadd.s32 $0x6800, v4;
	s24 =	sor.u32 s23, s19;
	v12 =	vld.idx.msk [tilespmem:v12+s3+$0x0], $0xffff;
	s19 =	sor.u32 s15, s11;
	[tilespmem:s7+$0x0] =	vst v9  }
0x225: {  	v17 =	vadd.s32 $0xB000, v0;
	s11 =	sor.u32 s16, s11;
	v18 =	vld.idx.msk [tilespmem:v18+s3+$0x0], $0xffff;
	[tilespmem:s19+$0x0] =	vst v10  }
0x226: {  	s9 =	sadd.s32 $0x2, s9;
	s6 =	sor.u32 s12, s6;
	v20 =	vadd.s32 $0xB400, v1;
	s19 =	smov.u32 s20;
	[tilespmem:s11+$0x0] =	vst v13  }
0x227: {  	v9 =	vadd.s32 $0x2000, v6;
	s20 =	smov.u32 s2;
	s2 =	smov.u32 s21;
	s21 =	sadd.s32 $0x15400, s17;
	v63 =	vld.idx.msk [tilespmem:v14+s3+$0x0], $0xffff  }
0x228: {  	p0 =	slt.u32 s9, $0x1E;
	v22 =	vadd.s32 $0x2000, v5;
	s7 =	sor.u32 s13, s21;
	v14 =	vld.idx.msk [tilespmem:v11+s3+$0x0], $0xffff;
	[tilespmem:s6+$0x0] =	vst v16  }
.Ltmp0:
0x229: {  	s4 =	sor.u32 $0x380, s4;
	v13 =	vld.idx.msk [tilespmem:v7+s3+$0x0], $0xffff;
	[tilespmem:s7+$0x0] =	vst v19;
	(pc) =	sbr.rel @p0 .LBB2_2-.Ltmp0, $4  }
0x22a: {  	s6 =	sor.u32 s12, s21;
	v10 =	vld.idx.msk [tilespmem:v17+s3+$0x0], $0xffff;
	s7 =	rddreg [dreg:$0x3];
	[tilespmem:s4+$0x10200] =	vst v12  }
0x22b: {  	s4 =	sadd.s32 $0x17580, s14;
	s14 =	smov.u32 s17;
	s17 =	smov.u32 s5;
	v7 =	vld.idx.msk [tilespmem:v20+s3+$0x0], $0xffff  }
0x22c: {  	v15 =	vadd.s32 $0x6C00, v4;
	[tilespmem:s7+$0x10200] =	vst v18;
	v17 =	vld.idx.msk [tilespmem:v9+s3+$0x0], $0xffff;
	s11 =	sor.u32 $0x13300, s17;
	s21 =	sor.u32 s23, s4;
	s4 =	sor.u32 s10, s4  }
0x22d: {  	s22 =	sadd.s32 $0x20, s22;
	v16 =	vadd.s32 $0x6C00, v3;
	v11 =	vadd.s32 $0xB400, v0;
	v9 =	vadd.s32 $0xB800, v1;
	v18 =	vld.idx.msk [tilespmem:v22+s3+$0x0], $0xffff;
	s5 =	sor.u32 s15, s11;
	s10 =	sor.u32 s16, s11;
	[tilespmem:s4+$0x0] =	vst v63  }
0x22e: {  	v12 =	vadd.s32 $0x2400, v6  }
0x22f: {  	v19 =	vadd.s32 $0x2400, v5  }
0x230: {  	s4 =	sor.u32 $0x11200, s20  }
0x231: {  	s7 =	sor.u32 s18, s4  }
0x232: {  	s4 =	sor.u32 s19, s4;
	[tilespmem:s7+$0x0] =	vst v17  }
0x233: {  	[tilespmem:s4+$0x0] =	vst v18;
	v12 =	vld.idx.msk [tilespmem:v12+s3+$0x0], $0xffff  }
0x234: {  	v36 =	vadd.s32 $0x2800, v6;
	v35 =	vld.idx.msk [tilespmem:v19+s3+$0x0], $0xffff  }
0x235: {  	v37 =	vadd.s32 $0x2800, v5  }
0x236: {  	s7 =	sor.u32 $0x11280, s20  }
0x237: {  	s8 =	sor.u32 s18, s7  }
0x238: {  	s4 =	sor.u32 s19, s7;
	[tilespmem:s8+$0x0] =	vst v12  }
0x239: {  	[tilespmem:s4+$0x0] =	vst v35;
	v12 =	vld.idx.msk [tilespmem:v36+s3+$0x0], $0xffff  }
0x23a: {  	v38 =	vadd.s32 $0x2C00, v6;
	v17 =	vld.idx.msk [tilespmem:v37+s3+$0x0], $0xffff  }
0x23b: {  	v39 =	vadd.s32 $0x2C00, v5  }
0x23c: {  	s9 =	sor.u32 $0x11300, s20  }
0x23d: {  	s11 =	sor.u32 s18, s9  }
0x23e: {  	s4 =	sor.u32 s19, s9;
	[tilespmem:s11+$0x0] =	vst v12  }
0x23f: {  	[tilespmem:s4+$0x0] =	vst v17;
	v12 =	vld.idx.msk [tilespmem:v38+s3+$0x0], $0xffff  }
0x240: {  	v40 =	vadd.s32 $0x3000, v6;
	v17 =	vld.idx.msk [tilespmem:v39+s3+$0x0], $0xffff  }
0x241: {  	v41 =	vadd.s32 $0x3000, v5  }
0x242: {  	s22 =	sor.u32 $0x11380, s20  }
0x243: {  	s23 =	sor.u32 s18, s22  }
0x244: {  	s4 =	sor.u32 s19, s22;
	[tilespmem:s23+$0x0] =	vst v12  }
0x245: {  	[tilespmem:s4+$0x0] =	vst v17;
	v12 =	vld.idx.msk [tilespmem:v40+s3+$0x0], $0xffff  }
0x246: {  	v42 =	vadd.s32 $0x3400, v6;
	v17 =	vld.idx.msk [tilespmem:v41+s3+$0x0], $0xffff  }
0x247: {  	v43 =	vadd.s32 $0x3400, v5  }
0x248: {  	s25 =	sadd.s32 $0x11400, s20  }
0x249: {  	s30 =	sor.u32 s18, s25  }
0x24a: {  	s4 =	sor.u32 s19, s25;
	[tilespmem:s30+$0x0] =	vst v12  }
0x24b: {  	[tilespmem:s4+$0x0] =	vst v17;
	v12 =	vld.idx.msk [tilespmem:v42+s3+$0x0], $0xffff  }
0x24c: {  	v44 =	vadd.s32 $0x3800, v6;
	v17 =	vld.idx.msk [tilespmem:v43+s3+$0x0], $0xffff  }
0x24d: {  	v45 =	vadd.s32 $0x3800, v5  }
0x24e: {  	s7 =	sadd.s32 $0x11480, s20  }
0x24f: {  	s8 =	sor.u32 s18, s7  }
0x250: {  	s4 =	sor.u32 s19, s7;
	[tilespmem:s8+$0x0] =	vst v12  }
0x251: {  	[tilespmem:s4+$0x0] =	vst v17;
	v12 =	vld.idx.msk [tilespmem:v44+s3+$0x0], $0xffff  }
0x252: {  	v46 =	vadd.s32 $0x3C00, v6;
	v17 =	vld.idx.msk [tilespmem:v45+s3+$0x0], $0xffff  }
0x253: {  	v47 =	vadd.s32 $0x3C00, v5  }
0x254: {  	s9 =	sadd.s32 $0x11500, s20  }
0x255: {  	s11 =	sor.u32 s18, s9  }
0x256: {  	s4 =	sor.u32 s19, s9;
	[tilespmem:s11+$0x0] =	vst v12  }
0x257: {  	[tilespmem:s4+$0x0] =	vst v17;
	v12 =	vld.idx.msk [tilespmem:v46+s3+$0x0], $0xffff  }
0x258: {  	v48 =	vadd.s32 $0x4000, v6;
	v17 =	vld.idx.msk [tilespmem:v47+s3+$0x0], $0xffff  }
0x259: {  	v49 =	vadd.s32 $0x4000, v5  }
0x25a: {  	s22 =	sadd.s32 $0x11580, s20  }
0x25b: {  	s23 =	sor.u32 s18, s22  }
0x25c: {  	s4 =	sor.u32 s19, s22;
	[tilespmem:s23+$0x0] =	vst v12  }
0x25d: {  	[tilespmem:s4+$0x0] =	vst v17;
	v12 =	vld.idx.msk [tilespmem:v48+s3+$0x0], $0xffff  }
0x25e: {  	v50 =	vadd.s32 $0x4400, v6;
	v17 =	vld.idx.msk [tilespmem:v49+s3+$0x0], $0xffff  }
0x25f: {  	v51 =	vadd.s32 $0x4400, v5  }
0x260: {  	s25 =	sor.u32 $0x12200, s20  }
0x261: {  	s30 =	sor.u32 s18, s25  }
0x262: {  	s4 =	sor.u32 s19, s25;
	[tilespmem:s30+$0x0] =	vst v12  }
0x263: {  	[tilespmem:s4+$0x0] =	vst v17;
	v12 =	vld.idx.msk [tilespmem:v50+s3+$0x0], $0xffff  }
0x264: {  	v52 =	vadd.s32 $0x4800, v6;
	v17 =	vld.idx.msk [tilespmem:v51+s3+$0x0], $0xffff  }
0x265: {  	v53 =	vadd.s32 $0x4800, v5  }
0x266: {  	s7 =	sor.u32 $0x12280, s20  }
0x267: {  	s8 =	sor.u32 s18, s7  }
0x268: {  	s4 =	sor.u32 s19, s7;
	[tilespmem:s8+$0x0] =	vst v12  }
0x269: {  	[tilespmem:s4+$0x0] =	vst v17;
	v12 =	vld.idx.msk [tilespmem:v52+s3+$0x0], $0xffff  }
0x26a: {  	v54 =	vadd.s32 $0x4C00, v6;
	v17 =	vld.idx.msk [tilespmem:v53+s3+$0x0], $0xffff  }
0x26b: {  	v55 =	vadd.s32 $0x4C00, v5  }
0x26c: {  	s9 =	sor.u32 $0x12300, s20  }
0x26d: {  	s11 =	sor.u32 s18, s9  }
0x26e: {  	s4 =	sor.u32 s19, s9;
	[tilespmem:s11+$0x0] =	vst v12  }
0x26f: {  	[tilespmem:s4+$0x0] =	vst v17;
	v12 =	vld.idx.msk [tilespmem:v54+s3+$0x0], $0xffff  }
0x270: {  	v56 =	vadd.s32 $0x5000, v6;
	v17 =	vld.idx.msk [tilespmem:v55+s3+$0x0], $0xffff  }
0x271: {  	v57 =	vadd.s32 $0x5000, v5  }
0x272: {  	s22 =	sor.u32 $0x12380, s20  }
0x273: {  	s23 =	sor.u32 s18, s22  }
0x274: {  	s4 =	sor.u32 s19, s22;
	[tilespmem:s23+$0x0] =	vst v12  }
0x275: {  	[tilespmem:s4+$0x0] =	vst v17;
	v12 =	vld.idx.msk [tilespmem:v56+s3+$0x0], $0xffff  }
0x276: {  	v58 =	vadd.s32 $0x5400, v6;
	v17 =	vld.idx.msk [tilespmem:v57+s3+$0x0], $0xffff  }
0x277: {  	v59 =	vadd.s32 $0x5400, v5  }
0x278: {  	s25 =	sadd.s32 $0x12400, s20  }
0x279: {  	s30 =	sor.u32 s18, s25  }
0x27a: {  	s4 =	sor.u32 s19, s25;
	[tilespmem:s30+$0x0] =	vst v12  }
0x27b: {  	[tilespmem:s4+$0x0] =	vst v17;
	v12 =	vld.idx.msk [tilespmem:v58+s3+$0x0], $0xffff  }
0x27c: {  	v60 =	vadd.s32 $0x5800, v6;
	v17 =	vld.idx.msk [tilespmem:v59+s3+$0x0], $0xffff  }
0x27d: {  	v61 =	vadd.s32 $0x5800, v5  }
0x27e: {  	s7 =	sadd.s32 $0x12480, s20  }
0x27f: {  	s8 =	sor.u32 s18, s7  }
0x280: {  	s4 =	sor.u32 s19, s7;
	[tilespmem:s8+$0x0] =	vst v12  }
0x281: {  	[tilespmem:s4+$0x0] =	vst v17;
	v12 =	vld.idx.msk [tilespmem:v60+s3+$0x0], $0xffff  }
0x282: {  	v62 =	vadd.s32 $0x5C00, v6;
	v17 =	vld.idx.msk [tilespmem:v61+s3+$0x0], $0xffff  }
0x283: {  	v63 =	vadd.s32 $0x5C00, v5  }
0x284: {  	s9 =	sadd.s32 $0x12500, s20  }
0x285: {  	s11 =	sor.u32 s18, s9  }
0x286: {  	s4 =	sor.u32 s19, s9;
	[tilespmem:s11+$0x0] =	vst v12  }
0x287: {  	[tilespmem:s4+$0x0] =	vst v17;
	v12 =	vld.idx.msk [tilespmem:v62+s3+$0x0], $0xffff  }
0x288: {  	v21 =	vadd.s32 $0x6000, v6;
	v17 =	vld.idx.msk [tilespmem:v63+s3+$0x0], $0xffff  }
0x289: {  	v22 =	vadd.s32 $0x6000, v5  }
0x28a: {  	s22 =	sadd.s32 $0x12580, s20  }
0x28b: {  	s23 =	sor.u32 s18, s22  }
0x28c: {  	s4 =	sor.u32 s19, s22;
	[tilespmem:s23+$0x0] =	vst v12  }
0x28d: {  	[tilespmem:s4+$0x0] =	vst v17;
	v12 =	vld.idx.msk [tilespmem:v21+s3+$0x0], $0xffff  }
0x28e: {  	v23 =	vadd.s32 $0x6400, v6;
	v17 =	vld.idx.msk [tilespmem:v22+s3+$0x0], $0xffff  }
0x28f: {  	v24 =	vadd.s32 $0x6400, v5  }
0x290: {  	s25 =	sor.u32 $0x13200, s20  }
0x291: {  	s30 =	sor.u32 s18, s25  }
0x292: {  	s4 =	sor.u32 s19, s25;
	[tilespmem:s30+$0x0] =	vst v12  }
0x293: {  	[tilespmem:s4+$0x0] =	vst v17;
	v12 =	vld.idx.msk [tilespmem:v23+s3+$0x0], $0xffff  }
0x294: {  	v25 =	vadd.s32 $0x6800, v6;
	v17 =	vld.idx.msk [tilespmem:v24+s3+$0x0], $0xffff  }
0x295: {  	v26 =	vadd.s32 $0x6800, v5  }
0x296: {  	s8 =	sor.u32 $0x13280, s20  }
0x297: {  	s9 =	sor.u32 s18, s8  }
0x298: {  	s4 =	sor.u32 s19, s8;
	[tilespmem:s9+$0x0] =	vst v12  }
0x299: {  	[tilespmem:s4+$0x0] =	vst v17;
	v12 =	vld.idx.msk [tilespmem:v25+s3+$0x0], $0xffff  }
0x29a: {  	v27 =	vadd.s32 $0x6C00, v6;
	v17 =	vld.idx.msk [tilespmem:v26+s3+$0x0], $0xffff  }
0x29b: {  	v28 =	vadd.s32 $0x6C00, v5  }
0x29c: {  	[tilespmem:s10+$0x0] =	vst v13;
	s11 =	sor.u32 $0x13300, s20  }
0x29d: {  	[tilespmem:s5+$0x0] =	vst v14;
	v13 =	vld.idx.msk [tilespmem:v15+s3+$0x0], $0xffff;
	s22 =	sor.u32 s18, s11  }
0x29e: {  	v29 =	vadd.s32 $0x7000, v4;
	v14 =	vld.idx.msk [tilespmem:v16+s3+$0x0], $0xffff;
	s4 =	sor.u32 s19, s11;
	[tilespmem:s22+$0x0] =	vst v12  }
0x29f: {  	v30 =	vadd.s32 $0x7000, v3;
	[tilespmem:s4+$0x0] =	vst v17;
	v31 =	vld.idx.msk [tilespmem:v27+s3+$0x0], $0xffff  }
0x2a0: {  	v32 =	vadd.s32 $0x7000, v6;
	s23 =	sor.u32 $0x13380, s17;
	v17 =	vld.idx.msk [tilespmem:v28+s3+$0x0], $0xffff  }
0x2a1: {  	v33 =	vadd.s32 $0x7000, v5;
	s25 =	sor.u32 s16, s23  }
0x2a2: {  	[tilespmem:s25+$0x0] =	vst v13;
	s30 =	sor.u32 $0x13380, s20;
	s4 =	sor.u32 s15, s23  }
0x2a3: {  	v13 =	vld.idx.msk [tilespmem:v29+s3+$0x0], $0xffff;
	s7 =	sor.u32 s18, s30;
	[tilespmem:s4+$0x0] =	vst v14  }
0x2a4: {  	v34 =	vadd.s32 $0x7400, v4;
	s5 =	sor.u32 s19, s30;
	v12 =	vld.idx.msk [tilespmem:v30+s3+$0x0], $0xffff;
	[tilespmem:s7+$0x0] =	vst v31  }
0x2a5: {  	v35 =	vadd.s32 $0x7400, v3;
	[tilespmem:s5+$0x0] =	vst v17;
	v16 =	vld.idx.msk [tilespmem:v32+s3+$0x0], $0xffff  }
0x2a6: {  	v36 =	vadd.s32 $0x7400, v6;
	s8 =	sadd.s32 $0x13400, s17;
	v17 =	vld.idx.msk [tilespmem:v33+s3+$0x0], $0xffff  }
0x2a7: {  	v37 =	vadd.s32 $0x7400, v5;
	s9 =	sor.u32 s16, s8  }
0x2a8: {  	s10 =	sadd.s32 $0x13400, s20;
	[tilespmem:s9+$0x0] =	vst v13;
	s4 =	sor.u32 s15, s8  }
0x2a9: {  	s11 =	sor.u32 s18, s10;
	v38 =	vld.idx.msk [tilespmem:v34+s3+$0x0], $0xffff;
	[tilespmem:s4+$0x0] =	vst v12  }
0x2aa: {  	v40 =	vadd.s32 $0x7800, v4;
	s5 =	sor.u32 s19, s10;
	v39 =	vld.idx.msk [tilespmem:v35+s3+$0x0], $0xffff;
	[tilespmem:s11+$0x0] =	vst v16  }
0x2ab: {  	v41 =	vadd.s32 $0x7800, v3;
	[tilespmem:s5+$0x0] =	vst v17;
	v16 =	vld.idx.msk [tilespmem:v36+s3+$0x0], $0xffff  }
0x2ac: {  	v42 =	vadd.s32 $0x7800, v6;
	s22 =	sadd.s32 $0x13480, s17;
	v17 =	vld.idx.msk [tilespmem:v37+s3+$0x0], $0xffff  }
0x2ad: {  	v43 =	vadd.s32 $0x7800, v5;
	s23 =	sor.u32 s16, s22  }
0x2ae: {  	s25 =	sadd.s32 $0x13480, s20;
	[tilespmem:s23+$0x0] =	vst v38;
	s4 =	sor.u32 s15, s22  }
0x2af: {  	s30 =	sor.u32 s18, s25;
	v12 =	vld.idx.msk [tilespmem:v40+s3+$0x0], $0xffff;
	[tilespmem:s4+$0x0] =	vst v39  }
0x2b0: {  	v44 =	vadd.s32 $0x7C00, v4;
	s5 =	sor.u32 s19, s25;
	v13 =	vld.idx.msk [tilespmem:v41+s3+$0x0], $0xffff;
	[tilespmem:s30+$0x0] =	vst v16  }
0x2b1: {  	v45 =	vadd.s32 $0x7C00, v3;
	[tilespmem:s5+$0x0] =	vst v17;
	v16 =	vld.idx.msk [tilespmem:v42+s3+$0x0], $0xffff  }
0x2b2: {  	v46 =	vadd.s32 $0x7C00, v6;
	s5 =	sadd.s32 $0x13500, s17;
	v17 =	vld.idx.msk [tilespmem:v43+s3+$0x0], $0xffff  }
0x2b3: {  	v47 =	vadd.s32 $0x7C00, v5;
	s7 =	sor.u32 s16, s5  }
0x2b4: {  	s8 =	sadd.s32 $0x13500, s20;
	s4 =	sor.u32 s15, s5;
	[tilespmem:s7+$0x0] =	vst v12  }
0x2b5: {  	s9 =	sor.u32 s18, s8;
	[tilespmem:s4+$0x0] =	vst v13;
	v12 =	vld.idx.msk [tilespmem:v44+s3+$0x0], $0xffff  }
0x2b6: {  	v48 =	vadd.s32 $0x8000, v4;
	s5 =	sor.u32 s19, s8;
	v13 =	vld.idx.msk [tilespmem:v45+s3+$0x0], $0xffff;
	[tilespmem:s9+$0x0] =	vst v16  }
0x2b7: {  	v49 =	vadd.s32 $0x8000, v3;
	[tilespmem:s5+$0x0] =	vst v17;
	v16 =	vld.idx.msk [tilespmem:v46+s3+$0x0], $0xffff  }
0x2b8: {  	v50 =	vadd.s32 $0x8000, v6;
	s10 =	sadd.s32 $0x13580, s17;
	v17 =	vld.idx.msk [tilespmem:v47+s3+$0x0], $0xffff  }
0x2b9: {  	v51 =	vadd.s32 $0x8000, v5;
	s11 =	sor.u32 s16, s10  }
0x2ba: {  	s22 =	sadd.s32 $0x13580, s20;
	s4 =	sor.u32 s15, s10;
	[tilespmem:s11+$0x0] =	vst v12  }
0x2bb: {  	s23 =	sor.u32 s18, s22;
	[tilespmem:s4+$0x0] =	vst v13;
	v12 =	vld.idx.msk [tilespmem:v48+s3+$0x0], $0xffff  }
0x2bc: {  	v52 =	vadd.s32 $0x8400, v4;
	s5 =	sor.u32 s19, s22;
	v13 =	vld.idx.msk [tilespmem:v49+s3+$0x0], $0xffff;
	[tilespmem:s23+$0x0] =	vst v16  }
0x2bd: {  	v53 =	vadd.s32 $0x8400, v3;
	[tilespmem:s5+$0x0] =	vst v17;
	v16 =	vld.idx.msk [tilespmem:v50+s3+$0x0], $0xffff  }
0x2be: {  	v54 =	vadd.s32 $0x8400, v6;
	s25 =	sor.u32 $0x14200, s17;
	v17 =	vld.idx.msk [tilespmem:v51+s3+$0x0], $0xffff  }
0x2bf: {  	v55 =	vadd.s32 $0x8400, v5;
	s30 =	sor.u32 s16, s25  }
0x2c0: {  	s7 =	sor.u32 $0x14200, s20;
	s4 =	sor.u32 s15, s25;
	[tilespmem:s30+$0x0] =	vst v12  }
0x2c1: {  	s8 =	sor.u32 s18, s7;
	[tilespmem:s4+$0x0] =	vst v13;
	v12 =	vld.idx.msk [tilespmem:v52+s3+$0x0], $0xffff  }
0x2c2: {  	v56 =	vadd.s32 $0x8800, v4;
	s5 =	sor.u32 s19, s7;
	v13 =	vld.idx.msk [tilespmem:v53+s3+$0x0], $0xffff;
	[tilespmem:s8+$0x0] =	vst v16  }
0x2c3: {  	v57 =	vadd.s32 $0x8800, v3;
	[tilespmem:s5+$0x0] =	vst v17;
	v16 =	vld.idx.msk [tilespmem:v54+s3+$0x0], $0xffff  }
0x2c4: {  	v58 =	vadd.s32 $0x8800, v6;
	s9 =	sor.u32 $0x14280, s17;
	v17 =	vld.idx.msk [tilespmem:v55+s3+$0x0], $0xffff  }
0x2c5: {  	v59 =	vadd.s32 $0x8800, v5;
	s10 =	sor.u32 s16, s9  }
0x2c6: {  	s11 =	sor.u32 $0x14280, s20;
	s4 =	sor.u32 s15, s9;
	[tilespmem:s10+$0x0] =	vst v12  }
0x2c7: {  	s22 =	sor.u32 s18, s11;
	[tilespmem:s4+$0x0] =	vst v13;
	v12 =	vld.idx.msk [tilespmem:v56+s3+$0x0], $0xffff  }
0x2c8: {  	v60 =	vadd.s32 $0x8C00, v4;
	s5 =	sor.u32 s19, s11;
	v13 =	vld.idx.msk [tilespmem:v57+s3+$0x0], $0xffff;
	[tilespmem:s22+$0x0] =	vst v16  }
0x2c9: {  	v61 =	vadd.s32 $0x8C00, v3;
	[tilespmem:s5+$0x0] =	vst v17;
	v16 =	vld.idx.msk [tilespmem:v58+s3+$0x0], $0xffff  }
0x2ca: {  	v62 =	vadd.s32 $0x8C00, v6;
	s23 =	sor.u32 $0x14300, s17;
	v17 =	vld.idx.msk [tilespmem:v59+s3+$0x0], $0xffff  }
0x2cb: {  	v63 =	vadd.s32 $0x8C00, v5;
	s25 =	sor.u32 s16, s23  }
0x2cc: {  	s30 =	sor.u32 $0x14300, s20;
	s4 =	sor.u32 s15, s23;
	[tilespmem:s25+$0x0] =	vst v12  }
0x2cd: {  	s7 =	sor.u32 s18, s30;
	[tilespmem:s4+$0x0] =	vst v13;
	v12 =	vld.idx.msk [tilespmem:v60+s3+$0x0], $0xffff  }
0x2ce: {  	v21 =	vadd.s32 $0x9000, v4;
	s5 =	sor.u32 s19, s30;
	v13 =	vld.idx.msk [tilespmem:v61+s3+$0x0], $0xffff;
	[tilespmem:s7+$0x0] =	vst v16  }
0x2cf: {  	v22 =	vadd.s32 $0x9000, v3;
	[tilespmem:s5+$0x0] =	vst v17;
	v16 =	vld.idx.msk [tilespmem:v62+s3+$0x0], $0xffff  }
0x2d0: {  	v23 =	vadd.s32 $0x9000, v6;
	s8 =	sor.u32 $0x14380, s17;
	v17 =	vld.idx.msk [tilespmem:v63+s3+$0x0], $0xffff  }
0x2d1: {  	v24 =	vadd.s32 $0x9000, v5;
	s9 =	sor.u32 s16, s8  }
0x2d2: {  	s10 =	sor.u32 $0x14380, s20;
	s4 =	sor.u32 s15, s8;
	[tilespmem:s9+$0x0] =	vst v12  }
0x2d3: {  	s11 =	sor.u32 s18, s10;
	[tilespmem:s4+$0x0] =	vst v13;
	v12 =	vld.idx.msk [tilespmem:v21+s3+$0x0], $0xffff  }
0x2d4: {  	v25 =	vadd.s32 $0x9400, v4;
	s5 =	sor.u32 s19, s10;
	v13 =	vld.idx.msk [tilespmem:v22+s3+$0x0], $0xffff;
	[tilespmem:s11+$0x0] =	vst v16  }
0x2d5: {  	v26 =	vadd.s32 $0x9400, v3;
	[tilespmem:s5+$0x0] =	vst v17;
	v16 =	vld.idx.msk [tilespmem:v23+s3+$0x0], $0xffff  }
0x2d6: {  	v27 =	vadd.s32 $0x9400, v6;
	s22 =	sadd.s32 $0x14400, s17;
	v17 =	vld.idx.msk [tilespmem:v24+s3+$0x0], $0xffff  }
0x2d7: {  	v28 =	vadd.s32 $0x9400, v5;
	s23 =	sor.u32 s16, s22  }
0x2d8: {  	s25 =	sadd.s32 $0x14400, s20;
	s4 =	sor.u32 s15, s22;
	[tilespmem:s23+$0x0] =	vst v12  }
0x2d9: {  	s30 =	sor.u32 s18, s25;
	[tilespmem:s4+$0x0] =	vst v13;
	v12 =	vld.idx.msk [tilespmem:v25+s3+$0x0], $0xffff  }
0x2da: {  	v29 =	vadd.s32 $0x9800, v4;
	s5 =	sor.u32 s19, s25;
	v13 =	vld.idx.msk [tilespmem:v26+s3+$0x0], $0xffff;
	[tilespmem:s30+$0x0] =	vst v16  }
0x2db: {  	v30 =	vadd.s32 $0x9800, v3;
	[tilespmem:s5+$0x0] =	vst v17;
	v16 =	vld.idx.msk [tilespmem:v27+s3+$0x0], $0xffff  }
0x2dc: {  	v31 =	vadd.s32 $0x9800, v6;
	s7 =	sadd.s32 $0x14480, s17;
	v17 =	vld.idx.msk [tilespmem:v28+s3+$0x0], $0xffff  }
0x2dd: {  	v32 =	vadd.s32 $0x9800, v5;
	s8 =	sor.u32 s16, s7  }
0x2de: {  	s9 =	sadd.s32 $0x14480, s20;
	s4 =	sor.u32 s15, s7;
	[tilespmem:s8+$0x0] =	vst v12  }
0x2df: {  	s10 =	sor.u32 s18, s9;
	[tilespmem:s4+$0x0] =	vst v13;
	v12 =	vld.idx.msk [tilespmem:v29+s3+$0x0], $0xffff  }
0x2e0: {  	v33 =	vadd.s32 $0x9C00, v4;
	s5 =	sor.u32 s19, s9;
	v34 =	vld.idx.msk [tilespmem:v30+s3+$0x0], $0xffff;
	[tilespmem:s10+$0x0] =	vst v16  }
0x2e1: {  	v35 =	vadd.s32 $0x9C00, v3;
	[tilespmem:s5+$0x0] =	vst v17;
	v16 =	vld.idx.msk [tilespmem:v31+s3+$0x0], $0xffff  }
0x2e2: {  	v36 =	vadd.s32 $0x9C00, v6;
	s11 =	sadd.s32 $0x14500, s17;
	v37 =	vld.idx.msk [tilespmem:v32+s3+$0x0], $0xffff  }
0x2e3: {  	v38 =	vadd.s32 $0x9C00, v5;
	s22 =	sor.u32 s16, s11  }
0x2e4: {  	s23 =	sadd.s32 $0x14500, s20;
	s4 =	sor.u32 s15, s11;
	[tilespmem:s22+$0x0] =	vst v12  }
0x2e5: {  	s25 =	sor.u32 s18, s23;
	[tilespmem:s4+$0x0] =	vst v34;
	v12 =	vld.idx.msk [tilespmem:v33+s3+$0x0], $0xffff  }
0x2e6: {  	v39 =	vadd.s32 $0xA000, v4;
	s5 =	sor.u32 s19, s23;
	v14 =	vld.idx.msk [tilespmem:v35+s3+$0x0], $0xffff;
	[tilespmem:s25+$0x0] =	vst v16  }
0x2e7: {  	v40 =	vadd.s32 $0xA000, v3;
	[tilespmem:s5+$0x0] =	vst v37;
	v16 =	vld.idx.msk [tilespmem:v36+s3+$0x0], $0xffff  }
0x2e8: {  	v41 =	vadd.s32 $0xA000, v6;
	s30 =	sadd.s32 $0x14580, s17;
	v18 =	vld.idx.msk [tilespmem:v38+s3+$0x0], $0xffff  }
0x2e9: {  	v42 =	vadd.s32 $0xA000, v5;
	s7 =	sor.u32 s16, s30  }
0x2ea: {  	s8 =	sadd.s32 $0x14580, s20;
	s4 =	sor.u32 s15, s30;
	[tilespmem:s7+$0x0] =	vst v12  }
0x2eb: {  	s9 =	sor.u32 s18, s8;
	[tilespmem:s4+$0x0] =	vst v14;
	v12 =	vld.idx.msk [tilespmem:v39+s3+$0x0], $0xffff  }
0x2ec: {  	v43 =	vadd.s32 $0xA400, v4;
	s5 =	sor.u32 s19, s8;
	v14 =	vld.idx.msk [tilespmem:v40+s3+$0x0], $0xffff;
	[tilespmem:s9+$0x0] =	vst v16  }
0x2ed: {  	v44 =	vadd.s32 $0xA400, v3;
	[tilespmem:s5+$0x0] =	vst v18;
	v16 =	vld.idx.msk [tilespmem:v41+s3+$0x0], $0xffff  }
0x2ee: {  	[tilespmem:s2+$0x0] =	vst v8;
	v45 =	vadd.s32 $0xA400, v6;
	s22 =	sor.u32 $0x15200, s17;
	v46 =	vld.idx.msk [tilespmem:v42+s3+$0x0], $0xffff  }
0x2ef: {  	[tilespmem:s6+$0x0] =	vst v10;
	v47 =	vadd.s32 $0xA400, v5;
	s23 =	sor.u32 s16, s22  }
0x2f0: {  	v11 =	vld.idx.msk [tilespmem:v11+s3+$0x0], $0xffff;
	s6 =	sor.u32 s15, s22;
	s25 =	sor.u32 $0x15200, s20;
	[tilespmem:s23+$0x0] =	vst v12  }
0x2f1: {  	v48 =	vadd.s32 $0xE000, v2;
	s30 =	sor.u32 s18, s25;
	[tilespmem:s6+$0x0] =	vst v14;
	v13 =	vld.idx.msk [tilespmem:v43+s3+$0x0], $0xffff  }
0x2f2: {  	v49 =	vadd.s32 $0xA800, v4;
	s10 =	sadd.s32 $0x15480, s14;
	s5 =	sor.u32 s19, s25;
	v15 =	vld.idx.msk [tilespmem:v44+s3+$0x0], $0xffff;
	[tilespmem:s30+$0x0] =	vst v16  }
0x2f3: {  	v50 =	vadd.s32 $0xA800, v3;
	s11 =	sor.u32 s13, s10;
	[tilespmem:s5+$0x0] =	vst v46;
	v10 =	vld.idx.msk [tilespmem:v45+s3+$0x0], $0xffff  }
0x2f4: {  	v51 =	vadd.s32 $0xA800, v6;
	[tilespmem:s11+$0x0] =	vst v7;
	s4 =	sor.u32 s12, s10;
	s7 =	sor.u32 $0x15280, s17;
	v7 =	vld.idx.msk [tilespmem:v47+s3+$0x0], $0xffff  }
0x2f5: {  	v52 =	vadd.s32 $0xA800, v5;
	v9 =	vld.idx.msk [tilespmem:v9+s3+$0x0], $0xffff;
	[tilespmem:s4+$0x0] =	vst v11;
	s8 =	sor.u32 s16, s7  }
0x2f6: {  	v53 =	vadd.s32 $0xB800, v0;
	s2 =	sor.u32 s15, s7;
	s9 =	sor.u32 $0x15280, s20;
	v12 =	vld.idx.msk [tilespmem:v48+s3+$0x0], $0xffff;
	[tilespmem:s8+$0x0] =	vst v13  }
0x2f7: {  	v54 =	vadd.s32 $0xBC00, v1;
	s10 =	sor.u32 s18, s9;
	[tilespmem:s2+$0x0] =	vst v15;
	v14 =	vld.idx.msk [tilespmem:v49+s3+$0x0], $0xffff  }
0x2f8: {  	v55 =	vadd.s32 $0xAC00, v4;
	s11 =	sadd.s32 $0x15500, s14;
	s4 =	sor.u32 s19, s9;
	v15 =	vld.idx.msk [tilespmem:v50+s3+$0x0], $0xffff;
	[tilespmem:s10+$0x0] =	vst v10  }
0x2f9: {  	v56 =	vadd.s32 $0xAC00, v3;
	s22 =	sor.u32 s13, s11;
	[tilespmem:s4+$0x0] =	vst v7;
	v8 =	vld.idx.msk [tilespmem:v51+s3+$0x0], $0xffff  }
0x2fa: {  	v57 =	vadd.s32 $0xAC00, v6;
	[tilespmem:s22+$0x0] =	vst v9;
	s23 =	sor.u32 $0x15300, s17;
	v11 =	vld.idx.msk [tilespmem:v52+s3+$0x0], $0xffff  }
0x2fb: {  	v59 =	vadd.s32 $0xAC00, v5;
	v58 =	vld.idx.msk [tilespmem:v53+s3+$0x0], $0xffff;
	s25 =	sor.u32 s16, s23;
	[tilespmem:s0+$0x0] =	vst v12  }
0x2fc: {  	v60 =	vadd.s32 $0xE400, v2;
	s30 =	sor.u32 $0x15300, s20;
	v13 =	vld.idx.msk [tilespmem:v54+s3+$0x0], $0xffff;
	s4 =	sor.u32 s15, s23;
	[tilespmem:s25+$0x0] =	vst v14  }
0x2fd: {  	v61 =	vadd.s32 $0xBC00, v0;
	s5 =	sor.u32 s18, s30;
	[tilespmem:s4+$0x0] =	vst v15;
	v10 =	vld.idx.msk [tilespmem:v55+s3+$0x0], $0xffff  }
0x2fe: {  	v62 =	vadd.s32 $0xB000, v4;
	s0 =	sor.u32 s19, s30;
	v7 =	vld.idx.msk [tilespmem:v56+s3+$0x0], $0xffff;
	[tilespmem:s5+$0x0] =	vst v8  }
0x2ff: {  	v63 =	vadd.s32 $0xB000, v3;
	s6 =	sadd.s32 $0x15580, s14;
	s2 =	sor.u32 s12, s11;
	[tilespmem:s0+$0x0] =	vst v11;
	v9 =	vld.idx.msk [tilespmem:v57+s3+$0x0], $0xffff  }
0x300: {  	v20 =	vadd.s32 $0xB000, v6;
	s7 =	sor.u32 s13, s6;
	s8 =	sor.u32 $0x15380, s17;
	[tilespmem:s2+$0x0] =	vst v58;
	v12 =	vld.idx.msk [tilespmem:v59+s3+$0x0], $0xffff  }
0x301: {  	v22 =	vadd.s32 $0xB000, v5;
	v21 =	vld.idx.msk [tilespmem:v60+s3+$0x0], $0xffff;
	s9 =	sor.u32 s16, s8;
	[tilespmem:s7+$0x0] =	vst v13  }
0x302: {  	v23 =	vadd.s32 $0xC000, v1;
	s2 =	sor.u32 s15, s8;
	s10 =	sor.u32 $0x15380, s20;
	v14 =	vld.idx.msk [tilespmem:v61+s3+$0x0], $0xffff;
	[tilespmem:s9+$0x0] =	vst v10  }
0x303: {  	v24 =	vadd.s32 $0xE800, v2;
	s11 =	sor.u32 s18, s10;
	[tilespmem:s2+$0x0] =	vst v7;
	v15 =	vld.idx.msk [tilespmem:v62+s3+$0x0], $0xffff  }
0x304: {  	v25 =	vadd.s32 $0xB400, v4;
	s0 =	sor.u32 s19, s10;
	v8 =	vld.idx.msk [tilespmem:v63+s3+$0x0], $0xffff;
	[tilespmem:s11+$0x0] =	vst v9  }
0x305: {  	v26 =	vadd.s32 $0xB400, v3;
	[tilespmem:s0+$0x0] =	vst v12;
	v11 =	vld.idx.msk [tilespmem:v20+s3+$0x0], $0xffff  }
0x306: {  	v27 =	vadd.s32 $0xB400, v6;
	s22 =	sor.u32 s12, s6;
	s23 =	sadd.s32 $0x15400, s17;
	[tilespmem:s1+$0x0] =	vst v21;
	v13 =	vld.idx.msk [tilespmem:v22+s3+$0x0], $0xffff  }
0x307: {  	v29 =	vadd.s32 $0xB400, v5;
	v28 =	vld.idx.msk [tilespmem:v23+s3+$0x0], $0xffff;
	s25 =	sor.u32 s16, s23;
	[tilespmem:s22+$0x0] =	vst v14  }
0x308: {  	v30 =	vadd.s32 $0xC000, v0;
	s30 =	sadd.s32 $0x15400, s20;
	s1 =	sor.u32 s15, s23;
	v10 =	vld.idx.msk [tilespmem:v24+s3+$0x0], $0xffff;
	[tilespmem:s25+$0x0] =	vst v15  }
0x309: {  	v31 =	vadd.s32 $0xC400, v1;
	s2 =	sor.u32 s18, s30;
	[tilespmem:s1+$0x0] =	vst v8;
	v7 =	vld.idx.msk [tilespmem:v25+s3+$0x0], $0xffff  }
0x30a: {  	v32 =	vadd.s32 $0xB800, v4;
	s4 =	sor.u32 $0x16200, s14;
	s0 =	sor.u32 s19, s30;
	v9 =	vld.idx.msk [tilespmem:v26+s3+$0x0], $0xffff;
	[tilespmem:s2+$0x0] =	vst v11  }
0x30b: {  	v33 =	vadd.s32 $0xB800, v3;
	s5 =	sor.u32 s13, s4;
	[tilespmem:s0+$0x0] =	vst v13;
	v12 =	vld.idx.msk [tilespmem:v27+s3+$0x0], $0xffff  }
0x30c: {  	v34 =	vadd.s32 $0xB800, v6;
	s6 =	sadd.s32 $0x15480, s17;
	[tilespmem:s5+$0x0] =	vst v28;
	v14 =	vld.idx.msk [tilespmem:v29+s3+$0x0], $0xffff  }
0x30d: {  	v36 =	vadd.s32 $0xB800, v5;
	s7 =	sor.u32 s16, s6;
	v35 =	vld.idx.msk [tilespmem:v30+s3+$0x0], $0xffff;
	[tilespmem:s31+$0x0] =	vst v10  }
0x30e: {  	v37 =	vadd.s32 $0xEC00, v2;
	s8 =	sadd.s32 $0x15480, s20;
	v15 =	vld.idx.msk [tilespmem:v31+s3+$0x0], $0xffff;
	s0 =	sor.u32 s15, s6;
	[tilespmem:s7+$0x0] =	vst v7  }
0x30f: {  	v38 =	vadd.s32 $0xC400, v0;
	s9 =	sor.u32 s18, s8;
	[tilespmem:s0+$0x0] =	vst v9;
	v8 =	vld.idx.msk [tilespmem:v32+s3+$0x0], $0xffff  }
0x310: {  	v39 =	vadd.s32 $0xBC00, v4;
	s2 =	sor.u32 s19, s8;
	v11 =	vld.idx.msk [tilespmem:v33+s3+$0x0], $0xffff;
	[tilespmem:s9+$0x0] =	vst v12  }
0x311: {  	v40 =	vadd.s32 $0xBC00, v3;
	s10 =	sor.u32 s12, s4;
	s11 =	sor.u32 $0x16280, s14;
	[tilespmem:s2+$0x0] =	vst v14;
	v13 =	vld.idx.msk [tilespmem:v34+s3+$0x0], $0xffff  }
0x312: {  	v41 =	vadd.s32 $0xBC00, v6;
	s23 =	sadd.s32 $0x15500, s17;
	[tilespmem:s10+$0x0] =	vst v35;
	s22 =	sor.u32 s13, s11;
	v10 =	vld.idx.msk [tilespmem:v36+s3+$0x0], $0xffff  }
0x313: {  	v43 =	vadd.s32 $0xBC00, v5;
	v42 =	vld.idx.msk [tilespmem:v37+s3+$0x0], $0xffff;
	s25 =	sor.u32 s16, s23;
	[tilespmem:s22+$0x0] =	vst v15  }
0x314: {  	v44 =	vadd.s32 $0xC800, v1;
	s30 =	sadd.s32 $0x15500, s20;
	v7 =	vld.idx.msk [tilespmem:v38+s3+$0x0], $0xffff;
	s2 =	sor.u32 s15, s23;
	[tilespmem:s25+$0x0] =	vst v8  }
0x315: {  	v45 =	vadd.s32 $0xF000, v2;
	s31 =	sor.u32 s18, s30;
	[tilespmem:s2+$0x0] =	vst v11;
	v9 =	vld.idx.msk [tilespmem:v39+s3+$0x0], $0xffff  }
0x316: {  	v46 =	vadd.s32 $0xC000, v4;
	s0 =	sor.u32 s19, s30;
	v12 =	vld.idx.msk [tilespmem:v40+s3+$0x0], $0xffff;
	[tilespmem:s31+$0x0] =	vst v13  }
0x317: {  	v47 =	vadd.s32 $0xC000, v3;
	[tilespmem:s0+$0x0] =	vst v10;
	v13 =	vld.idx.msk [tilespmem:v41+s3+$0x0], $0xffff  }
0x318: {  	v48 =	vadd.s32 $0xC000, v6;
	s5 =	sadd.s32 $0x15580, s17;
	s4 =	sor.u32 s12, s11;
	[tilespmem:s29+$0x0] =	vst v42;
	v15 =	vld.idx.msk [tilespmem:v43+s3+$0x0], $0xffff  }
0x319: {  	v50 =	vadd.s32 $0xC000, v5;
	s6 =	sor.u32 s16, s5;
	v49 =	vld.idx.msk [tilespmem:v44+s3+$0x0], $0xffff;
	[tilespmem:s4+$0x0] =	vst v7  }
0x31a: {  	v51 =	vadd.s32 $0xC800, v0;
	s1 =	sor.u32 s15, s5;
	s7 =	sadd.s32 $0x15580, s20;
	v8 =	vld.idx.msk [tilespmem:v45+s3+$0x0], $0xffff;
	[tilespmem:s6+$0x0] =	vst v9  }
0x31b: {  	v52 =	vadd.s32 $0xCC00, v1;
	s8 =	sor.u32 s18, s7;
	[tilespmem:s1+$0x0] =	vst v12;
	v11 =	vld.idx.msk [tilespmem:v46+s3+$0x0], $0xffff  }
0x31c: {  	v53 =	vadd.s32 $0xC400, v4;
	s9 =	sor.u32 $0x16300, s14;
	s0 =	sor.u32 s19, s7;
	v10 =	vld.idx.msk [tilespmem:v47+s3+$0x0], $0xffff;
	[tilespmem:s8+$0x0] =	vst v13  }
0x31d: {  	v54 =	vadd.s32 $0xC400, v3;
	s10 =	sor.u32 s13, s9;
	[tilespmem:s0+$0x0] =	vst v15;
	v14 =	vld.idx.msk [tilespmem:v48+s3+$0x0], $0xffff  }
0x31e: {  	v55 =	vadd.s32 $0xC400, v6;
	s11 =	sor.u32 $0x16200, s17;
	[tilespmem:s10+$0x0] =	vst v49;
	v7 =	vld.idx.msk [tilespmem:v50+s3+$0x0], $0xffff  }
0x31f: {  	v57 =	vadd.s32 $0xC400, v5;
	s22 =	sor.u32 s16, s11;
	v56 =	vld.idx.msk [tilespmem:v51+s3+$0x0], $0xffff;
	[tilespmem:s28+$0x0] =	vst v8  }
0x320: {  	v58 =	vadd.s32 $0xF400, v2;
	s23 =	sor.u32 $0x16200, s20;
	v9 =	vld.idx.msk [tilespmem:v52+s3+$0x0], $0xffff;
	s0 =	sor.u32 s15, s11;
	[tilespmem:s22+$0x0] =	vst v11  }
0x321: {  	v59 =	vadd.s32 $0xCC00, v0;
	s25 =	sor.u32 s18, s23;
	[tilespmem:s0+$0x0] =	vst v10;
	v12 =	vld.idx.msk [tilespmem:v53+s3+$0x0], $0xffff  }
0x322: {  	v60 =	vadd.s32 $0xC800, v4;
	s2 =	sor.u32 s19, s23;
	v13 =	vld.idx.msk [tilespmem:v54+s3+$0x0], $0xffff;
	[tilespmem:s25+$0x0] =	vst v14  }
0x323: {  	v61 =	vadd.s32 $0xC800, v3;
	s29 =	sor.u32 $0x16380, s14;
	s28 =	sor.u32 s12, s9;
	[tilespmem:s2+$0x0] =	vst v7;
	v15 =	vld.idx.msk [tilespmem:v55+s3+$0x0], $0xffff  }
0x324: {  	v62 =	vadd.s32 $0xC800, v6;
	s30 =	sor.u32 s13, s29;
	s31 =	sor.u32 $0x16280, s17;
	[tilespmem:s28+$0x0] =	vst v56;
	v8 =	vld.idx.msk [tilespmem:v57+s3+$0x0], $0xffff  }
0x325: {  	v20 =	vadd.s32 $0xC800, v5;
	s4 =	sor.u32 s16, s31;
	v63 =	vld.idx.msk [tilespmem:v58+s3+$0x0], $0xffff;
	[tilespmem:s30+$0x0] =	vst v9  }
0x326: {  	v21 =	vadd.s32 $0xD000, v1;
	s5 =	sor.u32 $0x16280, s20;
	v11 =	vld.idx.msk [tilespmem:v59+s3+$0x0], $0xffff;
	s2 =	sor.u32 s15, s31;
	[tilespmem:s4+$0x0] =	vst v12  }
0x327: {  	v22 =	vadd.s32 $0xF800, v2;
	s6 =	sor.u32 s18, s5;
	[tilespmem:s2+$0x0] =	vst v13;
	v10 =	vld.idx.msk [tilespmem:v60+s3+$0x0], $0xffff  }
0x328: {  	v23 =	vadd.s32 $0xCC00, v4;
	s0 =	sor.u32 s19, s5;
	v14 =	vld.idx.msk [tilespmem:v61+s3+$0x0], $0xffff;
	[tilespmem:s6+$0x0] =	vst v15  }
0x329: {  	v24 =	vadd.s32 $0xCC00, v3;
	[tilespmem:s0+$0x0] =	vst v8;
	v7 =	vld.idx.msk [tilespmem:v62+s3+$0x0], $0xffff  }
0x32a: {  	v25 =	vadd.s32 $0xCC00, v6;
	s7 =	sor.u32 s12, s29;
	s8 =	sor.u32 $0x16300, s17;
	[tilespmem:s26+$0x0] =	vst v63;
	v9 =	vld.idx.msk [tilespmem:v20+s3+$0x0], $0xffff  }
0x32b: {  	v27 =	vadd.s32 $0xCC00, v5;
	s9 =	sor.u32 s16, s8;
	v26 =	vld.idx.msk [tilespmem:v21+s3+$0x0], $0xffff;
	[tilespmem:s7+$0x0] =	vst v11  }
0x32c: {  	v28 =	vadd.s32 $0xD000, v0;
	s10 =	sor.u32 $0x16300, s20;
	s1 =	sor.u32 s15, s8;
	v12 =	vld.idx.msk [tilespmem:v22+s3+$0x0], $0xffff;
	[tilespmem:s9+$0x0] =	vst v10  }
0x32d: {  	v29 =	vadd.s32 $0xD400, v1;
	s11 =	sor.u32 s18, s10;
	[tilespmem:s1+$0x0] =	vst v14;
	v13 =	vld.idx.msk [tilespmem:v23+s3+$0x0], $0xffff  }
0x32e: {  	v30 =	vadd.s32 $0xD000, v4;
	s22 =	sadd.s32 $0x16400, s14;
	s0 =	sor.u32 s19, s10;
	v8 =	vld.idx.msk [tilespmem:v24+s3+$0x0], $0xffff;
	[tilespmem:s11+$0x0] =	vst v7  }
0x32f: {  	v31 =	vadd.s32 $0xD000, v3;
	s23 =	sor.u32 s13, s22;
	[tilespmem:s0+$0x0] =	vst v9;
	v32 =	vld.idx.msk [tilespmem:v25+s3+$0x0], $0xffff  }
0x330: {  	v33 =	vadd.s32 $0xD000, v6;
	s25 =	sor.u32 $0x16380, s17;
	[tilespmem:s23+$0x0] =	vst v26;
	v11 =	vld.idx.msk [tilespmem:v27+s3+$0x0], $0xffff  }
0x331: {  	v35 =	vadd.s32 $0xD000, v5;
	s26 =	sor.u32 s16, s25;
	v34 =	vld.idx.msk [tilespmem:v28+s3+$0x0], $0xffff;
	[tilespmem:s24+$0x0] =	vst v12  }
0x332: {  	v36 =	vadd.s32 $0xFC00, v2;
	s28 =	sor.u32 $0x16380, s20;
	v10 =	vld.idx.msk [tilespmem:v29+s3+$0x0], $0xffff;
	s0 =	sor.u32 s15, s25;
	[tilespmem:s26+$0x0] =	vst v13  }
0x333: {  	v37 =	vadd.s32 $0xD400, v0;
	s29 =	sor.u32 s18, s28;
	[tilespmem:s0+$0x0] =	vst v8;
	v7 =	vld.idx.msk [tilespmem:v30+s3+$0x0], $0xffff  }
0x334: {  	v38 =	vadd.s32 $0xD400, v4;
	s2 =	sor.u32 s19, s28;
	v9 =	vld.idx.msk [tilespmem:v31+s3+$0x0], $0xffff;
	[tilespmem:s29+$0x0] =	vst v32  }
0x335: {  	v39 =	vadd.s32 $0xD400, v3;
	s30 =	sor.u32 s12, s22;
	s31 =	sadd.s32 $0x16480, s14;
	[tilespmem:s2+$0x0] =	vst v11;
	v15 =	vld.idx.msk [tilespmem:v33+s3+$0x0], $0xffff  }
0x336: {  	v40 =	vadd.s32 $0xD400, v6;
	s5 =	sadd.s32 $0x16400, s17;
	s4 =	sor.u32 s13, s31;
	[tilespmem:s30+$0x0] =	vst v34;
	v12 =	vld.idx.msk [tilespmem:v35+s3+$0x0], $0xffff  }
0x337: {  	v41 =	vadd.s32 $0xD400, v5;
	s6 =	sor.u32 s16, s5;
	v2 =	vld.idx.msk [tilespmem:v36+s3+$0x0], $0xffff;
	[tilespmem:s4+$0x0] =	vst v10  }
0x338: {  	v42 =	vadd.s32 $0xD800, v1;
	s7 =	sadd.s32 $0x16400, s20;
	v13 =	vld.idx.msk [tilespmem:v37+s3+$0x0], $0xffff;
	s2 =	sor.u32 s15, s5;
	[tilespmem:s6+$0x0] =	vst v7  }
0x339: {  	v43 =	vadd.s32 $0xD800, v0;
	s8 =	sor.u32 s18, s7;
	[tilespmem:s2+$0x0] =	vst v9;
	v8 =	vld.idx.msk [tilespmem:v38+s3+$0x0], $0xffff  }
0x33a: {  	v44 =	vadd.s32 $0xD800, v4;
	s0 =	sor.u32 s19, s7;
	v14 =	vld.idx.msk [tilespmem:v39+s3+$0x0], $0xffff;
	[tilespmem:s8+$0x0] =	vst v15  }
0x33b: {  	v45 =	vadd.s32 $0xD800, v3;
	[tilespmem:s0+$0x0] =	vst v12;
	v11 =	vld.idx.msk [tilespmem:v40+s3+$0x0], $0xffff  }
0x33c: {  	v46 =	vadd.s32 $0xD800, v6;
	s10 =	sadd.s32 $0x16480, s17;
	s9 =	sor.u32 s12, s31;
	[tilespmem:s21+$0x0] =	vst v2;
	v10 =	vld.idx.msk [tilespmem:v41+s3+$0x0], $0xffff  }
0x33d: {  	v48 =	vadd.s32 $0xD800, v5;
	s11 =	sor.u32 s16, s10;
	v47 =	vld.idx.msk [tilespmem:v42+s3+$0x0], $0xffff;
	[tilespmem:s9+$0x0] =	vst v13  }
0x33e: {  	v49 =	vadd.s32 $0xDC00, v1;
	s1 =	sor.u32 s15, s10;
	s21 =	sadd.s32 $0x16480, s20;
	v7 =	vld.idx.msk [tilespmem:v43+s3+$0x0], $0xffff;
	[tilespmem:s11+$0x0] =	vst v8  }
0x33f: {  	v50 =	vadd.s32 $0xDC00, v0;
	s22 =	sor.u32 s18, s21;
	[tilespmem:s1+$0x0] =	vst v14;
	v9 =	vld.idx.msk [tilespmem:v44+s3+$0x0], $0xffff  }
0x340: {  	v51 =	vadd.s32 $0xDC00, v4;
	s23 =	sadd.s32 $0x16500, s14;
	s0 =	sor.u32 s19, s21;
	v12 =	vld.idx.msk [tilespmem:v45+s3+$0x0], $0xffff;
	[tilespmem:s22+$0x0] =	vst v11  }
0x341: {  	v52 =	vadd.s32 $0xDC00, v3;
	s24 =	sor.u32 s13, s23;
	[tilespmem:s0+$0x0] =	vst v10;
	v2 =	vld.idx.msk [tilespmem:v46+s3+$0x0], $0xffff  }
0x342: {  	v53 =	vadd.s32 $0xDC00, v6;
	s25 =	sadd.s32 $0x16500, s17;
	[tilespmem:s24+$0x0] =	vst v47;
	s1 =	sor.u32 s12, s23;
	v13 =	vld.idx.msk [tilespmem:v48+s3+$0x0], $0xffff  }
0x343: {  	v54 =	vadd.s32 $0xDC00, v5;
	s26 =	sor.u32 s16, s25;
	v15 =	vld.idx.msk [tilespmem:v49+s3+$0x0], $0xffff;
	[tilespmem:s1+$0x0] =	vst v7  }
0x344: {  	v55 =	vadd.s32 $0xE000, v1;
	s28 =	sadd.s32 $0x16500, s20;
	v8 =	vld.idx.msk [tilespmem:v50+s3+$0x0], $0xffff;
	s0 =	sor.u32 s15, s25;
	[tilespmem:s26+$0x0] =	vst v9  }
0x345: {  	v56 =	vadd.s32 $0xE000, v0;
	s29 =	sor.u32 s18, s28;
	[tilespmem:s0+$0x0] =	vst v12;
	v11 =	vld.idx.msk [tilespmem:v51+s3+$0x0], $0xffff  }
0x346: {  	v57 =	vadd.s32 $0xE000, v4;
	s30 =	sadd.s32 $0x16580, s14;
	s1 =	sor.u32 s19, s28;
	v10 =	vld.idx.msk [tilespmem:v52+s3+$0x0], $0xffff;
	[tilespmem:s29+$0x0] =	vst v2  }
0x347: {  	v58 =	vadd.s32 $0xE000, v3;
	s31 =	sor.u32 s13, s30;
	[tilespmem:s1+$0x0] =	vst v13;
	v59 =	vld.idx.msk [tilespmem:v53+s3+$0x0], $0xffff  }
0x348: {  	v60 =	vadd.s32 $0xE000, v6;
	s2 =	sadd.s32 $0x16580, s17;
	[tilespmem:s31+$0x0] =	vst v15;
	s0 =	sor.u32 s12, s30;
	v7 =	vld.idx.msk [tilespmem:v54+s3+$0x0], $0xffff  }
0x349: {  	v61 =	vadd.s32 $0xE000, v5;
	s4 =	sor.u32 s16, s2;
	v15 =	vld.idx.msk [tilespmem:v55+s3+$0x0], $0xffff;
	[tilespmem:s0+$0x0] =	vst v8  }
0x34a: {  	v62 =	vadd.s32 $0xE400, v1;
	s5 =	sadd.s32 $0x16580, s20;
	v9 =	vld.idx.msk [tilespmem:v56+s3+$0x0], $0xffff;
	s1 =	sor.u32 s15, s2;
	[tilespmem:s4+$0x0] =	vst v11  }
0x34b: {  	v63 =	vadd.s32 $0xE400, v0;
	s6 =	sor.u32 s18, s5;
	[tilespmem:s1+$0x0] =	vst v10;
	v2 =	vld.idx.msk [tilespmem:v57+s3+$0x0], $0xffff  }
0x34c: {  	v20 =	vadd.s32 $0xE400, v4;
	s7 =	sor.u32 $0x17200, s14;
	s0 =	sor.u32 s19, s5;
	v12 =	vld.idx.msk [tilespmem:v58+s3+$0x0], $0xffff;
	[tilespmem:s6+$0x0] =	vst v59  }
0x34d: {  	v21 =	vadd.s32 $0xE400, v3;
	s8 =	sor.u32 s13, s7;
	[tilespmem:s0+$0x0] =	vst v7;
	v13 =	vld.idx.msk [tilespmem:v60+s3+$0x0], $0xffff  }
0x34e: {  	v22 =	vadd.s32 $0xE400, v6;
	s9 =	sor.u32 $0x17200, s17;
	[tilespmem:s8+$0x0] =	vst v15;
	s1 =	sor.u32 s12, s7;
	v8 =	vld.idx.msk [tilespmem:v61+s3+$0x0], $0xffff  }
0x34f: {  	v23 =	vadd.s32 $0xE400, v5;
	s10 =	sor.u32 s16, s9;
	v15 =	vld.idx.msk [tilespmem:v62+s3+$0x0], $0xffff;
	[tilespmem:s1+$0x0] =	vst v9  }
0x350: {  	v24 =	vadd.s32 $0xE800, v1;
	s11 =	sor.u32 $0x17200, s20;
	v11 =	vld.idx.msk [tilespmem:v63+s3+$0x0], $0xffff;
	s0 =	sor.u32 s15, s9;
	[tilespmem:s10+$0x0] =	vst v2  }
0x351: {  	v25 =	vadd.s32 $0xE800, v0;
	s21 =	sor.u32 s18, s11;
	[tilespmem:s0+$0x0] =	vst v12;
	v10 =	vld.idx.msk [tilespmem:v20+s3+$0x0], $0xffff  }
0x352: {  	v26 =	vadd.s32 $0xE800, v4;
	s22 =	sor.u32 $0x17280, s14;
	s1 =	sor.u32 s19, s11;
	v7 =	vld.idx.msk [tilespmem:v21+s3+$0x0], $0xffff;
	[tilespmem:s21+$0x0] =	vst v13  }
0x353: {  	v27 =	vadd.s32 $0xE800, v3;
	s23 =	sor.u32 s13, s22;
	[tilespmem:s1+$0x0] =	vst v8;
	v13 =	vld.idx.msk [tilespmem:v22+s3+$0x0], $0xffff  }
0x354: {  	v28 =	vadd.s32 $0xE800, v6;
	s24 =	sor.u32 $0x17280, s17;
	[tilespmem:s23+$0x0] =	vst v15;
	s0 =	sor.u32 s12, s22;
	v9 =	vld.idx.msk [tilespmem:v23+s3+$0x0], $0xffff  }
0x355: {  	v29 =	vadd.s32 $0xE800, v5;
	s25 =	sor.u32 s16, s24;
	v15 =	vld.idx.msk [tilespmem:v24+s3+$0x0], $0xffff;
	[tilespmem:s0+$0x0] =	vst v11  }
0x356: {  	v30 =	vadd.s32 $0xEC00, v1;
	s26 =	sor.u32 $0x17280, s20;
	v2 =	vld.idx.msk [tilespmem:v25+s3+$0x0], $0xffff;
	s1 =	sor.u32 s15, s24;
	[tilespmem:s25+$0x0] =	vst v10  }
0x357: {  	v31 =	vadd.s32 $0xEC00, v0;
	s28 =	sor.u32 s18, s26;
	[tilespmem:s1+$0x0] =	vst v7;
	v12 =	vld.idx.msk [tilespmem:v26+s3+$0x0], $0xffff  }
0x358: {  	v32 =	vadd.s32 $0xEC00, v4;
	s29 =	sor.u32 $0x17300, s14;
	s0 =	sor.u32 s19, s26;
	v8 =	vld.idx.msk [tilespmem:v27+s3+$0x0], $0xffff;
	[tilespmem:s28+$0x0] =	vst v13  }
0x359: {  	v33 =	vadd.s32 $0xEC00, v3;
	s30 =	sor.u32 s13, s29;
	[tilespmem:s0+$0x0] =	vst v9;
	v13 =	vld.idx.msk [tilespmem:v28+s3+$0x0], $0xffff  }
0x35a: {  	v34 =	vadd.s32 $0xEC00, v6;
	s31 =	sor.u32 $0x17300, s17;
	[tilespmem:s30+$0x0] =	vst v15;
	s1 =	sor.u32 s12, s29;
	v11 =	vld.idx.msk [tilespmem:v29+s3+$0x0], $0xffff  }
0x35b: {  	v35 =	vadd.s32 $0xEC00, v5;
	s2 =	sor.u32 s16, s31;
	v15 =	vld.idx.msk [tilespmem:v30+s3+$0x0], $0xffff;
	[tilespmem:s1+$0x0] =	vst v2  }
0x35c: {  	v36 =	vadd.s32 $0xF000, v1;
	s4 =	sor.u32 $0x17300, s20;
	v10 =	vld.idx.msk [tilespmem:v31+s3+$0x0], $0xffff;
	s0 =	sor.u32 s15, s31;
	[tilespmem:s2+$0x0] =	vst v12  }
0x35d: {  	v37 =	vadd.s32 $0xF000, v0;
	s5 =	sor.u32 s18, s4;
	[tilespmem:s0+$0x0] =	vst v8;
	v7 =	vld.idx.msk [tilespmem:v32+s3+$0x0], $0xffff  }
0x35e: {  	v38 =	vadd.s32 $0xF000, v4;
	s6 =	sor.u32 $0x17380, s14;
	s1 =	sor.u32 s19, s4;
	v9 =	vld.idx.msk [tilespmem:v33+s3+$0x0], $0xffff;
	[tilespmem:s5+$0x0] =	vst v13  }
0x35f: {  	v39 =	vadd.s32 $0xF000, v3;
	s7 =	sor.u32 s13, s6;
	[tilespmem:s1+$0x0] =	vst v11;
	v13 =	vld.idx.msk [tilespmem:v34+s3+$0x0], $0xffff  }
0x360: {  	v40 =	vadd.s32 $0xF000, v6;
	s8 =	sor.u32 $0x17380, s17;
	[tilespmem:s7+$0x0] =	vst v15;
	s0 =	sor.u32 s12, s6;
	v2 =	vld.idx.msk [tilespmem:v35+s3+$0x0], $0xffff  }
0x361: {  	v41 =	vadd.s32 $0xF000, v5;
	s9 =	sor.u32 s16, s8;
	v15 =	vld.idx.msk [tilespmem:v36+s3+$0x0], $0xffff;
	[tilespmem:s0+$0x0] =	vst v10  }
0x362: {  	v42 =	vadd.s32 $0xF400, v1;
	s10 =	sor.u32 $0x17380, s20;
	v12 =	vld.idx.msk [tilespmem:v37+s3+$0x0], $0xffff;
	s1 =	sor.u32 s15, s8;
	[tilespmem:s9+$0x0] =	vst v7  }
0x363: {  	v43 =	vadd.s32 $0xF400, v0;
	s11 =	sor.u32 s18, s10;
	[tilespmem:s1+$0x0] =	vst v9;
	v8 =	vld.idx.msk [tilespmem:v38+s3+$0x0], $0xffff  }
0x364: {  	v44 =	vadd.s32 $0xF400, v4;
	s21 =	sadd.s32 $0x17400, s14;
	s0 =	sor.u32 s19, s10;
	v11 =	vld.idx.msk [tilespmem:v39+s3+$0x0], $0xffff;
	[tilespmem:s11+$0x0] =	vst v13  }
0x365: {  	v45 =	vadd.s32 $0xF400, v3;
	s22 =	sor.u32 s13, s21;
	[tilespmem:s0+$0x0] =	vst v2;
	v13 =	vld.idx.msk [tilespmem:v40+s3+$0x0], $0xffff  }
0x366: {  	v46 =	vadd.s32 $0xF400, v6;
	s23 =	sadd.s32 $0x17400, s17;
	[tilespmem:s22+$0x0] =	vst v15;
	s1 =	sor.u32 s12, s21;
	v10 =	vld.idx.msk [tilespmem:v41+s3+$0x0], $0xffff  }
0x367: {  	v47 =	vadd.s32 $0xF400, v5;
	s24 =	sor.u32 s16, s23;
	v15 =	vld.idx.msk [tilespmem:v42+s3+$0x0], $0xffff;
	[tilespmem:s1+$0x0] =	vst v12  }
0x368: {  	v48 =	vadd.s32 $0xF800, v1;
	s25 =	sadd.s32 $0x17400, s20;
	v7 =	vld.idx.msk [tilespmem:v43+s3+$0x0], $0xffff;
	s0 =	sor.u32 s15, s23;
	[tilespmem:s24+$0x0] =	vst v8  }
0x369: {  	v49 =	vadd.s32 $0xF800, v0;
	s26 =	sor.u32 s18, s25;
	[tilespmem:s0+$0x0] =	vst v11;
	v9 =	vld.idx.msk [tilespmem:v44+s3+$0x0], $0xffff  }
0x36a: {  	v50 =	vadd.s32 $0xF800, v4;
	s28 =	sadd.s32 $0x17480, s14;
	s1 =	sor.u32 s19, s25;
	v2 =	vld.idx.msk [tilespmem:v45+s3+$0x0], $0xffff;
	[tilespmem:s26+$0x0] =	vst v13  }
0x36b: {  	v51 =	vadd.s32 $0xF800, v3;
	s29 =	sor.u32 s13, s28;
	[tilespmem:s1+$0x0] =	vst v10;
	v13 =	vld.idx.msk [tilespmem:v46+s3+$0x0], $0xffff  }
0x36c: {  	v52 =	vadd.s32 $0xF800, v6;
	s30 =	sadd.s32 $0x17480, s17;
	[tilespmem:s29+$0x0] =	vst v15;
	s0 =	sor.u32 s12, s28;
	v12 =	vld.idx.msk [tilespmem:v47+s3+$0x0], $0xffff  }
0x36d: {  	v53 =	vadd.s32 $0xF800, v5;
	s31 =	sor.u32 s16, s30;
	v15 =	vld.idx.msk [tilespmem:v48+s3+$0x0], $0xffff;
	[tilespmem:s0+$0x0] =	vst v7  }
0x36e: {  	v54 =	vadd.s32 $0xFC00, v1;
	s4 =	sadd.s32 $0x17480, s20;
	s2 =	sor.u32 s15, s30;
	v8 =	vld.idx.msk [tilespmem:v49+s3+$0x0], $0xffff;
	[tilespmem:s31+$0x0] =	vst v9  }
0x36f: {  	v55 =	vadd.s32 $0xFC00, v0;
	s5 =	sor.u32 s18, s4;
	[tilespmem:s2+$0x0] =	vst v2;
	v9 =	vld.idx.msk [tilespmem:v50+s3+$0x0], $0xffff  }
0x370: {  	v56 =	vadd.s32 $0xFC00, v4;
	s6 =	sadd.s32 $0x17500, s14;
	s1 =	sor.u32 s19, s4;
	v57 =	vld.idx.msk [tilespmem:v51+s3+$0x0], $0xffff;
	[tilespmem:s5+$0x0] =	vst v13  }
0x371: {  	v58 =	vadd.s32 $0xFC00, v3;
	s7 =	sor.u32 s13, s6;
	[tilespmem:s1+$0x0] =	vst v12;
	v59 =	vld.idx.msk [tilespmem:v52+s3+$0x0], $0xffff  }
0x372: {  	v60 =	vadd.s32 $0xFC00, v6;
	s8 =	sadd.s32 $0x17500, s17;
	s0 =	sor.u32 s12, s6;
	[tilespmem:s7+$0x0] =	vst v15;
	v7 =	vld.idx.msk [tilespmem:v53+s3+$0x0], $0xffff  }
0x373: {  	v61 =	vadd.s32 $0xFC00, v5;
	s9 =	sor.u32 s16, s8;
	v1 =	vld.idx.msk [tilespmem:v54+s3+$0x0], $0xffff;
	[tilespmem:s0+$0x0] =	vst v8  }
0x374: {  	s10 =	sadd.s32 $0x17500, s20;
	v0 =	vld.idx.msk [tilespmem:v55+s3+$0x0], $0xffff;
	s1 =	sor.u32 s15, s8;
	[tilespmem:s9+$0x0] =	vst v9  }
0x375: {  	s11 =	sor.u32 s18, s10;
	[tilespmem:s1+$0x0] =	vst v57;
	v2 =	vld.idx.msk [tilespmem:v56+s3+$0x0], $0xffff  }
0x376: {  	s14 =	sadd.s32 $0x17580, s14;
	s0 =	sor.u32 s19, s10;
	v3 =	vld.idx.msk [tilespmem:v58+s3+$0x0], $0xffff;
	[tilespmem:s11+$0x0] =	vst v59  }
0x377: {  	s21 =	sor.u32 s13, s14;
	[tilespmem:s0+$0x0] =	vst v7;
	v62 =	vld.idx.msk [tilespmem:v60+s3+$0x0], $0xffff  }
0x378: {  	s22 =	sadd.s32 $0x17580, s17;
	[tilespmem:s21+$0x0] =	vst v1;
	s1 =	sor.u32 s12, s14;
	v63 =	vld.idx.msk [tilespmem:v61+s3+$0x0], $0xffff  }
0x379: {  	s23 =	sor.u32 s16, s22;
	[tilespmem:s1+$0x0] =	vst v0  }
0x37a: {  	s24 =	sadd.s32 $0x17580, s20;
	s0 =	sor.u32 s15, s22;
	[tilespmem:s23+$0x0] =	vst v2  }
0x37b: {  	s25 =	sor.u32 s18, s24;
	[tilespmem:s0+$0x0] =	vst v3  }
0x37c: {  	s1 =	sor.u32 s19, s24;
	[tilespmem:s25+$0x0] =	vst v62  }
0x37d: {  	s29 =	simm.s32 $0x10200;
	s28 =	simm.s32 $0x2000;
	[tilespmem:s1+$0x0] =	vst v63  }
0x37e: {  	s26 =	simm.s32 $0x1000;
	s4 =	simm.s32 $0x1;
	s0 =	rddreg [dreg:$0x5]  }
0x37f: {  	[hbm4b:s0+s26] =	stream.strided.scatter [tilespmem:s29], [sflag:$0x1], $0x8000, s28, s26, $0x38;
	[tilespmem:$0x18200] =	vst v63  }
0x380: {  	_ =	swait.ge [sflag:s4], $0x8000  }
0x381: {  	s30 =	rddreg [dreg:$0x7]  }
0x382: {  	s31 =	rddreg [dreg:$0x6];
	s1 =	sadd.s32 $0x1, s30  }
0x383: {  	p0 =	sne.s32 s1, s31  }
.Ltmp1:
0x384: {  	_ = 	snop;
	(pc) =	sbr.rel @p0 .LBB2_1-.Ltmp1, $3  }
0x385: {  	_ =	sdelay $0x1  }
0x386: {  	[sflag:s4] =	ssyncset.done $0x0  }
0x387: {  	[sflag:s4] =	ssyncadd.s32 $0xFFFF8000  }
0x388: {  	_ =	sfence.sel $0x180000  }
0x389: {  	[bflag:$0x0] =	sbarrier.arrive $0xFFFF  }
0x38a: {  	_ =	strace $0x90000047  }
0x38b: {  	s0 =	stileid.u32;
	[bflag:$0x2] =	sbarrier.arrive $0xFFFF  }
0x38c: {  	p0 =	sne.s32 s0, $0x0;
	s0 =	rddreg [dreg:$0x2]  }
0x38d: {  	s0 =	sadd.s32 @!p0 $0x100000, s0  }
0x38e: {  	[sflag:s0] =	ssyncadd.tile.s32 @!p0 $0x1;
	_ =	shalt  }
.Lfunc_end2:
_tile_overlayer_lowered:
.L_overlay_start_2:
0x38f: {  	(tag) =	ssettag $0x2  }
0x390: {  	s0 =	rddreg [dreg:$0x0];
	s2 =	stileid.u32  }
0x391: {  	s1 =	rddreg [dreg:$0x1];
	p0 =	sne.s32 s2, $0x0  }
0x392: {  	s3 =	rddreg [dreg:$0x2];
	[bflag:$0x3] =	sbarrier.arrive $0xFFFF;
	s2 =	simm.s32 @!p0 $0x1C01  }
0x393: {  	[timem:s3], [sflag:s2] =	dma.local @!p0 [hbm:s0], s1  }
0x394: {  	s0 =	simm.s32 @!p0 $0x1  }
0x395: {  	_ =	swait.ge @!p0 [sflag:s0], s1  }
0x396: {  	s1 =	ssub.s32 @!p0 $0x0, s1;
	[sflag:s0] =	ssyncset.done @!p0 $0x0  }
0x397: {  	[sflag:s0] =	ssyncadd.s32 @!p0 s1  }
0x398: {  	[bflag:$0x3] =	sbarrier.arrive $0xFFFF  }
0x399: {  	_ =	shalt  }

</sc_bundles>
